<compile_context>
chip_gen: v7x
topology: tpu7x:2x2x1
jax: 0.10.2.dev20260603
libtpu: 0.0.44.dev20260713+nightly
codegen_flags: <defaults>
</compile_context>

<pallas_src>
import functools

import jax
import jax.numpy as jnp
from jax import lax
from jax.experimental import pallas as pl
from jax.experimental.pallas import tpu as pltpu
from jax.experimental.pallas import tpu_sc as plsc


def _lse_block(x_ref, o_ref):
    x = x_ref[...]
    m = jnp.max(x, axis=1)
    s = jnp.sum(jnp.exp(x - m[:, None]), axis=1)
    o_ref[0, 0, :] = m + jnp.log(s)


def _row_lse(table):
    v, c = table.shape
    rows = 256
    grid = v // rows
    out = pl.pallas_call(
        _lse_block,
        grid=(grid,),
        in_specs=[pl.BlockSpec((rows, c), lambda i: (i, 0))],
        out_specs=pl.BlockSpec((1, 1, rows), lambda i: (i, 0, 0)),
        out_shape=jax.ShapeDtypeStruct((grid, 1, rows), jnp.float32),
    )(table)
    return out.reshape(-1)


def _make_sc_gather(n, vocab, c, nc, ns, lanes):
    nw = nc * ns
    npw = n // nw
    ch = 8
    nch = npw // ch
    nbuf = 3
    gch = 128
    ngch = npw // gch
    ngrp = nch // nbuf
    nrem = nch - ngrp * nbuf
    mesh = plsc.VectorSubcoreMesh(core_axis_name="c", subcore_axis_name="s")

    @functools.partial(
        pl.kernel,
        mesh=mesh,
        out_type=[
            jax.ShapeDtypeStruct((n, c), jnp.float32),
            jax.ShapeDtypeStruct((nw, lanes), jnp.float32),
            jax.ShapeDtypeStruct((nc, vocab), jnp.float32),
        ],
        scratch_types=[
            pltpu.VMEM((npw,), jnp.int32),
            pltpu.VMEM((ngch, gch), jnp.int32),
            pltpu.VMEM((npw + lanes,), jnp.int32),
            pltpu.VMEM((gch,), jnp.float32),
            pltpu.VMEM((vocab,), jnp.float32),
            [pltpu.VMEM((ch, c), jnp.float32) for _ in range(nbuf)],
            pltpu.VMEM((lanes,), jnp.float32),
            pltpu.VMEM_SHARED((vocab,), jnp.float32),
            [pltpu.SemaphoreType.DMA for _ in range(nbuf)],
            [pltpu.SemaphoreType.DMA for _ in range(nbuf)],
            pltpu.SemaphoreType.DMA,
        ],
        compiler_params=pltpu.CompilerParams(needs_layout_passes=False),
    )
    def sc_kernel(idx_hbm, tgt_hbm, table_hbm, out_hbm, part_hbm, cnt_hbm,
                  idx_v, idx2_v, tgt_v, ones_v, stage_v, bufs, acc_v,
                  hist_s, semg, sems, semx):
        cid = lax.axis_index("c")
        sid = lax.axis_index("s")
        wid = sid * nc + cid
        base = wid * npw
        pltpu.sync_copy(idx_hbm.at[pl.ds(base, npw)], idx_v)
        pltpu.sync_copy(tgt_hbm.at[pl.ds(base, npw)], tgt_v.at[pl.ds(0, npw)])
        lane = lax.iota(jnp.int32, lanes)
        tgt_v[pl.ds(npw, lanes)] = jnp.zeros((lanes,), jnp.int32)

        def start_gather(b, ci):
            off = pl.multiple_of(ci * ch, 8)
            pltpu.async_copy(
                table_hbm.at[idx_v.at[pl.ds(off, ch)]], bufs[b], semg[b])

        def wait_gather(b, ci):
            off = pl.multiple_of(ci * ch, 8)
            pltpu.make_async_copy(
                table_hbm.at[idx_v.at[pl.ds(off, ch)]], bufs[b],
                semg[b]).wait()

        def start_store(b, ci):
            off = pl.multiple_of(ci * ch, 8)
            pltpu.async_copy(bufs[b], out_hbm.at[pl.ds(base + off, ch)],
                             sems[b])

        def wait_store(b, ci):
            off = pl.multiple_of(ci * ch, 8)
            pltpu.make_async_copy(bufs[b], out_hbm.at[pl.ds(base + off, ch)],
                                  sems[b]).wait()

        def chunk_tval(b, ci, acc):
            off = pl.multiple_of(ci * ch, 8)
            tgt16 = tgt_v[pl.ds(off, lanes)]
            row16 = jnp.bitwise_and(lane, ch - 1)
            tval16 = plsc.load_gather(bufs[b], [row16, tgt16])
            return acc + jnp.where(lane < ch, tval16, 0.0)

        for b in range(nbuf):
            start_gather(b, b)

        one16 = jnp.full((lanes,), 1.0, jnp.float32)
        zero16 = jnp.zeros((lanes,), jnp.float32)
        for j in range(gch // lanes):
            ones_v[pl.ds(j * lanes, lanes)] = one16
        for j in range(vocab // lanes):
            stage_v[pl.ds(j * lanes, lanes)] = zero16

        @pl.when(sid == 0)
        def _():
            pltpu.sync_copy(stage_v, hist_s)

        for j in range(ngch):
            pltpu.sync_copy(idx_hbm.at[pl.ds(base + j * gch, gch)],
                            idx2_v.at[j])
        plsc.subcore_barrier()
        for j in range(ngch):
            pltpu.sync_copy(ones_v, hist_s.at[idx2_v.at[j]], add=True)

        def body(k, acc):
            for b in range(nbuf):
                ci = k * nbuf + b
                wait_gather(b, ci)
                start_store(b, ci)
                acc = chunk_tval(b, ci, acc)
            for b in range(nbuf):
                ci = k * nbuf + b

                @pl.when(ci + nbuf < nch)
                def _():
                    wait_store(b, ci)
                    start_gather(b, ci + nbuf)
            return acc

        acc = lax.fori_loop(0, ngrp, body, jnp.zeros((lanes,), jnp.float32))
        for r in range(nrem):
            ci = ngrp * nbuf + r
            wait_gather(r, ci)
            start_store(r, ci)
            acc = chunk_tval(r, ci, acc)
        for b in range(nbuf):
            if b < nrem:
                wait_store(b, ngrp * nbuf + b)
            else:
                wait_store(b, (ngrp - 1) * nbuf + b)
        acc_v[...] = acc
        pltpu.sync_copy(acc_v, part_hbm.at[wid])
        plsc.subcore_barrier()

        @pl.when(sid == 0)
        def _():
            pltpu.sync_copy(hist_s, cnt_hbm.at[cid])

    return sc_kernel


def kernel(index, targets, table):
    b, t = index.shape
    vocab, c = table.shape
    n = b * t
    idx = index.reshape(-1).astype(jnp.int32)
    tgt = targets.reshape(-1).astype(jnp.int32)
    info = plsc.get_sparse_core_info()
    nc, ns, lanes = info.num_cores, info.num_subcores, info.num_lanes
    sc = _make_sc_gather(n, vocab, c, nc, ns, lanes)
    logits, tpart, counts = sc(idx, tgt, table)
    lse = _row_lse(table)
    loss = (jnp.dot(jnp.sum(counts, axis=0), lse) - jnp.sum(tpart)) / n
    return (logits, loss)

# --- scband reference (transcript-rebuilt; emitter-appended) ---
"""Pipeline reference for scband-bigram-language-model-6631429505694 (READ-ONLY COPY).

The authoritative reference and input builder live on the scoring server;
editing this copy changes nothing except your own understanding.
"""

import jax, jax.numpy as jnp
import numpy as np

VOCAB = 4096
B = 8
T = 2048


def setup_inputs(seed: int = 0) -> dict:
    key = jax.random.key(seed)
    k1, k2, k3 = jax.random.split(key, 3)
    index = jax.random.randint(k1, (B, T), 0, VOCAB)
    targets = jax.random.randint(k2, (B, T), 0, VOCAB)
    # learned parameter: nn.Embedding(vocab_size, vocab_size) weight
    table = jax.random.normal(k3, (VOCAB, VOCAB), dtype=jnp.float32)
    return {"index": index, "targets": targets, "table": table}


def reference(index, targets, table):
    # logits = self.token_embedding_table(index)  -> gather rows of table
    logits = jnp.take(table, index, axis=0)  # [B, T, C]
    bdim, tdim, cdim = logits.shape
    logits = logits.reshape(bdim * tdim, cdim)
    t = targets.reshape(bdim * tdim)
    # F.cross_entropy(logits, targets) with default mean reduction
    logp = jax.nn.log_softmax(logits, axis=-1)
    nll = -jnp.take_along_axis(logp, t[:, None], axis=1)[:, 0]
    loss = jnp.mean(nll)
    return (logits, loss)

if __name__ == "__main__":
    import jax
    _d = setup_inputs()
    print(jax.jit(kernel)(*tuple(_d.values())))

</pallas_src>

<mosaic_0001>
#map = affine_map<(d0, d1) -> (0)>
#map1 = affine_map<(d0, d1) -> (0, 0)>
module attributes {stable_mosaic.version = 14 : i64} {
  func.func @sc_kernel(%arg0: i32, %arg1: i32, %arg2: memref<16384xi32, #tpu.memory_space<hbm>>, %arg3: memref<16384xi32, #tpu.memory_space<hbm>>, %arg4: memref<4096x4096xf32, #tpu.memory_space<hbm>>, %arg5: memref<16384x4096xf32, #tpu.memory_space<hbm>>, %arg6: memref<32x16xf32, #tpu.memory_space<hbm>>, %arg7: memref<2x4096xf32, #tpu.memory_space<hbm>>, %arg8: memref<512xi32, #tpu.memory_space<vmem>>, %arg9: memref<4x128xi32, #tpu.memory_space<vmem>>, %arg10: memref<528xi32, #tpu.memory_space<vmem>>, %arg11: memref<128xf32, #tpu.memory_space<vmem>>, %arg12: memref<4096xf32, #tpu.memory_space<vmem>>, %arg13: memref<8x4096xf32, #tpu.memory_space<vmem>>, %arg14: memref<8x4096xf32, #tpu.memory_space<vmem>>, %arg15: memref<8x4096xf32, #tpu.memory_space<vmem>>, %arg16: memref<16xf32, #tpu.memory_space<vmem>>, %arg17: memref<4096xf32, #tpu.memory_space<vmem_shared>>, %arg18: memref<!tpu.dma_semaphore, #tpu.memory_space<semaphore_mem>>, %arg19: memref<!tpu.dma_semaphore, #tpu.memory_space<semaphore_mem>>, %arg20: memref<!tpu.dma_semaphore, #tpu.memory_space<semaphore_mem>>, %arg21: memref<!tpu.dma_semaphore, #tpu.memory_space<semaphore_mem>>, %arg22: memref<!tpu.dma_semaphore, #tpu.memory_space<semaphore_mem>>, %arg23: memref<!tpu.dma_semaphore, #tpu.memory_space<semaphore_mem>>, %arg24: memref<!tpu.dma_semaphore, #tpu.memory_space<semaphore_mem>>) attributes {dimension_semantics = [#tpu.dimension_semantics<core_parallel>, #tpu.dimension_semantics<subcore_parallel>], iteration_bounds = array<i64: 2, 16>, scalar_prefetch = 0 : i64, scratch_operands = 17 : i64, tpu.core_type = #tpu.core_type<sc_vector_subcore>, window_params = [{transform_indices = #map}, {transform_indices = #map}, {transform_indices = #map1}, {transform_indices = #map1}, {transform_indices = #map1}, {transform_indices = #map1}]} {
    %mul3A = arith.constant 2 : i32
    %mul3A_0 = arith.muli %arg1, %mul3A : i32
    %add3A = arith.addi %mul3A_0, %arg0 : i32
    %mul3A_1 = arith.constant 512 : i32
    %mul3A_2 = arith.muli %add3A, %mul3A_1 : i32
    "tpu.region"() ({
      %run_scoped3A_627 = tpu.sem_alloc : memref<!tpu.dma_semaphore, #tpu.memory_space<semaphore_mem>>
      %dma_start3A_628 = tpu.memref_slice %arg2[%mul3A_2] : memref<16384xi32, #tpu.memory_space<hbm>> -> memref<512xi32, #tpu.memory_space<hbm>>
      %dma_start3A_629 = tpu.memref_slice %arg2[%mul3A_2] : memref<16384xi32, #tpu.memory_space<hbm>> -> memref<512xi32, #tpu.memory_space<hbm>>
      tpu.enqueue_dma source(%dma_start3A_629 : memref<512xi32, #tpu.memory_space<hbm>>) target(%arg8 : memref<512xi32, #tpu.memory_space<vmem>>) target_semaphore(%run_scoped3A_627 : memref<!tpu.dma_semaphore, #tpu.memory_space<semaphore_mem>>)
      %dma_wait3A_630 = tpu.memref_slice %arg2[%mul3A_2] : memref<16384xi32, #tpu.memory_space<hbm>> -> memref<512xi32, #tpu.memory_space<hbm>>
      %dma_wait3A_631 = tpu.memref_slice %arg2[%mul3A_2] : memref<16384xi32, #tpu.memory_space<hbm>> -> memref<512xi32, #tpu.memory_space<hbm>>
      tpu.wait_dma2 semaphore(%run_scoped3A_627 : memref<!tpu.dma_semaphore, #tpu.memory_space<semaphore_mem>>) src(%dma_wait3A_631 : memref<512xi32, #tpu.memory_space<hbm>>) dst(%arg8 : memref<512xi32, #tpu.memory_space<vmem>>)
      tpu.yield
    }) : () -> ()
    "tpu.region"() ({
      %run_scoped3A_627 = tpu.sem_alloc : memref<!tpu.dma_semaphore, #tpu.memory_space<semaphore_mem>>
      %dma_start3A_628 = arith.constant 0 : i32
      %dma_start3A_629 = tpu.memref_slice %arg10[%dma_start3A_628] : memref<528xi32, #tpu.memory_space<vmem>> -> memref<512xi32, #tpu.memory_space<vmem>>
      %dma_start3A_630 = tpu.memref_slice %arg3[%mul3A_2] : memref<16384xi32, #tpu.memory_space<hbm>> -> memref<512xi32, #tpu.memory_space<hbm>>
      %dma_start3A_631 = arith.constant 0 : i32
      %dma_start3A_632 = tpu.memref_slice %arg10[%dma_start3A_631] : memref<528xi32, #tpu.memory_space<vmem>> -> memref<512xi32, #tpu.memory_space<vmem>>
      %dma_start3A_633 = tpu.memref_slice %arg3[%mul3A_2] : memref<16384xi32, #tpu.memory_space<hbm>> -> memref<512xi32, #tpu.memory_space<hbm>>
      tpu.enqueue_dma source(%dma_start3A_633 : memref<512xi32, #tpu.memory_space<hbm>>) target(%dma_start3A_632 : memref<512xi32, #tpu.memory_space<vmem>>) target_semaphore(%run_scoped3A_627 : memref<!tpu.dma_semaphore, #tpu.memory_space<semaphore_mem>>)
      %dma_wait3A_634 = arith.constant 0 : i32
      %dma_wait3A_635 = tpu.memref_slice %arg10[%dma_wait3A_634] : memref<528xi32, #tpu.memory_space<vmem>> -> memref<512xi32, #tpu.memory_space<vmem>>
      %dma_wait3A_636 = tpu.memref_slice %arg3[%mul3A_2] : memref<16384xi32, #tpu.memory_space<hbm>> -> memref<512xi32, #tpu.memory_space<hbm>>
      %dma_wait3A_637 = arith.constant 0 : i32
      %dma_wait3A_638 = tpu.memref_slice %arg10[%dma_wait3A_637] : memref<528xi32, #tpu.memory_space<vmem>> -> memref<512xi32, #tpu.memory_space<vmem>>
      %dma_wait3A_639 = tpu.memref_slice %arg3[%mul3A_2] : memref<16384xi32, #tpu.memory_space<hbm>> -> memref<512xi32, #tpu.memory_space<hbm>>
      tpu.wait_dma2 semaphore(%run_scoped3A_627 : memref<!tpu.dma_semaphore, #tpu.memory_space<semaphore_mem>>) src(%dma_wait3A_639 : memref<512xi32, #tpu.memory_space<hbm>>) dst(%dma_wait3A_638 : memref<512xi32, #tpu.memory_space<vmem>>)
      tpu.yield
    }) : () -> ()
    %iota3A = tpu.iota {dimensions = array<i32: 0>} : vector<16xi32>
    %broadcast_in_dim3A = arith.constant 0 : i32
    %broadcast_in_dim3A_3 = vector.broadcast %broadcast_in_dim3A : i32 to vector<16xi32>
    %swap3A = arith.constant 512 : index
    %swap3A_4 = tpu.vector_load %arg10[%swap3A] {strides = array<i32>} : memref<528xi32, #tpu.memory_space<vmem>>, vector<16xi32>,
    tpu.vector_store %arg10[%swap3A], %broadcast_in_dim3A_3 {strides = array<i32>} : memref<528xi32, #tpu.memory_space<vmem>>, vector<16xi32>,
    %multiple_of3A = arith.constant 0 : i32
    %multiple_of3A_5 = tpu.assume_multiple %multiple_of3A, 8 : i32
    %dma_start3A = tpu.memref_slice %arg8[%multiple_of3A_5] : memref<512xi32, #tpu.memory_space<vmem>> -> memref<8xi32, #tpu.memory_space<vmem>>
    %dma_start3A_6 = arith.constant 0 : i32
    %dma_start3A_7 = arith.constant 0 : i32
    %dma_start3A_8 = tpu.memref_slice %arg4[%dma_start3A_6, %dma_start3A_7] : memref<4096x4096xf32, #tpu.memory_space<hbm>> -> memref<4096x4096xf32, #tpu.memory_space<hbm>>
    tpu.enqueue_indirect_dma source(%dma_start3A_8 : memref<4096x4096xf32, #tpu.memory_space<hbm>>) target(%arg13 : memref<8x4096xf32, #tpu.memory_space<vmem>>) offsets(%dma_start3A : memref<8xi32, #tpu.memory_space<vmem>>) semaphore(%arg18 : memref<!tpu.dma_semaphore, #tpu.memory_space<semaphore_mem>>)
    %multiple_of3A_9 = arith.constant 8 : i32
    %multiple_of3A_10 = tpu.assume_multiple %multiple_of3A_9, 8 : i32
    %dma_start3A_11 = tpu.memref_slice %arg8[%multiple_of3A_10] : memref<512xi32, #tpu.memory_space<vmem>> -> memref<8xi32, #tpu.memory_space<vmem>>
    %dma_start3A_12 = arith.constant 0 : i32
    %dma_start3A_13 = arith.constant 0 : i32
    %dma_start3A_14 = tpu.memref_slice %arg4[%dma_start3A_12, %dma_start3A_13] : memref<4096x4096xf32, #tpu.memory_space<hbm>> -> memref<4096x4096xf32, #tpu.memory_space<hbm>>
    tpu.enqueue_indirect_dma source(%dma_start3A_14 : memref<4096x4096xf32, #tpu.memory_space<hbm>>) target(%arg14 : memref<8x4096xf32, #tpu.memory_space<vmem>>) offsets(%dma_start3A_11 : memref<8xi32, #tpu.memory_space<vmem>>) semaphore(%arg19 : memref<!tpu.dma_semaphore, #tpu.memory_space<semaphore_mem>>)
    %multiple_of3A_15 = arith.constant 16 : i32
    %multiple_of3A_16 = tpu.assume_multiple %multiple_of3A_15, 8 : i32
    %dma_start3A_17 = tpu.memref_slice %arg8[%multiple_of3A_16] : memref<512xi32, #tpu.memory_space<vmem>> -> memref<8xi32, #tpu.memory_space<vmem>>
    %dma_start3A_18 = arith.constant 0 : i32
    %dma_start3A_19 = arith.constant 0 : i32
    %dma_start3A_20 = tpu.memref_slice %arg4[%dma_start3A_18, %dma_start3A_19] : memref<4096x4096xf32, #tpu.memory_space<hbm>> -> memref<4096x4096xf32, #tpu.memory_space<hbm>>
    tpu.enqueue_indirect_dma source(%dma_start3A_20 : memref<4096x4096xf32, #tpu.memory_space<hbm>>) target(%arg15 : memref<8x4096xf32, #tpu.memory_space<vmem>>) offsets(%dma_start3A_17 : memref<8xi32, #tpu.memory_space<vmem>>) semaphore(%arg20 : memref<!tpu.dma_semaphore, #tpu.memory_space<semaphore_mem>>)
    %broadcast_in_dim3A_21 = arith.constant 1.000000e+00 : f32
    %broadcast_in_dim3A_22 = vector.broadcast %broadcast_in_dim3A_21 : f32 to vector<16xf32>
    %broadcast_in_dim3A_23 = arith.constant 0.000000e+00 : f32
    %broadcast_in_dim3A_24 = vector.broadcast %broadcast_in_dim3A_23 : f32 to vector<16xf32>
    %swap3A_25 = arith.constant 0 : index
    %swap3A_26 = tpu.vector_load %arg11[%swap3A_25] {strides = array<i32>} : memref<128xf32, #tpu.memory_space<vmem>>, vector<16xf32>,
    tpu.vector_store %arg11[%swap3A_25], %broadcast_in_dim3A_22 {strides = array<i32>} : memref<128xf32, #tpu.memory_space<vmem>>, vector<16xf32>,
    %swap3A_27 = arith.constant 16 : index
    %swap3A_28 = tpu.vector_load %arg11[%swap3A_27] {strides = array<i32>} : memref<128xf32, #tpu.memory_space<vmem>>, vector<16xf32>,
    tpu.vector_store %arg11[%swap3A_27], %broadcast_in_dim3A_22 {strides = array<i32>} : memref<128xf32, #tpu.memory_space<vmem>>, vector<16xf32>,
    %swap3A_29 = arith.constant 32 : index
    %swap3A_30 = tpu.vector_load %arg11[%swap3A_29] {strides = array<i32>} : memref<128xf32, #tpu.memory_space<vmem>>, vector<16xf32>,
    tpu.vector_store %arg11[%swap3A_29], %broadcast_in_dim3A_22 {strides = array<i32>} : memref<128xf32, #tpu.memory_space<vmem>>, vector<16xf32>,
    %swap3A_31 = arith.constant 48 : index
    %swap3A_32 = tpu.vector_load %arg11[%swap3A_31] {strides = array<i32>} : memref<128xf32, #tpu.memory_space<vmem>>, vector<16xf32>,
    tpu.vector_store %arg11[%swap3A_31], %broadcast_in_dim3A_22 {strides = array<i32>} : memref<128xf32, #tpu.memory_space<vmem>>, vector<16xf32>,
    %swap3A_33 = arith.constant 64 : index
    %swap3A_34 = tpu.vector_load %arg11[%swap3A_33] {strides = array<i32>} : memref<128xf32, #tpu.memory_space<vmem>>, vector<16xf32>,
    tpu.vector_store %arg11[%swap3A_33], %broadcast_in_dim3A_22 {strides = array<i32>} : memref<128xf32, #tpu.memory_space<vmem>>, vector<16xf32>,
    %swap3A_35 = arith.constant 80 : index
    %swap3A_36 = tpu.vector_load %arg11[%swap3A_35] {strides = array<i32>} : memref<128xf32, #tpu.memory_space<vmem>>, vector<16xf32>,
    tpu.vector_store %arg11[%swap3A_35], %broadcast_in_dim3A_22 {strides = array<i32>} : memref<128xf32, #tpu.memory_space<vmem>>, vector<16xf32>,
    %swap3A_37 = arith.constant 96 : index
    %swap3A_38 = tpu.vector_load %arg11[%swap3A_37] {strides = array<i32>} : memref<128xf32, #tpu.memory_space<vmem>>, vector<16xf32>,
    tpu.vector_store %arg11[%swap3A_37], %broadcast_in_dim3A_22 {strides = array<i32>} : memref<128xf32, #tpu.memory_space<vmem>>, vector<16xf32>,
    %swap3A_39 = arith.constant 112 : index
    %swap3A_40 = tpu.vector_load %arg11[%swap3A_39] {strides = array<i32>} : memref<128xf32, #tpu.memory_space<vmem>>, vector<16xf32>,
    tpu.vector_store %arg11[%swap3A_39], %broadcast_in_dim3A_22 {strides = array<i32>} : memref<128xf32, #tpu.memory_space<vmem>>, vector<16xf32>,
    %swap3A_41 = arith.constant 0 : index
    %swap3A_42 = tpu.vector_load %arg12[%swap3A_41] {strides = array<i32>} : memref<4096xf32, #tpu.memory_space<vmem>>, vector<16xf32>,
    tpu.vector_store %arg12[%swap3A_41], %broadcast_in_dim3A_24 {strides = array<i32>} : memref<4096xf32, #tpu.memory_space<vmem>>, vector<16xf32>,
    %swap3A_43 = arith.constant 16 : index
    %swap3A_44 = tpu.vector_load %arg12[%swap3A_43] {strides = array<i32>} : memref<4096xf32, #tpu.memory_space<vmem>>, vector<16xf32>,
    tpu.vector_store %arg12[%swap3A_43], %broadcast_in_dim3A_24 {strides = array<i32>} : memref<4096xf32, #tpu.memory_space<vmem>>, vector<16xf32>,
    %swap3A_45 = arith.constant 32 : index
    %swap3A_46 = tpu.vector_load %arg12[%swap3A_45] {strides = array<i32>} : memref<4096xf32, #tpu.memory_space<vmem>>, vector<16xf32>,
    tpu.vector_store %arg12[%swap3A_45], %broadcast_in_dim3A_24 {strides = array<i32>} : memref<4096xf32, #tpu.memory_space<vmem>>, vector<16xf32>,
    %swap3A_47 = arith.constant 48 : index
    %swap3A_48 = tpu.vector_load %arg12[%swap3A_47] {strides = array<i32>} : memref<4096xf32, #tpu.memory_space<vmem>>, vector<16xf32>,
    tpu.vector_store %arg12[%swap3A_47], %broadcast_in_dim3A_24 {strides = array<i32>} : memref<4096xf32, #tpu.memory_space<vmem>>, vector<16xf32>,
    %swap3A_49 = arith.constant 64 : index
    %swap3A_50 = tpu.vector_load %arg12[%swap3A_49] {strides = array<i32>} : memref<4096xf32, #tpu.memory_space<vmem>>, vector<16xf32>,
    tpu.vector_store %arg12[%swap3A_49], %broadcast_in_dim3A_24 {strides = array<i32>} : memref<4096xf32, #tpu.memory_space<vmem>>, vector<16xf32>,
    %swap3A_51 = arith.constant 80 : index
    %swap3A_52 = tpu.vector_load %arg12[%swap3A_51] {strides = array<i32>} : memref<4096xf32, #tpu.memory_space<vmem>>, vector<16xf32>,
    tpu.vector_store %arg12[%swap3A_51], %broadcast_in_dim3A_24 {strides = array<i32>} : memref<4096xf32, #tpu.memory_space<vmem>>, vector<16xf32>,
    %swap3A_53 = arith.constant 96 : index
    %swap3A_54 = tpu.vector_load %arg12[%swap3A_53] {strides = array<i32>} : memref<4096xf32, #tpu.memory_space<vmem>>, vector<16xf32>,
    tpu.vector_store %arg12[%swap3A_53], %broadcast_in_dim3A_24 {strides = array<i32>} : memref<4096xf32, #tpu.memory_space<vmem>>, vector<16xf32>,
    %swap3A_55 = arith.constant 112 : index
    %swap3A_56 = tpu.vector_load %arg12[%swap3A_55] {strides = array<i32>} : memref<4096xf32, #tpu.memory_space<vmem>>, vector<16xf32>,
    tpu.vector_store %arg12[%swap3A_55], %broadcast_in_dim3A_24 {strides = array<i32>} : memref<4096xf32, #tpu.memory_space<vmem>>, vector<16xf32>,
    %swap3A_57 = arith.constant 128 : index
    %swap3A_58 = tpu.vector_load %arg12[%swap3A_57] {strides = array<i32>} : memref<4096xf32, #tpu.memory_space<vmem>>, vector<16xf32>,
    tpu.vector_store %arg12[%swap3A_57], %broadcast_in_dim3A_24 {strides = array<i32>} : memref<4096xf32, #tpu.memory_space<vmem>>, vector<16xf32>,
    %swap3A_59 = arith.constant 144 : index
    %swap3A_60 = tpu.vector_load %arg12[%swap3A_59] {strides = array<i32>} : memref<4096xf32, #tpu.memory_space<vmem>>, vector<16xf32>,
    tpu.vector_store %arg12[%swap3A_59], %broadcast_in_dim3A_24 {strides = array<i32>} : memref<4096xf32, #tpu.memory_space<vmem>>, vector<16xf32>,
    %swap3A_61 = arith.constant 160 : index
    %swap3A_62 = tpu.vector_load %arg12[%swap3A_61] {strides = array<i32>} : memref<4096xf32, #tpu.memory_space<vmem>>, vector<16xf32>,
    tpu.vector_store %arg12[%swap3A_61], %broadcast_in_dim3A_24 {strides = array<i32>} : memref<4096xf32, #tpu.memory_space<vmem>>, vector<16xf32>,
    %swap3A_63 = arith.constant 176 : index
    %swap3A_64 = tpu.vector_load %arg12[%swap3A_63] {strides = array<i32>} : memref<4096xf32, #tpu.memory_space<vmem>>, vector<16xf32>,
    tpu.vector_store %arg12[%swap3A_63], %broadcast_in_dim3A_24 {strides = array<i32>} : memref<4096xf32, #tpu.memory_space<vmem>>, vector<16xf32>,
    %swap3A_65 = arith.constant 192 : index
    %swap3A_66 = tpu.vector_load %arg12[%swap3A_65] {strides = array<i32>} : memref<4096xf32, #tpu.memory_space<vmem>>, vector<16xf32>,
    tpu.vector_store %arg12[%swap3A_65], %broadcast_in_dim3A_24 {strides = array<i32>} : memref<4096xf32, #tpu.memory_space<vmem>>, vector<16xf32>,
    %swap3A_67 = arith.constant 208 : index
    %swap3A_68 = tpu.vector_load %arg12[%swap3A_67] {strides = array<i32>} : memref<4096xf32, #tpu.memory_space<vmem>>, vector<16xf32>,
    tpu.vector_store %arg12[%swap3A_67], %broadcast_in_dim3A_24 {strides = array<i32>} : memref<4096xf32, #tpu.memory_space<vmem>>, vector<16xf32>,
    %swap3A_69 = arith.constant 224 : index
    %swap3A_70 = tpu.vector_load %arg12[%swap3A_69] {strides = array<i32>} : memref<4096xf32, #tpu.memory_space<vmem>>, vector<16xf32>,
    tpu.vector_store %arg12[%swap3A_69], %broadcast_in_dim3A_24 {strides = array<i32>} : memref<4096xf32, #tpu.memory_space<vmem>>, vector<16xf32>,
    %swap3A_71 = arith.constant 240 : index
    %swap3A_72 = tpu.vector_load %arg12[%swap3A_71] {strides = array<i32>} : memref<4096xf32, #tpu.memory_space<vmem>>, vector<16xf32>,
    tpu.vector_store %arg12[%swap3A_71], %broadcast_in_dim3A_24 {strides = array<i32>} : memref<4096xf32, #tpu.memory_space<vmem>>, vector<16xf32>,
    %swap3A_73 = arith.constant 256 : index
    %swap3A_74 = tpu.vector_load %arg12[%swap3A_73] {strides = array<i32>} : memref<4096xf32, #tpu.memory_space<vmem>>, vector<16xf32>,
    tpu.vector_store %arg12[%swap3A_73], %broadcast_in_dim3A_24 {strides = array<i32>} : memref<4096xf32, #tpu.memory_space<vmem>>, vector<16xf32>,
    %swap3A_75 = arith.constant 272 : index
    %swap3A_76 = tpu.vector_load %arg12[%swap3A_75] {strides = array<i32>} : memref<4096xf32, #tpu.memory_space<vmem>>, vector<16xf32>,
    tpu.vector_store %arg12[%swap3A_75], %broadcast_in_dim3A_24 {strides = array<i32>} : memref<4096xf32, #tpu.memory_space<vmem>>, vector<16xf32>,
    %swap3A_77 = arith.constant 288 : index
    %swap3A_78 = tpu.vector_load %arg12[%swap3A_77] {strides = array<i32>} : memref<4096xf32, #tpu.memory_space<vmem>>, vector<16xf32>,
    tpu.vector_store %arg12[%swap3A_77], %broadcast_in_dim3A_24 {strides = array<i32>} : memref<4096xf32, #tpu.memory_space<vmem>>, vector<16xf32>,
    %swap3A_79 = arith.constant 304 : index
    %swap3A_80 = tpu.vector_load %arg12[%swap3A_79] {strides = array<i32>} : memref<4096xf32, #tpu.memory_space<vmem>>, vector<16xf32>,
    tpu.vector_store %arg12[%swap3A_79], %broadcast_in_dim3A_24 {strides = array<i32>} : memref<4096xf32, #tpu.memory_space<vmem>>, vector<16xf32>,
    %swap3A_81 = arith.constant 320 : index
    %swap3A_82 = tpu.vector_load %arg12[%swap3A_81] {strides = array<i32>} : memref<4096xf32, #tpu.memory_space<vmem>>, vector<16xf32>,
    tpu.vector_store %arg12[%swap3A_81], %broadcast_in_dim3A_24 {strides = array<i32>} : memref<4096xf32, #tpu.memory_space<vmem>>, vector<16xf32>,
    %swap3A_83 = arith.constant 336 : index
    %swap3A_84 = tpu.vector_load %arg12[%swap3A_83] {strides = array<i32>} : memref<4096xf32, #tpu.memory_space<vmem>>, vector<16xf32>,
    tpu.vector_store %arg12[%swap3A_83], %broadcast_in_dim3A_24 {strides = array<i32>} : memref<4096xf32, #tpu.memory_space<vmem>>, vector<16xf32>,
    %swap3A_85 = arith.constant 352 : index
    %swap3A_86 = tpu.vector_load %arg12[%swap3A_85] {strides = array<i32>} : memref<4096xf32, #tpu.memory_space<vmem>>, vector<16xf32>,
    tpu.vector_store %arg12[%swap3A_85], %broadcast_in_dim3A_24 {strides = array<i32>} : memref<4096xf32, #tpu.memory_space<vmem>>, vector<16xf32>,
    %swap3A_87 = arith.constant 368 : index
    %swap3A_88 = tpu.vector_load %arg12[%swap3A_87] {strides = array<i32>} : memref<4096xf32, #tpu.memory_space<vmem>>, vector<16xf32>,
    tpu.vector_store %arg12[%swap3A_87], %broadcast_in_dim3A_24 {strides = array<i32>} : memref<4096xf32, #tpu.memory_space<vmem>>, vector<16xf32>,
    %swap3A_89 = arith.constant 384 : index
    %swap3A_90 = tpu.vector_load %arg12[%swap3A_89] {strides = array<i32>} : memref<4096xf32, #tpu.memory_space<vmem>>, vector<16xf32>,
    tpu.vector_store %arg12[%swap3A_89], %broadcast_in_dim3A_24 {strides = array<i32>} : memref<4096xf32, #tpu.memory_space<vmem>>, vector<16xf32>,
    %swap3A_91 = arith.constant 400 : index
    %swap3A_92 = tpu.vector_load %arg12[%swap3A_91] {strides = array<i32>} : memref<4096xf32, #tpu.memory_space<vmem>>, vector<16xf32>,
    tpu.vector_store %arg12[%swap3A_91], %broadcast_in_dim3A_24 {strides = array<i32>} : memref<4096xf32, #tpu.memory_space<vmem>>, vector<16xf32>,
    %swap3A_93 = arith.constant 416 : index
    %swap3A_94 = tpu.vector_load %arg12[%swap3A_93] {strides = array<i32>} : memref<4096xf32, #tpu.memory_space<vmem>>, vector<16xf32>,
    tpu.vector_store %arg12[%swap3A_93], %broadcast_in_dim3A_24 {strides = array<i32>} : memref<4096xf32, #tpu.memory_space<vmem>>, vector<16xf32>,
    %swap3A_95 = arith.constant 432 : index
    %swap3A_96 = tpu.vector_load %arg12[%swap3A_95] {strides = array<i32>} : memref<4096xf32, #tpu.memory_space<vmem>>, vector<16xf32>,
    tpu.vector_store %arg12[%swap3A_95], %broadcast_in_dim3A_24 {strides = array<i32>} : memref<4096xf32, #tpu.memory_space<vmem>>, vector<16xf32>,
    %swap3A_97 = arith.constant 448 : index
    %swap3A_98 = tpu.vector_load %arg12[%swap3A_97] {strides = array<i32>} : memref<4096xf32, #tpu.memory_space<vmem>>, vector<16xf32>,
    tpu.vector_store %arg12[%swap3A_97], %broadcast_in_dim3A_24 {strides = array<i32>} : memref<4096xf32, #tpu.memory_space<vmem>>, vector<16xf32>,
    %swap3A_99 = arith.constant 464 : index
    %swap3A_100 = tpu.vector_load %arg12[%swap3A_99] {strides = array<i32>} : memref<4096xf32, #tpu.memory_space<vmem>>, vector<16xf32>,
    tpu.vector_store %arg12[%swap3A_99], %broadcast_in_dim3A_24 {strides = array<i32>} : memref<4096xf32, #tpu.memory_space<vmem>>, vector<16xf32>,
    %swap3A_101 = arith.constant 480 : index
    %swap3A_102 = tpu.vector_load %arg12[%swap3A_101] {strides = array<i32>} : memref<4096xf32, #tpu.memory_space<vmem>>, vector<16xf32>,
    tpu.vector_store %arg12[%swap3A_101], %broadcast_in_dim3A_24 {strides = array<i32>} : memref<4096xf32, #tpu.memory_space<vmem>>, vector<16xf32>,
    %swap3A_103 = arith.constant 496 : index
    %swap3A_104 = tpu.vector_load %arg12[%swap3A_103] {strides = array<i32>} : memref<4096xf32, #tpu.memory_space<vmem>>, vector<16xf32>,
    tpu.vector_store %arg12[%swap3A_103], %broadcast_in_dim3A_24 {strides = array<i32>} : memref<4096xf32, #tpu.memory_space<vmem>>, vector<16xf32>,
    %swap3A_105 = arith.constant 512 : index
    %swap3A_106 = tpu.vector_load %arg12[%swap3A_105] {strides = array<i32>} : memref<4096xf32, #tpu.memory_space<vmem>>, vector<16xf32>,
    tpu.vector_store %arg12[%swap3A_105], %broadcast_in_dim3A_24 {strides = array<i32>} : memref<4096xf32, #tpu.memory_space<vmem>>, vector<16xf32>,
    %swap3A_107 = arith.constant 528 : index
    %swap3A_108 = tpu.vector_load %arg12[%swap3A_107] {strides = array<i32>} : memref<4096xf32, #tpu.memory_space<vmem>>, vector<16xf32>,
    tpu.vector_store %arg12[%swap3A_107], %broadcast_in_dim3A_24 {strides = array<i32>} : memref<4096xf32, #tpu.memory_space<vmem>>, vector<16xf32>,
    %swap3A_109 = arith.constant 544 : index
    %swap3A_110 = tpu.vector_load %arg12[%swap3A_109] {strides = array<i32>} : memref<4096xf32, #tpu.memory_space<vmem>>, vector<16xf32>,
    tpu.vector_store %arg12[%swap3A_109], %broadcast_in_dim3A_24 {strides = array<i32>} : memref<4096xf32, #tpu.memory_space<vmem>>, vector<16xf32>,
    %swap3A_111 = arith.constant 560 : index
    %swap3A_112 = tpu.vector_load %arg12[%swap3A_111] {strides = array<i32>} : memref<4096xf32, #tpu.memory_space<vmem>>, vector<16xf32>,
    tpu.vector_store %arg12[%swap3A_111], %broadcast_in_dim3A_24 {strides = array<i32>} : memref<4096xf32, #tpu.memory_space<vmem>>, vector<16xf32>,
    %swap3A_113 = arith.constant 576 : index
    %swap3A_114 = tpu.vector_load %arg12[%swap3A_113] {strides = array<i32>} : memref<4096xf32, #tpu.memory_space<vmem>>, vector<16xf32>,
    tpu.vector_store %arg12[%swap3A_113], %broadcast_in_dim3A_24 {strides = array<i32>} : memref<4096xf32, #tpu.memory_space<vmem>>, vector<16xf32>,
    %swap3A_115 = arith.constant 592 : index
    %swap3A_116 = tpu.vector_load %arg12[%swap3A_115] {strides = array<i32>} : memref<4096xf32, #tpu.memory_space<vmem>>, vector<16xf32>,
    tpu.vector_store %arg12[%swap3A_115], %broadcast_in_dim3A_24 {strides = array<i32>} : memref<4096xf32, #tpu.memory_space<vmem>>, vector<16xf32>,
    %swap3A_117 = arith.constant 608 : index
    %swap3A_118 = tpu.vector_load %arg12[%swap3A_117] {strides = array<i32>} : memref<4096xf32, #tpu.memory_space<vmem>>, vector<16xf32>,
    tpu.vector_store %arg12[%swap3A_117], %broadcast_in_dim3A_24 {strides = array<i32>} : memref<4096xf32, #tpu.memory_space<vmem>>, vector<16xf32>,
    %swap3A_119 = arith.constant 624 : index
    %swap3A_120 = tpu.vector_load %arg12[%swap3A_119] {strides = array<i32>} : memref<4096xf32, #tpu.memory_space<vmem>>, vector<16xf32>,
    tpu.vector_store %arg12[%swap3A_119], %broadcast_in_dim3A_24 {strides = array<i32>} : memref<4096xf32, #tpu.memory_space<vmem>>, vector<16xf32>,
    %swap3A_121 = arith.constant 640 : index
    %swap3A_122 = tpu.vector_load %arg12[%swap3A_121] {strides = array<i32>} : memref<4096xf32, #tpu.memory_space<vmem>>, vector<16xf32>,
    tpu.vector_store %arg12[%swap3A_121], %broadcast_in_dim3A_24 {strides = array<i32>} : memref<4096xf32, #tpu.memory_space<vmem>>, vector<16xf32>,
    %swap3A_123 = arith.constant 656 : index
    %swap3A_124 = tpu.vector_load %arg12[%swap3A_123] {strides = array<i32>} : memref<4096xf32, #tpu.memory_space<vmem>>, vector<16xf32>,
    tpu.vector_store %arg12[%swap3A_123], %broadcast_in_dim3A_24 {strides = array<i32>} : memref<4096xf32, #tpu.memory_space<vmem>>, vector<16xf32>,
    %swap3A_125 = arith.constant 672 : index
    %swap3A_126 = tpu.vector_load %arg12[%swap3A_125] {strides = array<i32>} : memref<4096xf32, #tpu.memory_space<vmem>>, vector<16xf32>,
    tpu.vector_store %arg12[%swap3A_125], %broadcast_in_dim3A_24 {strides = array<i32>} : memref<4096xf32, #tpu.memory_space<vmem>>, vector<16xf32>,
    %swap3A_127 = arith.constant 688 : index
    %swap3A_128 = tpu.vector_load %arg12[%swap3A_127] {strides = array<i32>} : memref<4096xf32, #tpu.memory_space<vmem>>, vector<16xf32>,
    tpu.vector_store %arg12[%swap3A_127], %broadcast_in_dim3A_24 {strides = array<i32>} : memref<4096xf32, #tpu.memory_space<vmem>>, vector<16xf32>,
    %swap3A_129 = arith.constant 704 : index
    %swap3A_130 = tpu.vector_load %arg12[%swap3A_129] {strides = array<i32>} : memref<4096xf32, #tpu.memory_space<vmem>>, vector<16xf32>,
    tpu.vector_store %arg12[%swap3A_129], %broadcast_in_dim3A_24 {strides = array<i32>} : memref<4096xf32, #tpu.memory_space<vmem>>, vector<16xf32>,
    %swap3A_131 = arith.constant 720 : index
    %swap3A_132 = tpu.vector_load %arg12[%swap3A_131] {strides = array<i32>} : memref<4096xf32, #tpu.memory_space<vmem>>, vector<16xf32>,
    tpu.vector_store %arg12[%swap3A_131], %broadcast_in_dim3A_24 {strides = array<i32>} : memref<4096xf32, #tpu.memory_space<vmem>>, vector<16xf32>,
    %swap3A_133 = arith.constant 736 : index
    %swap3A_134 = tpu.vector_load %arg12[%swap3A_133] {strides = array<i32>} : memref<4096xf32, #tpu.memory_space<vmem>>, vector<16xf32>,
    tpu.vector_store %arg12[%swap3A_133], %broadcast_in_dim3A_24 {strides = array<i32>} : memref<4096xf32, #tpu.memory_space<vmem>>, vector<16xf32>,
    %swap3A_135 = arith.constant 752 : index
    %swap3A_136 = tpu.vector_load %arg12[%swap3A_135] {strides = array<i32>} : memref<4096xf32, #tpu.memory_space<vmem>>, vector<16xf32>,
    tpu.vector_store %arg12[%swap3A_135], %broadcast_in_dim3A_24 {strides = array<i32>} : memref<4096xf32, #tpu.memory_space<vmem>>, vector<16xf32>,
    %swap3A_137 = arith.constant 768 : index
    %swap3A_138 = tpu.vector_load %arg12[%swap3A_137] {strides = array<i32>} : memref<4096xf32, #tpu.memory_space<vmem>>, vector<16xf32>,
    tpu.vector_store %arg12[%swap3A_137], %broadcast_in_dim3A_24 {strides = array<i32>} : memref<4096xf32, #tpu.memory_space<vmem>>, vector<16xf32>,
    %swap3A_139 = arith.constant 784 : index
    %swap3A_140 = tpu.vector_load %arg12[%swap3A_139] {strides = array<i32>} : memref<4096xf32, #tpu.memory_space<vmem>>, vector<16xf32>,
    tpu.vector_store %arg12[%swap3A_139], %broadcast_in_dim3A_24 {strides = array<i32>} : memref<4096xf32, #tpu.memory_space<vmem>>, vector<16xf32>,
    %swap3A_141 = arith.constant 800 : index
    %swap3A_142 = tpu.vector_load %arg12[%swap3A_141] {strides = array<i32>} : memref<4096xf32, #tpu.memory_space<vmem>>, vector<16xf32>,
    tpu.vector_store %arg12[%swap3A_141], %broadcast_in_dim3A_24 {strides = array<i32>} : memref<4096xf32, #tpu.memory_space<vmem>>, vector<16xf32>,
    %swap3A_143 = arith.constant 816 : index
    %swap3A_144 = tpu.vector_load %arg12[%swap3A_143] {strides = array<i32>} : memref<4096xf32, #tpu.memory_space<vmem>>, vector<16xf32>,
    tpu.vector_store %arg12[%swap3A_143], %broadcast_in_dim3A_24 {strides = array<i32>} : memref<4096xf32, #tpu.memory_space<vmem>>, vector<16xf32>,
    %swap3A_145 = arith.constant 832 : index
    %swap3A_146 = tpu.vector_load %arg12[%swap3A_145] {strides = array<i32>} : memref<4096xf32, #tpu.memory_space<vmem>>, vector<16xf32>,
    tpu.vector_store %arg12[%swap3A_145], %broadcast_in_dim3A_24 {strides = array<i32>} : memref<4096xf32, #tpu.memory_space<vmem>>, vector<16xf32>,
    %swap3A_147 = arith.constant 848 : index
    %swap3A_148 = tpu.vector_load %arg12[%swap3A_147] {strides = array<i32>} : memref<4096xf32, #tpu.memory_space<vmem>>, vector<16xf32>,
    tpu.vector_store %arg12[%swap3A_147], %broadcast_in_dim3A_24 {strides = array<i32>} : memref<4096xf32, #tpu.memory_space<vmem>>, vector<16xf32>,
    %swap3A_149 = arith.constant 864 : index
    %swap3A_150 = tpu.vector_load %arg12[%swap3A_149] {strides = array<i32>} : memref<4096xf32, #tpu.memory_space<vmem>>, vector<16xf32>,
    tpu.vector_store %arg12[%swap3A_149], %broadcast_in_dim3A_24 {strides = array<i32>} : memref<4096xf32, #tpu.memory_space<vmem>>, vector<16xf32>,
    %swap3A_151 = arith.constant 880 : index
    %swap3A_152 = tpu.vector_load %arg12[%swap3A_151] {strides = array<i32>} : memref<4096xf32, #tpu.memory_space<vmem>>, vector<16xf32>,
    tpu.vector_store %arg12[%swap3A_151], %broadcast_in_dim3A_24 {strides = array<i32>} : memref<4096xf32, #tpu.memory_space<vmem>>, vector<16xf32>,
    %swap3A_153 = arith.constant 896 : index
    %swap3A_154 = tpu.vector_load %arg12[%swap3A_153] {strides = array<i32>} : memref<4096xf32, #tpu.memory_space<vmem>>, vector<16xf32>,
    tpu.vector_store %arg12[%swap3A_153], %broadcast_in_dim3A_24 {strides = array<i32>} : memref<4096xf32, #tpu.memory_space<vmem>>, vector<16xf32>,
    %swap3A_155 = arith.constant 912 : index
    %swap3A_156 = tpu.vector_load %arg12[%swap3A_155] {strides = array<i32>} : memref<4096xf32, #tpu.memory_space<vmem>>, vector<16xf32>,
    tpu.vector_store %arg12[%swap3A_155], %broadcast_in_dim3A_24 {strides = array<i32>} : memref<4096xf32, #tpu.memory_space<vmem>>, vector<16xf32>,
    %swap3A_157 = arith.constant 928 : index
    %swap3A_158 = tpu.vector_load %arg12[%swap3A_157] {strides = array<i32>} : memref<4096xf32, #tpu.memory_space<vmem>>, vector<16xf32>,
    tpu.vector_store %arg12[%swap3A_157], %broadcast_in_dim3A_24 {strides = array<i32>} : memref<4096xf32, #tpu.memory_space<vmem>>, vector<16xf32>,
    %swap3A_159 = arith.constant 944 : index
    %swap3A_160 = tpu.vector_load %arg12[%swap3A_159] {strides = array<i32>} : memref<4096xf32, #tpu.memory_space<vmem>>, vector<16xf32>,
    tpu.vector_store %arg12[%swap3A_159], %broadcast_in_dim3A_24 {strides = array<i32>} : memref<4096xf32, #tpu.memory_space<vmem>>, vector<16xf32>,
    %swap3A_161 = arith.constant 960 : index
    %swap3A_162 = tpu.vector_load %arg12[%swap3A_161] {strides = array<i32>} : memref<4096xf32, #tpu.memory_space<vmem>>, vector<16xf32>,
    tpu.vector_store %arg12[%swap3A_161], %broadcast_in_dim3A_24 {strides = array<i32>} : memref<4096xf32, #tpu.memory_space<vmem>>, vector<16xf32>,
    %swap3A_163 = arith.constant 976 : index
    %swap3A_164 = tpu.vector_load %arg12[%swap3A_163] {strides = array<i32>} : memref<4096xf32, #tpu.memory_space<vmem>>, vector<16xf32>,
    tpu.vector_store %arg12[%swap3A_163], %broadcast_in_dim3A_24 {strides = array<i32>} : memref<4096xf32, #tpu.memory_space<vmem>>, vector<16xf32>,
    %swap3A_165 = arith.constant 992 : index
    %swap3A_166 = tpu.vector_load %arg12[%swap3A_165] {strides = array<i32>} : memref<4096xf32, #tpu.memory_space<vmem>>, vector<16xf32>,
    tpu.vector_store %arg12[%swap3A_165], %broadcast_in_dim3A_24 {strides = array<i32>} : memref<4096xf32, #tpu.memory_space<vmem>>, vector<16xf32>,
    %swap3A_167 = arith.constant 1008 : index
    %swap3A_168 = tpu.vector_load %arg12[%swap3A_167] {strides = array<i32>} : memref<4096xf32, #tpu.memory_space<vmem>>, vector<16xf32>,
    tpu.vector_store %arg12[%swap3A_167], %broadcast_in_dim3A_24 {strides = array<i32>} : memref<4096xf32, #tpu.memory_space<vmem>>, vector<16xf32>,
    %swap3A_169 = arith.constant 1024 : index
    %swap3A_170 = tpu.vector_load %arg12[%swap3A_169] {strides = array<i32>} : memref<4096xf32, #tpu.memory_space<vmem>>, vector<16xf32>,
    tpu.vector_store %arg12[%swap3A_169], %broadcast_in_dim3A_24 {strides = array<i32>} : memref<4096xf32, #tpu.memory_space<vmem>>, vector<16xf32>,
    %swap3A_171 = arith.constant 1040 : index
    %swap3A_172 = tpu.vector_load %arg12[%swap3A_171] {strides = array<i32>} : memref<4096xf32, #tpu.memory_space<vmem>>, vector<16xf32>,
    tpu.vector_store %arg12[%swap3A_171], %broadcast_in_dim3A_24 {strides = array<i32>} : memref<4096xf32, #tpu.memory_space<vmem>>, vector<16xf32>,
    %swap3A_173 = arith.constant 1056 : index
    %swap3A_174 = tpu.vector_load %arg12[%swap3A_173] {strides = array<i32>} : memref<4096xf32, #tpu.memory_space<vmem>>, vector<16xf32>,
    tpu.vector_store %arg12[%swap3A_173], %broadcast_in_dim3A_24 {strides = array<i32>} : memref<4096xf32, #tpu.memory_space<vmem>>, vector<16xf32>,
    %swap3A_175 = arith.constant 1072 : index
    %swap3A_176 = tpu.vector_load %arg12[%swap3A_175] {strides = array<i32>} : memref<4096xf32, #tpu.memory_space<vmem>>, vector<16xf32>,
    tpu.vector_store %arg12[%swap3A_175], %broadcast_in_dim3A_24 {strides = array<i32>} : memref<4096xf32, #tpu.memory_space<vmem>>, vector<16xf32>,
    %swap3A_177 = arith.constant 1088 : index
    %swap3A_178 = tpu.vector_load %arg12[%swap3A_177] {strides = array<i32>} : memref<4096xf32, #tpu.memory_space<vmem>>, vector<16xf32>,
    tpu.vector_store %arg12[%swap3A_177], %broadcast_in_dim3A_24 {strides = array<i32>} : memref<4096xf32, #tpu.memory_space<vmem>>, vector<16xf32>,
    %swap3A_179 = arith.constant 1104 : index
    %swap3A_180 = tpu.vector_load %arg12[%swap3A_179] {strides = array<i32>} : memref<4096xf32, #tpu.memory_space<vmem>>, vector<16xf32>,
    tpu.vector_store %arg12[%swap3A_179], %broadcast_in_dim3A_24 {strides = array<i32>} : memref<4096xf32, #tpu.memory_space<vmem>>, vector<16xf32>,
    %swap3A_181 = arith.constant 1120 : index
    %swap3A_182 = tpu.vector_load %arg12[%swap3A_181] {strides = array<i32>} : memref<4096xf32, #tpu.memory_space<vmem>>, vector<16xf32>,
    tpu.vector_store %arg12[%swap3A_181], %broadcast_in_dim3A_24 {strides = array<i32>} : memref<4096xf32, #tpu.memory_space<vmem>>, vector<16xf32>,
    %swap3A_183 = arith.constant 1136 : index
    %swap3A_184 = tpu.vector_load %arg12[%swap3A_183] {strides = array<i32>} : memref<4096xf32, #tpu.memory_space<vmem>>, vector<16xf32>,
    tpu.vector_store %arg12[%swap3A_183], %broadcast_in_dim3A_24 {strides = array<i32>} : memref<4096xf32, #tpu.memory_space<vmem>>, vector<16xf32>,
    %swap3A_185 = arith.constant 1152 : index
    %swap3A_186 = tpu.vector_load %arg12[%swap3A_185] {strides = array<i32>} : memref<4096xf32, #tpu.memory_space<vmem>>, vector<16xf32>,
    tpu.vector_store %arg12[%swap3A_185], %broadcast_in_dim3A_24 {strides = array<i32>} : memref<4096xf32, #tpu.memory_space<vmem>>, vector<16xf32>,
    %swap3A_187 = arith.constant 1168 : index
    %swap3A_188 = tpu.vector_load %arg12[%swap3A_187] {strides = array<i32>} : memref<4096xf32, #tpu.memory_space<vmem>>, vector<16xf32>,
    tpu.vector_store %arg12[%swap3A_187], %broadcast_in_dim3A_24 {strides = array<i32>} : memref<4096xf32, #tpu.memory_space<vmem>>, vector<16xf32>,
    %swap3A_189 = arith.constant 1184 : index
    %swap3A_190 = tpu.vector_load %arg12[%swap3A_189] {strides = array<i32>} : memref<4096xf32, #tpu.memory_space<vmem>>, vector<16xf32>,
    tpu.vector_store %arg12[%swap3A_189], %broadcast_in_dim3A_24 {strides = array<i32>} : memref<4096xf32, #tpu.memory_space<vmem>>, vector<16xf32>,
    %swap3A_191 = arith.constant 1200 : index
    %swap3A_192 = tpu.vector_load %arg12[%swap3A_191] {strides = array<i32>} : memref<4096xf32, #tpu.memory_space<vmem>>, vector<16xf32>,
    tpu.vector_store %arg12[%swap3A_191], %broadcast_in_dim3A_24 {strides = array<i32>} : memref<4096xf32, #tpu.memory_space<vmem>>, vector<16xf32>,
    %swap3A_193 = arith.constant 1216 : index
    %swap3A_194 = tpu.vector_load %arg12[%swap3A_193] {strides = array<i32>} : memref<4096xf32, #tpu.memory_space<vmem>>, vector<16xf32>,
    tpu.vector_store %arg12[%swap3A_193], %broadcast_in_dim3A_24 {strides = array<i32>} : memref<4096xf32, #tpu.memory_space<vmem>>, vector<16xf32>,
    %swap3A_195 = arith.constant 1232 : index
    %swap3A_196 = tpu.vector_load %arg12[%swap3A_195] {strides = array<i32>} : memref<4096xf32, #tpu.memory_space<vmem>>, vector<16xf32>,
    tpu.vector_store %arg12[%swap3A_195], %broadcast_in_dim3A_24 {strides = array<i32>} : memref<4096xf32, #tpu.memory_space<vmem>>, vector<16xf32>,
    %swap3A_197 = arith.constant 1248 : index
    %swap3A_198 = tpu.vector_load %arg12[%swap3A_197] {strides = array<i32>} : memref<4096xf32, #tpu.memory_space<vmem>>, vector<16xf32>,
    tpu.vector_store %arg12[%swap3A_197], %broadcast_in_dim3A_24 {strides = array<i32>} : memref<4096xf32, #tpu.memory_space<vmem>>, vector<16xf32>,
    %swap3A_199 = arith.constant 1264 : index
    %swap3A_200 = tpu.vector_load %arg12[%swap3A_199] {strides = array<i32>} : memref<4096xf32, #tpu.memory_space<vmem>>, vector<16xf32>,
    tpu.vector_store %arg12[%swap3A_199], %broadcast_in_dim3A_24 {strides = array<i32>} : memref<4096xf32, #tpu.memory_space<vmem>>, vector<16xf32>,
    %swap3A_201 = arith.constant 1280 : index
    %swap3A_202 = tpu.vector_load %arg12[%swap3A_201] {strides = array<i32>} : memref<4096xf32, #tpu.memory_space<vmem>>, vector<16xf32>,
    tpu.vector_store %arg12[%swap3A_201], %broadcast_in_dim3A_24 {strides = array<i32>} : memref<4096xf32, #tpu.memory_space<vmem>>, vector<16xf32>,
    %swap3A_203 = arith.constant 1296 : index
    %swap3A_204 = tpu.vector_load %arg12[%swap3A_203] {strides = array<i32>} : memref<4096xf32, #tpu.memory_space<vmem>>, vector<16xf32>,
    tpu.vector_store %arg12[%swap3A_203], %broadcast_in_dim3A_24 {strides = array<i32>} : memref<4096xf32, #tpu.memory_space<vmem>>, vector<16xf32>,
    %swap3A_205 = arith.constant 1312 : index
    %swap3A_206 = tpu.vector_load %arg12[%swap3A_205] {strides = array<i32>} : memref<4096xf32, #tpu.memory_space<vmem>>, vector<16xf32>,
    tpu.vector_store %arg12[%swap3A_205], %broadcast_in_dim3A_24 {strides = array<i32>} : memref<4096xf32, #tpu.memory_space<vmem>>, vector<16xf32>,
    %swap3A_207 = arith.constant 1328 : index
    %swap3A_208 = tpu.vector_load %arg12[%swap3A_207] {strides = array<i32>} : memref<4096xf32, #tpu.memory_space<vmem>>, vector<16xf32>,
    tpu.vector_store %arg12[%swap3A_207], %broadcast_in_dim3A_24 {strides = array<i32>} : memref<4096xf32, #tpu.memory_space<vmem>>, vector<16xf32>,
    %swap3A_209 = arith.constant 1344 : index
    %swap3A_210 = tpu.vector_load %arg12[%swap3A_209] {strides = array<i32>} : memref<4096xf32, #tpu.memory_space<vmem>>, vector<16xf32>,
    tpu.vector_store %arg12[%swap3A_209], %broadcast_in_dim3A_24 {strides = array<i32>} : memref<4096xf32, #tpu.memory_space<vmem>>, vector<16xf32>,
    %swap3A_211 = arith.constant 1360 : index
    %swap3A_212 = tpu.vector_load %arg12[%swap3A_211] {strides = array<i32>} : memref<4096xf32, #tpu.memory_space<vmem>>, vector<16xf32>,
    tpu.vector_store %arg12[%swap3A_211], %broadcast_in_dim3A_24 {strides = array<i32>} : memref<4096xf32, #tpu.memory_space<vmem>>, vector<16xf32>,
    %swap3A_213 = arith.constant 1376 : index
    %swap3A_214 = tpu.vector_load %arg12[%swap3A_213] {strides = array<i32>} : memref<4096xf32, #tpu.memory_space<vmem>>, vector<16xf32>,
    tpu.vector_store %arg12[%swap3A_213], %broadcast_in_dim3A_24 {strides = array<i32>} : memref<4096xf32, #tpu.memory_space<vmem>>, vector<16xf32>,
    %swap3A_215 = arith.constant 1392 : index
    %swap3A_216 = tpu.vector_load %arg12[%swap3A_215] {strides = array<i32>} : memref<4096xf32, #tpu.memory_space<vmem>>, vector<16xf32>,
    tpu.vector_store %arg12[%swap3A_215], %broadcast_in_dim3A_24 {strides = array<i32>} : memref<4096xf32, #tpu.memory_space<vmem>>, vector<16xf32>,
    %swap3A_217 = arith.constant 1408 : index
    %swap3A_218 = tpu.vector_load %arg12[%swap3A_217] {strides = array<i32>} : memref<4096xf32, #tpu.memory_space<vmem>>, vector<16xf32>,
    tpu.vector_store %arg12[%swap3A_217], %broadcast_in_dim3A_24 {strides = array<i32>} : memref<4096xf32, #tpu.memory_space<vmem>>, vector<16xf32>,
    %swap3A_219 = arith.constant 1424 : index
    %swap3A_220 = tpu.vector_load %arg12[%swap3A_219] {strides = array<i32>} : memref<4096xf32, #tpu.memory_space<vmem>>, vector<16xf32>,
    tpu.vector_store %arg12[%swap3A_219], %broadcast_in_dim3A_24 {strides = array<i32>} : memref<4096xf32, #tpu.memory_space<vmem>>, vector<16xf32>,
    %swap3A_221 = arith.constant 1440 : index
    %swap3A_222 = tpu.vector_load %arg12[%swap3A_221] {strides = array<i32>} : memref<4096xf32, #tpu.memory_space<vmem>>, vector<16xf32>,
    tpu.vector_store %arg12[%swap3A_221], %broadcast_in_dim3A_24 {strides = array<i32>} : memref<4096xf32, #tpu.memory_space<vmem>>, vector<16xf32>,
    %swap3A_223 = arith.constant 1456 : index
    %swap3A_224 = tpu.vector_load %arg12[%swap3A_223] {strides = array<i32>} : memref<4096xf32, #tpu.memory_space<vmem>>, vector<16xf32>,
    tpu.vector_store %arg12[%swap3A_223], %broadcast_in_dim3A_24 {strides = array<i32>} : memref<4096xf32, #tpu.memory_space<vmem>>, vector<16xf32>,
    %swap3A_225 = arith.constant 1472 : index
    %swap3A_226 = tpu.vector_load %arg12[%swap3A_225] {strides = array<i32>} : memref<4096xf32, #tpu.memory_space<vmem>>, vector<16xf32>,
    tpu.vector_store %arg12[%swap3A_225], %broadcast_in_dim3A_24 {strides = array<i32>} : memref<4096xf32, #tpu.memory_space<vmem>>, vector<16xf32>,
    %swap3A_227 = arith.constant 1488 : index
    %swap3A_228 = tpu.vector_load %arg12[%swap3A_227] {strides = array<i32>} : memref<4096xf32, #tpu.memory_space<vmem>>, vector<16xf32>,
    tpu.vector_store %arg12[%swap3A_227], %broadcast_in_dim3A_24 {strides = array<i32>} : memref<4096xf32, #tpu.memory_space<vmem>>, vector<16xf32>,
    %swap3A_229 = arith.constant 1504 : index
    %swap3A_230 = tpu.vector_load %arg12[%swap3A_229] {strides = array<i32>} : memref<4096xf32, #tpu.memory_space<vmem>>, vector<16xf32>,
    tpu.vector_store %arg12[%swap3A_229], %broadcast_in_dim3A_24 {strides = array<i32>} : memref<4096xf32, #tpu.memory_space<vmem>>, vector<16xf32>,
    %swap3A_231 = arith.constant 1520 : index
    %swap3A_232 = tpu.vector_load %arg12[%swap3A_231] {strides = array<i32>} : memref<4096xf32, #tpu.memory_space<vmem>>, vector<16xf32>,
    tpu.vector_store %arg12[%swap3A_231], %broadcast_in_dim3A_24 {strides = array<i32>} : memref<4096xf32, #tpu.memory_space<vmem>>, vector<16xf32>,
    %swap3A_233 = arith.constant 1536 : index
    %swap3A_234 = tpu.vector_load %arg12[%swap3A_233] {strides = array<i32>} : memref<4096xf32, #tpu.memory_space<vmem>>, vector<16xf32>,
    tpu.vector_store %arg12[%swap3A_233], %broadcast_in_dim3A_24 {strides = array<i32>} : memref<4096xf32, #tpu.memory_space<vmem>>, vector<16xf32>,
    %swap3A_235 = arith.constant 1552 : index
    %swap3A_236 = tpu.vector_load %arg12[%swap3A_235] {strides = array<i32>} : memref<4096xf32, #tpu.memory_space<vmem>>, vector<16xf32>,
    tpu.vector_store %arg12[%swap3A_235], %broadcast_in_dim3A_24 {strides = array<i32>} : memref<4096xf32, #tpu.memory_space<vmem>>, vector<16xf32>,
    %swap3A_237 = arith.constant 1568 : index
    %swap3A_238 = tpu.vector_load %arg12[%swap3A_237] {strides = array<i32>} : memref<4096xf32, #tpu.memory_space<vmem>>, vector<16xf32>,
    tpu.vector_store %arg12[%swap3A_237], %broadcast_in_dim3A_24 {strides = array<i32>} : memref<4096xf32, #tpu.memory_space<vmem>>, vector<16xf32>,
    %swap3A_239 = arith.constant 1584 : index
    %swap3A_240 = tpu.vector_load %arg12[%swap3A_239] {strides = array<i32>} : memref<4096xf32, #tpu.memory_space<vmem>>, vector<16xf32>,
    tpu.vector_store %arg12[%swap3A_239], %broadcast_in_dim3A_24 {strides = array<i32>} : memref<4096xf32, #tpu.memory_space<vmem>>, vector<16xf32>,
    %swap3A_241 = arith.constant 1600 : index
    %swap3A_242 = tpu.vector_load %arg12[%swap3A_241] {strides = array<i32>} : memref<4096xf32, #tpu.memory_space<vmem>>, vector<16xf32>,
    tpu.vector_store %arg12[%swap3A_241], %broadcast_in_dim3A_24 {strides = array<i32>} : memref<4096xf32, #tpu.memory_space<vmem>>, vector<16xf32>,
    %swap3A_243 = arith.constant 1616 : index
    %swap3A_244 = tpu.vector_load %arg12[%swap3A_243] {strides = array<i32>} : memref<4096xf32, #tpu.memory_space<vmem>>, vector<16xf32>,
    tpu.vector_store %arg12[%swap3A_243], %broadcast_in_dim3A_24 {strides = array<i32>} : memref<4096xf32, #tpu.memory_space<vmem>>, vector<16xf32>,
    %swap3A_245 = arith.constant 1632 : index
    %swap3A_246 = tpu.vector_load %arg12[%swap3A_245] {strides = array<i32>} : memref<4096xf32, #tpu.memory_space<vmem>>, vector<16xf32>,
    tpu.vector_store %arg12[%swap3A_245], %broadcast_in_dim3A_24 {strides = array<i32>} : memref<4096xf32, #tpu.memory_space<vmem>>, vector<16xf32>,
    %swap3A_247 = arith.constant 1648 : index
    %swap3A_248 = tpu.vector_load %arg12[%swap3A_247] {strides = array<i32>} : memref<4096xf32, #tpu.memory_space<vmem>>, vector<16xf32>,
    tpu.vector_store %arg12[%swap3A_247], %broadcast_in_dim3A_24 {strides = array<i32>} : memref<4096xf32, #tpu.memory_space<vmem>>, vector<16xf32>,
    %swap3A_249 = arith.constant 1664 : index
    %swap3A_250 = tpu.vector_load %arg12[%swap3A_249] {strides = array<i32>} : memref<4096xf32, #tpu.memory_space<vmem>>, vector<16xf32>,
    tpu.vector_store %arg12[%swap3A_249], %broadcast_in_dim3A_24 {strides = array<i32>} : memref<4096xf32, #tpu.memory_space<vmem>>, vector<16xf32>,
    %swap3A_251 = arith.constant 1680 : index
    %swap3A_252 = tpu.vector_load %arg12[%swap3A_251] {strides = array<i32>} : memref<4096xf32, #tpu.memory_space<vmem>>, vector<16xf32>,
    tpu.vector_store %arg12[%swap3A_251], %broadcast_in_dim3A_24 {strides = array<i32>} : memref<4096xf32, #tpu.memory_space<vmem>>, vector<16xf32>,
    %swap3A_253 = arith.constant 1696 : index
    %swap3A_254 = tpu.vector_load %arg12[%swap3A_253] {strides = array<i32>} : memref<4096xf32, #tpu.memory_space<vmem>>, vector<16xf32>,
    tpu.vector_store %arg12[%swap3A_253], %broadcast_in_dim3A_24 {strides = array<i32>} : memref<4096xf32, #tpu.memory_space<vmem>>, vector<16xf32>,
    %swap3A_255 = arith.constant 1712 : index
    %swap3A_256 = tpu.vector_load %arg12[%swap3A_255] {strides = array<i32>} : memref<4096xf32, #tpu.memory_space<vmem>>, vector<16xf32>,
    tpu.vector_store %arg12[%swap3A_255], %broadcast_in_dim3A_24 {strides = array<i32>} : memref<4096xf32, #tpu.memory_space<vmem>>, vector<16xf32>,
    %swap3A_257 = arith.constant 1728 : index
    %swap3A_258 = tpu.vector_load %arg12[%swap3A_257] {strides = array<i32>} : memref<4096xf32, #tpu.memory_space<vmem>>, vector<16xf32>,
    tpu.vector_store %arg12[%swap3A_257], %broadcast_in_dim3A_24 {strides = array<i32>} : memref<4096xf32, #tpu.memory_space<vmem>>, vector<16xf32>,
    %swap3A_259 = arith.constant 1744 : index
    %swap3A_260 = tpu.vector_load %arg12[%swap3A_259] {strides = array<i32>} : memref<4096xf32, #tpu.memory_space<vmem>>, vector<16xf32>,
    tpu.vector_store %arg12[%swap3A_259], %broadcast_in_dim3A_24 {strides = array<i32>} : memref<4096xf32, #tpu.memory_space<vmem>>, vector<16xf32>,
    %swap3A_261 = arith.constant 1760 : index
    %swap3A_262 = tpu.vector_load %arg12[%swap3A_261] {strides = array<i32>} : memref<4096xf32, #tpu.memory_space<vmem>>, vector<16xf32>,
    tpu.vector_store %arg12[%swap3A_261], %broadcast_in_dim3A_24 {strides = array<i32>} : memref<4096xf32, #tpu.memory_space<vmem>>, vector<16xf32>,
    %swap3A_263 = arith.constant 1776 : index
    %swap3A_264 = tpu.vector_load %arg12[%swap3A_263] {strides = array<i32>} : memref<4096xf32, #tpu.memory_space<vmem>>, vector<16xf32>,
    tpu.vector_store %arg12[%swap3A_263], %broadcast_in_dim3A_24 {strides = array<i32>} : memref<4096xf32, #tpu.memory_space<vmem>>, vector<16xf32>,
    %swap3A_265 = arith.constant 1792 : index
    %swap3A_266 = tpu.vector_load %arg12[%swap3A_265] {strides = array<i32>} : memref<4096xf32, #tpu.memory_space<vmem>>, vector<16xf32>,
    tpu.vector_store %arg12[%swap3A_265], %broadcast_in_dim3A_24 {strides = array<i32>} : memref<4096xf32, #tpu.memory_space<vmem>>, vector<16xf32>,
    %swap3A_267 = arith.constant 1808 : index
    %swap3A_268 = tpu.vector_load %arg12[%swap3A_267] {strides = array<i32>} : memref<4096xf32, #tpu.memory_space<vmem>>, vector<16xf32>,
    tpu.vector_store %arg12[%swap3A_267], %broadcast_in_dim3A_24 {strides = array<i32>} : memref<4096xf32, #tpu.memory_space<vmem>>, vector<16xf32>,
    %swap3A_269 = arith.constant 1824 : index
    %swap3A_270 = tpu.vector_load %arg12[%swap3A_269] {strides = array<i32>} : memref<4096xf32, #tpu.memory_space<vmem>>, vector<16xf32>,
    tpu.vector_store %arg12[%swap3A_269], %broadcast_in_dim3A_24 {strides = array<i32>} : memref<4096xf32, #tpu.memory_space<vmem>>, vector<16xf32>,
    %swap3A_271 = arith.constant 1840 : index
    %swap3A_272 = tpu.vector_load %arg12[%swap3A_271] {strides = array<i32>} : memref<4096xf32, #tpu.memory_space<vmem>>, vector<16xf32>,
    tpu.vector_store %arg12[%swap3A_271], %broadcast_in_dim3A_24 {strides = array<i32>} : memref<4096xf32, #tpu.memory_space<vmem>>, vector<16xf32>,
    %swap3A_273 = arith.constant 1856 : index
    %swap3A_274 = tpu.vector_load %arg12[%swap3A_273] {strides = array<i32>} : memref<4096xf32, #tpu.memory_space<vmem>>, vector<16xf32>,
    tpu.vector_store %arg12[%swap3A_273], %broadcast_in_dim3A_24 {strides = array<i32>} : memref<4096xf32, #tpu.memory_space<vmem>>, vector<16xf32>,
    %swap3A_275 = arith.constant 1872 : index
    %swap3A_276 = tpu.vector_load %arg12[%swap3A_275] {strides = array<i32>} : memref<4096xf32, #tpu.memory_space<vmem>>, vector<16xf32>,
    tpu.vector_store %arg12[%swap3A_275], %broadcast_in_dim3A_24 {strides = array<i32>} : memref<4096xf32, #tpu.memory_space<vmem>>, vector<16xf32>,
    %swap3A_277 = arith.constant 1888 : index
    %swap3A_278 = tpu.vector_load %arg12[%swap3A_277] {strides = array<i32>} : memref<4096xf32, #tpu.memory_space<vmem>>, vector<16xf32>,
    tpu.vector_store %arg12[%swap3A_277], %broadcast_in_dim3A_24 {strides = array<i32>} : memref<4096xf32, #tpu.memory_space<vmem>>, vector<16xf32>,
    %swap3A_279 = arith.constant 1904 : index
    %swap3A_280 = tpu.vector_load %arg12[%swap3A_279] {strides = array<i32>} : memref<4096xf32, #tpu.memory_space<vmem>>, vector<16xf32>,
    tpu.vector_store %arg12[%swap3A_279], %broadcast_in_dim3A_24 {strides = array<i32>} : memref<4096xf32, #tpu.memory_space<vmem>>, vector<16xf32>,
    %swap3A_281 = arith.constant 1920 : index
    %swap3A_282 = tpu.vector_load %arg12[%swap3A_281] {strides = array<i32>} : memref<4096xf32, #tpu.memory_space<vmem>>, vector<16xf32>,
    tpu.vector_store %arg12[%swap3A_281], %broadcast_in_dim3A_24 {strides = array<i32>} : memref<4096xf32, #tpu.memory_space<vmem>>, vector<16xf32>,
    %swap3A_283 = arith.constant 1936 : index
    %swap3A_284 = tpu.vector_load %arg12[%swap3A_283] {strides = array<i32>} : memref<4096xf32, #tpu.memory_space<vmem>>, vector<16xf32>,
    tpu.vector_store %arg12[%swap3A_283], %broadcast_in_dim3A_24 {strides = array<i32>} : memref<4096xf32, #tpu.memory_space<vmem>>, vector<16xf32>,
    %swap3A_285 = arith.constant 1952 : index
    %swap3A_286 = tpu.vector_load %arg12[%swap3A_285] {strides = array<i32>} : memref<4096xf32, #tpu.memory_space<vmem>>, vector<16xf32>,
    tpu.vector_store %arg12[%swap3A_285], %broadcast_in_dim3A_24 {strides = array<i32>} : memref<4096xf32, #tpu.memory_space<vmem>>, vector<16xf32>,
    %swap3A_287 = arith.constant 1968 : index
    %swap3A_288 = tpu.vector_load %arg12[%swap3A_287] {strides = array<i32>} : memref<4096xf32, #tpu.memory_space<vmem>>, vector<16xf32>,
    tpu.vector_store %arg12[%swap3A_287], %broadcast_in_dim3A_24 {strides = array<i32>} : memref<4096xf32, #tpu.memory_space<vmem>>, vector<16xf32>,
    %swap3A_289 = arith.constant 1984 : index
    %swap3A_290 = tpu.vector_load %arg12[%swap3A_289] {strides = array<i32>} : memref<4096xf32, #tpu.memory_space<vmem>>, vector<16xf32>,
    tpu.vector_store %arg12[%swap3A_289], %broadcast_in_dim3A_24 {strides = array<i32>} : memref<4096xf32, #tpu.memory_space<vmem>>, vector<16xf32>,
    %swap3A_291 = arith.constant 2000 : index
    %swap3A_292 = tpu.vector_load %arg12[%swap3A_291] {strides = array<i32>} : memref<4096xf32, #tpu.memory_space<vmem>>, vector<16xf32>,
    tpu.vector_store %arg12[%swap3A_291], %broadcast_in_dim3A_24 {strides = array<i32>} : memref<4096xf32, #tpu.memory_space<vmem>>, vector<16xf32>,
    %swap3A_293 = arith.constant 2016 : index
    %swap3A_294 = tpu.vector_load %arg12[%swap3A_293] {strides = array<i32>} : memref<4096xf32, #tpu.memory_space<vmem>>, vector<16xf32>,
    tpu.vector_store %arg12[%swap3A_293], %broadcast_in_dim3A_24 {strides = array<i32>} : memref<4096xf32, #tpu.memory_space<vmem>>, vector<16xf32>,
    %swap3A_295 = arith.constant 2032 : index
    %swap3A_296 = tpu.vector_load %arg12[%swap3A_295] {strides = array<i32>} : memref<4096xf32, #tpu.memory_space<vmem>>, vector<16xf32>,
    tpu.vector_store %arg12[%swap3A_295], %broadcast_in_dim3A_24 {strides = array<i32>} : memref<4096xf32, #tpu.memory_space<vmem>>, vector<16xf32>,
    %swap3A_297 = arith.constant 2048 : index
    %swap3A_298 = tpu.vector_load %arg12[%swap3A_297] {strides = array<i32>} : memref<4096xf32, #tpu.memory_space<vmem>>, vector<16xf32>,
    tpu.vector_store %arg12[%swap3A_297], %broadcast_in_dim3A_24 {strides = array<i32>} : memref<4096xf32, #tpu.memory_space<vmem>>, vector<16xf32>,
    %swap3A_299 = arith.constant 2064 : index
    %swap3A_300 = tpu.vector_load %arg12[%swap3A_299] {strides = array<i32>} : memref<4096xf32, #tpu.memory_space<vmem>>, vector<16xf32>,
    tpu.vector_store %arg12[%swap3A_299], %broadcast_in_dim3A_24 {strides = array<i32>} : memref<4096xf32, #tpu.memory_space<vmem>>, vector<16xf32>,
    %swap3A_301 = arith.constant 2080 : index
    %swap3A_302 = tpu.vector_load %arg12[%swap3A_301] {strides = array<i32>} : memref<4096xf32, #tpu.memory_space<vmem>>, vector<16xf32>,
    tpu.vector_store %arg12[%swap3A_301], %broadcast_in_dim3A_24 {strides = array<i32>} : memref<4096xf32, #tpu.memory_space<vmem>>, vector<16xf32>,
    %swap3A_303 = arith.constant 2096 : index
    %swap3A_304 = tpu.vector_load %arg12[%swap3A_303] {strides = array<i32>} : memref<4096xf32, #tpu.memory_space<vmem>>, vector<16xf32>,
    tpu.vector_store %arg12[%swap3A_303], %broadcast_in_dim3A_24 {strides = array<i32>} : memref<4096xf32, #tpu.memory_space<vmem>>, vector<16xf32>,
    %swap3A_305 = arith.constant 2112 : index
    %swap3A_306 = tpu.vector_load %arg12[%swap3A_305] {strides = array<i32>} : memref<4096xf32, #tpu.memory_space<vmem>>, vector<16xf32>,
    tpu.vector_store %arg12[%swap3A_305], %broadcast_in_dim3A_24 {strides = array<i32>} : memref<4096xf32, #tpu.memory_space<vmem>>, vector<16xf32>,
    %swap3A_307 = arith.constant 2128 : index
    %swap3A_308 = tpu.vector_load %arg12[%swap3A_307] {strides = array<i32>} : memref<4096xf32, #tpu.memory_space<vmem>>, vector<16xf32>,
    tpu.vector_store %arg12[%swap3A_307], %broadcast_in_dim3A_24 {strides = array<i32>} : memref<4096xf32, #tpu.memory_space<vmem>>, vector<16xf32>,
    %swap3A_309 = arith.constant 2144 : index
    %swap3A_310 = tpu.vector_load %arg12[%swap3A_309] {strides = array<i32>} : memref<4096xf32, #tpu.memory_space<vmem>>, vector<16xf32>,
    tpu.vector_store %arg12[%swap3A_309], %broadcast_in_dim3A_24 {strides = array<i32>} : memref<4096xf32, #tpu.memory_space<vmem>>, vector<16xf32>,
    %swap3A_311 = arith.constant 2160 : index
    %swap3A_312 = tpu.vector_load %arg12[%swap3A_311] {strides = array<i32>} : memref<4096xf32, #tpu.memory_space<vmem>>, vector<16xf32>,
    tpu.vector_store %arg12[%swap3A_311], %broadcast_in_dim3A_24 {strides = array<i32>} : memref<4096xf32, #tpu.memory_space<vmem>>, vector<16xf32>,
    %swap3A_313 = arith.constant 2176 : index
    %swap3A_314 = tpu.vector_load %arg12[%swap3A_313] {strides = array<i32>} : memref<4096xf32, #tpu.memory_space<vmem>>, vector<16xf32>,
    tpu.vector_store %arg12[%swap3A_313], %broadcast_in_dim3A_24 {strides = array<i32>} : memref<4096xf32, #tpu.memory_space<vmem>>, vector<16xf32>,
    %swap3A_315 = arith.constant 2192 : index
    %swap3A_316 = tpu.vector_load %arg12[%swap3A_315] {strides = array<i32>} : memref<4096xf32, #tpu.memory_space<vmem>>, vector<16xf32>,
    tpu.vector_store %arg12[%swap3A_315], %broadcast_in_dim3A_24 {strides = array<i32>} : memref<4096xf32, #tpu.memory_space<vmem>>, vector<16xf32>,
    %swap3A_317 = arith.constant 2208 : index
    %swap3A_318 = tpu.vector_load %arg12[%swap3A_317] {strides = array<i32>} : memref<4096xf32, #tpu.memory_space<vmem>>, vector<16xf32>,
    tpu.vector_store %arg12[%swap3A_317], %broadcast_in_dim3A_24 {strides = array<i32>} : memref<4096xf32, #tpu.memory_space<vmem>>, vector<16xf32>,
    %swap3A_319 = arith.constant 2224 : index
    %swap3A_320 = tpu.vector_load %arg12[%swap3A_319] {strides = array<i32>} : memref<4096xf32, #tpu.memory_space<vmem>>, vector<16xf32>,
    tpu.vector_store %arg12[%swap3A_319], %broadcast_in_dim3A_24 {strides = array<i32>} : memref<4096xf32, #tpu.memory_space<vmem>>, vector<16xf32>,
    %swap3A_321 = arith.constant 2240 : index
    %swap3A_322 = tpu.vector_load %arg12[%swap3A_321] {strides = array<i32>} : memref<4096xf32, #tpu.memory_space<vmem>>, vector<16xf32>,
    tpu.vector_store %arg12[%swap3A_321], %broadcast_in_dim3A_24 {strides = array<i32>} : memref<4096xf32, #tpu.memory_space<vmem>>, vector<16xf32>,
    %swap3A_323 = arith.constant 2256 : index
    %swap3A_324 = tpu.vector_load %arg12[%swap3A_323] {strides = array<i32>} : memref<4096xf32, #tpu.memory_space<vmem>>, vector<16xf32>,
    tpu.vector_store %arg12[%swap3A_323], %broadcast_in_dim3A_24 {strides = array<i32>} : memref<4096xf32, #tpu.memory_space<vmem>>, vector<16xf32>,
    %swap3A_325 = arith.constant 2272 : index
    %swap3A_326 = tpu.vector_load %arg12[%swap3A_325] {strides = array<i32>} : memref<4096xf32, #tpu.memory_space<vmem>>, vector<16xf32>,
    tpu.vector_store %arg12[%swap3A_325], %broadcast_in_dim3A_24 {strides = array<i32>} : memref<4096xf32, #tpu.memory_space<vmem>>, vector<16xf32>,
    %swap3A_327 = arith.constant 2288 : index
    %swap3A_328 = tpu.vector_load %arg12[%swap3A_327] {strides = array<i32>} : memref<4096xf32, #tpu.memory_space<vmem>>, vector<16xf32>,
    tpu.vector_store %arg12[%swap3A_327], %broadcast_in_dim3A_24 {strides = array<i32>} : memref<4096xf32, #tpu.memory_space<vmem>>, vector<16xf32>,
    %swap3A_329 = arith.constant 2304 : index
    %swap3A_330 = tpu.vector_load %arg12[%swap3A_329] {strides = array<i32>} : memref<4096xf32, #tpu.memory_space<vmem>>, vector<16xf32>,
    tpu.vector_store %arg12[%swap3A_329], %broadcast_in_dim3A_24 {strides = array<i32>} : memref<4096xf32, #tpu.memory_space<vmem>>, vector<16xf32>,
    %swap3A_331 = arith.constant 2320 : index
    %swap3A_332 = tpu.vector_load %arg12[%swap3A_331] {strides = array<i32>} : memref<4096xf32, #tpu.memory_space<vmem>>, vector<16xf32>,
    tpu.vector_store %arg12[%swap3A_331], %broadcast_in_dim3A_24 {strides = array<i32>} : memref<4096xf32, #tpu.memory_space<vmem>>, vector<16xf32>,
    %swap3A_333 = arith.constant 2336 : index
    %swap3A_334 = tpu.vector_load %arg12[%swap3A_333] {strides = array<i32>} : memref<4096xf32, #tpu.memory_space<vmem>>, vector<16xf32>,
    tpu.vector_store %arg12[%swap3A_333], %broadcast_in_dim3A_24 {strides = array<i32>} : memref<4096xf32, #tpu.memory_space<vmem>>, vector<16xf32>,
    %swap3A_335 = arith.constant 2352 : index
    %swap3A_336 = tpu.vector_load %arg12[%swap3A_335] {strides = array<i32>} : memref<4096xf32, #tpu.memory_space<vmem>>, vector<16xf32>,
    tpu.vector_store %arg12[%swap3A_335], %broadcast_in_dim3A_24 {strides = array<i32>} : memref<4096xf32, #tpu.memory_space<vmem>>, vector<16xf32>,
    %swap3A_337 = arith.constant 2368 : index
    %swap3A_338 = tpu.vector_load %arg12[%swap3A_337] {strides = array<i32>} : memref<4096xf32, #tpu.memory_space<vmem>>, vector<16xf32>,
    tpu.vector_store %arg12[%swap3A_337], %broadcast_in_dim3A_24 {strides = array<i32>} : memref<4096xf32, #tpu.memory_space<vmem>>, vector<16xf32>,
    %swap3A_339 = arith.constant 2384 : index
    %swap3A_340 = tpu.vector_load %arg12[%swap3A_339] {strides = array<i32>} : memref<4096xf32, #tpu.memory_space<vmem>>, vector<16xf32>,
    tpu.vector_store %arg12[%swap3A_339], %broadcast_in_dim3A_24 {strides = array<i32>} : memref<4096xf32, #tpu.memory_space<vmem>>, vector<16xf32>,
    %swap3A_341 = arith.constant 2400 : index
    %swap3A_342 = tpu.vector_load %arg12[%swap3A_341] {strides = array<i32>} : memref<4096xf32, #tpu.memory_space<vmem>>, vector<16xf32>,
    tpu.vector_store %arg12[%swap3A_341], %broadcast_in_dim3A_24 {strides = array<i32>} : memref<4096xf32, #tpu.memory_space<vmem>>, vector<16xf32>,
    %swap3A_343 = arith.constant 2416 : index
    %swap3A_344 = tpu.vector_load %arg12[%swap3A_343] {strides = array<i32>} : memref<4096xf32, #tpu.memory_space<vmem>>, vector<16xf32>,
    tpu.vector_store %arg12[%swap3A_343], %broadcast_in_dim3A_24 {strides = array<i32>} : memref<4096xf32, #tpu.memory_space<vmem>>, vector<16xf32>,
    %swap3A_345 = arith.constant 2432 : index
    %swap3A_346 = tpu.vector_load %arg12[%swap3A_345] {strides = array<i32>} : memref<4096xf32, #tpu.memory_space<vmem>>, vector<16xf32>,
    tpu.vector_store %arg12[%swap3A_345], %broadcast_in_dim3A_24 {strides = array<i32>} : memref<4096xf32, #tpu.memory_space<vmem>>, vector<16xf32>,
    %swap3A_347 = arith.constant 2448 : index
    %swap3A_348 = tpu.vector_load %arg12[%swap3A_347] {strides = array<i32>} : memref<4096xf32, #tpu.memory_space<vmem>>, vector<16xf32>,
    tpu.vector_store %arg12[%swap3A_347], %broadcast_in_dim3A_24 {strides = array<i32>} : memref<4096xf32, #tpu.memory_space<vmem>>, vector<16xf32>,
    %swap3A_349 = arith.constant 2464 : index
    %swap3A_350 = tpu.vector_load %arg12[%swap3A_349] {strides = array<i32>} : memref<4096xf32, #tpu.memory_space<vmem>>, vector<16xf32>,
    tpu.vector_store %arg12[%swap3A_349], %broadcast_in_dim3A_24 {strides = array<i32>} : memref<4096xf32, #tpu.memory_space<vmem>>, vector<16xf32>,
    %swap3A_351 = arith.constant 2480 : index
    %swap3A_352 = tpu.vector_load %arg12[%swap3A_351] {strides = array<i32>} : memref<4096xf32, #tpu.memory_space<vmem>>, vector<16xf32>,
    tpu.vector_store %arg12[%swap3A_351], %broadcast_in_dim3A_24 {strides = array<i32>} : memref<4096xf32, #tpu.memory_space<vmem>>, vector<16xf32>,
    %swap3A_353 = arith.constant 2496 : index
    %swap3A_354 = tpu.vector_load %arg12[%swap3A_353] {strides = array<i32>} : memref<4096xf32, #tpu.memory_space<vmem>>, vector<16xf32>,
    tpu.vector_store %arg12[%swap3A_353], %broadcast_in_dim3A_24 {strides = array<i32>} : memref<4096xf32, #tpu.memory_space<vmem>>, vector<16xf32>,
    %swap3A_355 = arith.constant 2512 : index
    %swap3A_356 = tpu.vector_load %arg12[%swap3A_355] {strides = array<i32>} : memref<4096xf32, #tpu.memory_space<vmem>>, vector<16xf32>,
    tpu.vector_store %arg12[%swap3A_355], %broadcast_in_dim3A_24 {strides = array<i32>} : memref<4096xf32, #tpu.memory_space<vmem>>, vector<16xf32>,
    %swap3A_357 = arith.constant 2528 : index
    %swap3A_358 = tpu.vector_load %arg12[%swap3A_357] {strides = array<i32>} : memref<4096xf32, #tpu.memory_space<vmem>>, vector<16xf32>,
    tpu.vector_store %arg12[%swap3A_357], %broadcast_in_dim3A_24 {strides = array<i32>} : memref<4096xf32, #tpu.memory_space<vmem>>, vector<16xf32>,
    %swap3A_359 = arith.constant 2544 : index
    %swap3A_360 = tpu.vector_load %arg12[%swap3A_359] {strides = array<i32>} : memref<4096xf32, #tpu.memory_space<vmem>>, vector<16xf32>,
    tpu.vector_store %arg12[%swap3A_359], %broadcast_in_dim3A_24 {strides = array<i32>} : memref<4096xf32, #tpu.memory_space<vmem>>, vector<16xf32>,
    %swap3A_361 = arith.constant 2560 : index
    %swap3A_362 = tpu.vector_load %arg12[%swap3A_361] {strides = array<i32>} : memref<4096xf32, #tpu.memory_space<vmem>>, vector<16xf32>,
    tpu.vector_store %arg12[%swap3A_361], %broadcast_in_dim3A_24 {strides = array<i32>} : memref<4096xf32, #tpu.memory_space<vmem>>, vector<16xf32>,
    %swap3A_363 = arith.constant 2576 : index
    %swap3A_364 = tpu.vector_load %arg12[%swap3A_363] {strides = array<i32>} : memref<4096xf32, #tpu.memory_space<vmem>>, vector<16xf32>,
    tpu.vector_store %arg12[%swap3A_363], %broadcast_in_dim3A_24 {strides = array<i32>} : memref<4096xf32, #tpu.memory_space<vmem>>, vector<16xf32>,
    %swap3A_365 = arith.constant 2592 : index
    %swap3A_366 = tpu.vector_load %arg12[%swap3A_365] {strides = array<i32>} : memref<4096xf32, #tpu.memory_space<vmem>>, vector<16xf32>,
    tpu.vector_store %arg12[%swap3A_365], %broadcast_in_dim3A_24 {strides = array<i32>} : memref<4096xf32, #tpu.memory_space<vmem>>, vector<16xf32>,
    %swap3A_367 = arith.constant 2608 : index
    %swap3A_368 = tpu.vector_load %arg12[%swap3A_367] {strides = array<i32>} : memref<4096xf32, #tpu.memory_space<vmem>>, vector<16xf32>,
    tpu.vector_store %arg12[%swap3A_367], %broadcast_in_dim3A_24 {strides = array<i32>} : memref<4096xf32, #tpu.memory_space<vmem>>, vector<16xf32>,
    %swap3A_369 = arith.constant 2624 : index
    %swap3A_370 = tpu.vector_load %arg12[%swap3A_369] {strides = array<i32>} : memref<4096xf32, #tpu.memory_space<vmem>>, vector<16xf32>,
    tpu.vector_store %arg12[%swap3A_369], %broadcast_in_dim3A_24 {strides = array<i32>} : memref<4096xf32, #tpu.memory_space<vmem>>, vector<16xf32>,
    %swap3A_371 = arith.constant 2640 : index
    %swap3A_372 = tpu.vector_load %arg12[%swap3A_371] {strides = array<i32>} : memref<4096xf32, #tpu.memory_space<vmem>>, vector<16xf32>,
    tpu.vector_store %arg12[%swap3A_371], %broadcast_in_dim3A_24 {strides = array<i32>} : memref<4096xf32, #tpu.memory_space<vmem>>, vector<16xf32>,
    %swap3A_373 = arith.constant 2656 : index
    %swap3A_374 = tpu.vector_load %arg12[%swap3A_373] {strides = array<i32>} : memref<4096xf32, #tpu.memory_space<vmem>>, vector<16xf32>,
    tpu.vector_store %arg12[%swap3A_373], %broadcast_in_dim3A_24 {strides = array<i32>} : memref<4096xf32, #tpu.memory_space<vmem>>, vector<16xf32>,
    %swap3A_375 = arith.constant 2672 : index
    %swap3A_376 = tpu.vector_load %arg12[%swap3A_375] {strides = array<i32>} : memref<4096xf32, #tpu.memory_space<vmem>>, vector<16xf32>,
    tpu.vector_store %arg12[%swap3A_375], %broadcast_in_dim3A_24 {strides = array<i32>} : memref<4096xf32, #tpu.memory_space<vmem>>, vector<16xf32>,
    %swap3A_377 = arith.constant 2688 : index
    %swap3A_378 = tpu.vector_load %arg12[%swap3A_377] {strides = array<i32>} : memref<4096xf32, #tpu.memory_space<vmem>>, vector<16xf32>,
    tpu.vector_store %arg12[%swap3A_377], %broadcast_in_dim3A_24 {strides = array<i32>} : memref<4096xf32, #tpu.memory_space<vmem>>, vector<16xf32>,
    %swap3A_379 = arith.constant 2704 : index
    %swap3A_380 = tpu.vector_load %arg12[%swap3A_379] {strides = array<i32>} : memref<4096xf32, #tpu.memory_space<vmem>>, vector<16xf32>,
    tpu.vector_store %arg12[%swap3A_379], %broadcast_in_dim3A_24 {strides = array<i32>} : memref<4096xf32, #tpu.memory_space<vmem>>, vector<16xf32>,
    %swap3A_381 = arith.constant 2720 : index
    %swap3A_382 = tpu.vector_load %arg12[%swap3A_381] {strides = array<i32>} : memref<4096xf32, #tpu.memory_space<vmem>>, vector<16xf32>,
    tpu.vector_store %arg12[%swap3A_381], %broadcast_in_dim3A_24 {strides = array<i32>} : memref<4096xf32, #tpu.memory_space<vmem>>, vector<16xf32>,
    %swap3A_383 = arith.constant 2736 : index
    %swap3A_384 = tpu.vector_load %arg12[%swap3A_383] {strides = array<i32>} : memref<4096xf32, #tpu.memory_space<vmem>>, vector<16xf32>,
    tpu.vector_store %arg12[%swap3A_383], %broadcast_in_dim3A_24 {strides = array<i32>} : memref<4096xf32, #tpu.memory_space<vmem>>, vector<16xf32>,
    %swap3A_385 = arith.constant 2752 : index
    %swap3A_386 = tpu.vector_load %arg12[%swap3A_385] {strides = array<i32>} : memref<4096xf32, #tpu.memory_space<vmem>>, vector<16xf32>,
    tpu.vector_store %arg12[%swap3A_385], %broadcast_in_dim3A_24 {strides = array<i32>} : memref<4096xf32, #tpu.memory_space<vmem>>, vector<16xf32>,
    %swap3A_387 = arith.constant 2768 : index
    %swap3A_388 = tpu.vector_load %arg12[%swap3A_387] {strides = array<i32>} : memref<4096xf32, #tpu.memory_space<vmem>>, vector<16xf32>,
    tpu.vector_store %arg12[%swap3A_387], %broadcast_in_dim3A_24 {strides = array<i32>} : memref<4096xf32, #tpu.memory_space<vmem>>, vector<16xf32>,
    %swap3A_389 = arith.constant 2784 : index
    %swap3A_390 = tpu.vector_load %arg12[%swap3A_389] {strides = array<i32>} : memref<4096xf32, #tpu.memory_space<vmem>>, vector<16xf32>,
    tpu.vector_store %arg12[%swap3A_389], %broadcast_in_dim3A_24 {strides = array<i32>} : memref<4096xf32, #tpu.memory_space<vmem>>, vector<16xf32>,
    %swap3A_391 = arith.constant 2800 : index
    %swap3A_392 = tpu.vector_load %arg12[%swap3A_391] {strides = array<i32>} : memref<4096xf32, #tpu.memory_space<vmem>>, vector<16xf32>,
    tpu.vector_store %arg12[%swap3A_391], %broadcast_in_dim3A_24 {strides = array<i32>} : memref<4096xf32, #tpu.memory_space<vmem>>, vector<16xf32>,
    %swap3A_393 = arith.constant 2816 : index
    %swap3A_394 = tpu.vector_load %arg12[%swap3A_393] {strides = array<i32>} : memref<4096xf32, #tpu.memory_space<vmem>>, vector<16xf32>,
    tpu.vector_store %arg12[%swap3A_393], %broadcast_in_dim3A_24 {strides = array<i32>} : memref<4096xf32, #tpu.memory_space<vmem>>, vector<16xf32>,
    %swap3A_395 = arith.constant 2832 : index
    %swap3A_396 = tpu.vector_load %arg12[%swap3A_395] {strides = array<i32>} : memref<4096xf32, #tpu.memory_space<vmem>>, vector<16xf32>,
    tpu.vector_store %arg12[%swap3A_395], %broadcast_in_dim3A_24 {strides = array<i32>} : memref<4096xf32, #tpu.memory_space<vmem>>, vector<16xf32>,
    %swap3A_397 = arith.constant 2848 : index
    %swap3A_398 = tpu.vector_load %arg12[%swap3A_397] {strides = array<i32>} : memref<4096xf32, #tpu.memory_space<vmem>>, vector<16xf32>,
    tpu.vector_store %arg12[%swap3A_397], %broadcast_in_dim3A_24 {strides = array<i32>} : memref<4096xf32, #tpu.memory_space<vmem>>, vector<16xf32>,
    %swap3A_399 = arith.constant 2864 : index
    %swap3A_400 = tpu.vector_load %arg12[%swap3A_399] {strides = array<i32>} : memref<4096xf32, #tpu.memory_space<vmem>>, vector<16xf32>,
    tpu.vector_store %arg12[%swap3A_399], %broadcast_in_dim3A_24 {strides = array<i32>} : memref<4096xf32, #tpu.memory_space<vmem>>, vector<16xf32>,
    %swap3A_401 = arith.constant 2880 : index
    %swap3A_402 = tpu.vector_load %arg12[%swap3A_401] {strides = array<i32>} : memref<4096xf32, #tpu.memory_space<vmem>>, vector<16xf32>,
    tpu.vector_store %arg12[%swap3A_401], %broadcast_in_dim3A_24 {strides = array<i32>} : memref<4096xf32, #tpu.memory_space<vmem>>, vector<16xf32>,
    %swap3A_403 = arith.constant 2896 : index
    %swap3A_404 = tpu.vector_load %arg12[%swap3A_403] {strides = array<i32>} : memref<4096xf32, #tpu.memory_space<vmem>>, vector<16xf32>,
    tpu.vector_store %arg12[%swap3A_403], %broadcast_in_dim3A_24 {strides = array<i32>} : memref<4096xf32, #tpu.memory_space<vmem>>, vector<16xf32>,
    %swap3A_405 = arith.constant 2912 : index
    %swap3A_406 = tpu.vector_load %arg12[%swap3A_405] {strides = array<i32>} : memref<4096xf32, #tpu.memory_space<vmem>>, vector<16xf32>,
    tpu.vector_store %arg12[%swap3A_405], %broadcast_in_dim3A_24 {strides = array<i32>} : memref<4096xf32, #tpu.memory_space<vmem>>, vector<16xf32>,
    %swap3A_407 = arith.constant 2928 : index
    %swap3A_408 = tpu.vector_load %arg12[%swap3A_407] {strides = array<i32>} : memref<4096xf32, #tpu.memory_space<vmem>>, vector<16xf32>,
    tpu.vector_store %arg12[%swap3A_407], %broadcast_in_dim3A_24 {strides = array<i32>} : memref<4096xf32, #tpu.memory_space<vmem>>, vector<16xf32>,
    %swap3A_409 = arith.constant 2944 : index
    %swap3A_410 = tpu.vector_load %arg12[%swap3A_409] {strides = array<i32>} : memref<4096xf32, #tpu.memory_space<vmem>>, vector<16xf32>,
    tpu.vector_store %arg12[%swap3A_409], %broadcast_in_dim3A_24 {strides = array<i32>} : memref<4096xf32, #tpu.memory_space<vmem>>, vector<16xf32>,
    %swap3A_411 = arith.constant 2960 : index
    %swap3A_412 = tpu.vector_load %arg12[%swap3A_411] {strides = array<i32>} : memref<4096xf32, #tpu.memory_space<vmem>>, vector<16xf32>,
    tpu.vector_store %arg12[%swap3A_411], %broadcast_in_dim3A_24 {strides = array<i32>} : memref<4096xf32, #tpu.memory_space<vmem>>, vector<16xf32>,
    %swap3A_413 = arith.constant 2976 : index
    %swap3A_414 = tpu.vector_load %arg12[%swap3A_413] {strides = array<i32>} : memref<4096xf32, #tpu.memory_space<vmem>>, vector<16xf32>,
    tpu.vector_store %arg12[%swap3A_413], %broadcast_in_dim3A_24 {strides = array<i32>} : memref<4096xf32, #tpu.memory_space<vmem>>, vector<16xf32>,
    %swap3A_415 = arith.constant 2992 : index
    %swap3A_416 = tpu.vector_load %arg12[%swap3A_415] {strides = array<i32>} : memref<4096xf32, #tpu.memory_space<vmem>>, vector<16xf32>,
    tpu.vector_store %arg12[%swap3A_415], %broadcast_in_dim3A_24 {strides = array<i32>} : memref<4096xf32, #tpu.memory_space<vmem>>, vector<16xf32>,
    %swap3A_417 = arith.constant 3008 : index
    %swap3A_418 = tpu.vector_load %arg12[%swap3A_417] {strides = array<i32>} : memref<4096xf32, #tpu.memory_space<vmem>>, vector<16xf32>,
    tpu.vector_store %arg12[%swap3A_417], %broadcast_in_dim3A_24 {strides = array<i32>} : memref<4096xf32, #tpu.memory_space<vmem>>, vector<16xf32>,
    %swap3A_419 = arith.constant 3024 : index
    %swap3A_420 = tpu.vector_load %arg12[%swap3A_419] {strides = array<i32>} : memref<4096xf32, #tpu.memory_space<vmem>>, vector<16xf32>,
    tpu.vector_store %arg12[%swap3A_419], %broadcast_in_dim3A_24 {strides = array<i32>} : memref<4096xf32, #tpu.memory_space<vmem>>, vector<16xf32>,
    %swap3A_421 = arith.constant 3040 : index
    %swap3A_422 = tpu.vector_load %arg12[%swap3A_421] {strides = array<i32>} : memref<4096xf32, #tpu.memory_space<vmem>>, vector<16xf32>,
    tpu.vector_store %arg12[%swap3A_421], %broadcast_in_dim3A_24 {strides = array<i32>} : memref<4096xf32, #tpu.memory_space<vmem>>, vector<16xf32>,
    %swap3A_423 = arith.constant 3056 : index
    %swap3A_424 = tpu.vector_load %arg12[%swap3A_423] {strides = array<i32>} : memref<4096xf32, #tpu.memory_space<vmem>>, vector<16xf32>,
    tpu.vector_store %arg12[%swap3A_423], %broadcast_in_dim3A_24 {strides = array<i32>} : memref<4096xf32, #tpu.memory_space<vmem>>, vector<16xf32>,
    %swap3A_425 = arith.constant 3072 : index
    %swap3A_426 = tpu.vector_load %arg12[%swap3A_425] {strides = array<i32>} : memref<4096xf32, #tpu.memory_space<vmem>>, vector<16xf32>,
    tpu.vector_store %arg12[%swap3A_425], %broadcast_in_dim3A_24 {strides = array<i32>} : memref<4096xf32, #tpu.memory_space<vmem>>, vector<16xf32>,
    %swap3A_427 = arith.constant 3088 : index
    %swap3A_428 = tpu.vector_load %arg12[%swap3A_427] {strides = array<i32>} : memref<4096xf32, #tpu.memory_space<vmem>>, vector<16xf32>,
    tpu.vector_store %arg12[%swap3A_427], %broadcast_in_dim3A_24 {strides = array<i32>} : memref<4096xf32, #tpu.memory_space<vmem>>, vector<16xf32>,
    %swap3A_429 = arith.constant 3104 : index
    %swap3A_430 = tpu.vector_load %arg12[%swap3A_429] {strides = array<i32>} : memref<4096xf32, #tpu.memory_space<vmem>>, vector<16xf32>,
    tpu.vector_store %arg12[%swap3A_429], %broadcast_in_dim3A_24 {strides = array<i32>} : memref<4096xf32, #tpu.memory_space<vmem>>, vector<16xf32>,
    %swap3A_431 = arith.constant 3120 : index
    %swap3A_432 = tpu.vector_load %arg12[%swap3A_431] {strides = array<i32>} : memref<4096xf32, #tpu.memory_space<vmem>>, vector<16xf32>,
    tpu.vector_store %arg12[%swap3A_431], %broadcast_in_dim3A_24 {strides = array<i32>} : memref<4096xf32, #tpu.memory_space<vmem>>, vector<16xf32>,
    %swap3A_433 = arith.constant 3136 : index
    %swap3A_434 = tpu.vector_load %arg12[%swap3A_433] {strides = array<i32>} : memref<4096xf32, #tpu.memory_space<vmem>>, vector<16xf32>,
    tpu.vector_store %arg12[%swap3A_433], %broadcast_in_dim3A_24 {strides = array<i32>} : memref<4096xf32, #tpu.memory_space<vmem>>, vector<16xf32>,
    %swap3A_435 = arith.constant 3152 : index
    %swap3A_436 = tpu.vector_load %arg12[%swap3A_435] {strides = array<i32>} : memref<4096xf32, #tpu.memory_space<vmem>>, vector<16xf32>,
    tpu.vector_store %arg12[%swap3A_435], %broadcast_in_dim3A_24 {strides = array<i32>} : memref<4096xf32, #tpu.memory_space<vmem>>, vector<16xf32>,
    %swap3A_437 = arith.constant 3168 : index
    %swap3A_438 = tpu.vector_load %arg12[%swap3A_437] {strides = array<i32>} : memref<4096xf32, #tpu.memory_space<vmem>>, vector<16xf32>,
    tpu.vector_store %arg12[%swap3A_437], %broadcast_in_dim3A_24 {strides = array<i32>} : memref<4096xf32, #tpu.memory_space<vmem>>, vector<16xf32>,
    %swap3A_439 = arith.constant 3184 : index
    %swap3A_440 = tpu.vector_load %arg12[%swap3A_439] {strides = array<i32>} : memref<4096xf32, #tpu.memory_space<vmem>>, vector<16xf32>,
    tpu.vector_store %arg12[%swap3A_439], %broadcast_in_dim3A_24 {strides = array<i32>} : memref<4096xf32, #tpu.memory_space<vmem>>, vector<16xf32>,
    %swap3A_441 = arith.constant 3200 : index
    %swap3A_442 = tpu.vector_load %arg12[%swap3A_441] {strides = array<i32>} : memref<4096xf32, #tpu.memory_space<vmem>>, vector<16xf32>,
    tpu.vector_store %arg12[%swap3A_441], %broadcast_in_dim3A_24 {strides = array<i32>} : memref<4096xf32, #tpu.memory_space<vmem>>, vector<16xf32>,
    %swap3A_443 = arith.constant 3216 : index
    %swap3A_444 = tpu.vector_load %arg12[%swap3A_443] {strides = array<i32>} : memref<4096xf32, #tpu.memory_space<vmem>>, vector<16xf32>,
    tpu.vector_store %arg12[%swap3A_443], %broadcast_in_dim3A_24 {strides = array<i32>} : memref<4096xf32, #tpu.memory_space<vmem>>, vector<16xf32>,
    %swap3A_445 = arith.constant 3232 : index
    %swap3A_446 = tpu.vector_load %arg12[%swap3A_445] {strides = array<i32>} : memref<4096xf32, #tpu.memory_space<vmem>>, vector<16xf32>,
    tpu.vector_store %arg12[%swap3A_445], %broadcast_in_dim3A_24 {strides = array<i32>} : memref<4096xf32, #tpu.memory_space<vmem>>, vector<16xf32>,
    %swap3A_447 = arith.constant 3248 : index
    %swap3A_448 = tpu.vector_load %arg12[%swap3A_447] {strides = array<i32>} : memref<4096xf32, #tpu.memory_space<vmem>>, vector<16xf32>,
    tpu.vector_store %arg12[%swap3A_447], %broadcast_in_dim3A_24 {strides = array<i32>} : memref<4096xf32, #tpu.memory_space<vmem>>, vector<16xf32>,
    %swap3A_449 = arith.constant 3264 : index
    %swap3A_450 = tpu.vector_load %arg12[%swap3A_449] {strides = array<i32>} : memref<4096xf32, #tpu.memory_space<vmem>>, vector<16xf32>,
    tpu.vector_store %arg12[%swap3A_449], %broadcast_in_dim3A_24 {strides = array<i32>} : memref<4096xf32, #tpu.memory_space<vmem>>, vector<16xf32>,
    %swap3A_451 = arith.constant 3280 : index
    %swap3A_452 = tpu.vector_load %arg12[%swap3A_451] {strides = array<i32>} : memref<4096xf32, #tpu.memory_space<vmem>>, vector<16xf32>,
    tpu.vector_store %arg12[%swap3A_451], %broadcast_in_dim3A_24 {strides = array<i32>} : memref<4096xf32, #tpu.memory_space<vmem>>, vector<16xf32>,
    %swap3A_453 = arith.constant 3296 : index
    %swap3A_454 = tpu.vector_load %arg12[%swap3A_453] {strides = array<i32>} : memref<4096xf32, #tpu.memory_space<vmem>>, vector<16xf32>,
    tpu.vector_store %arg12[%swap3A_453], %broadcast_in_dim3A_24 {strides = array<i32>} : memref<4096xf32, #tpu.memory_space<vmem>>, vector<16xf32>,
    %swap3A_455 = arith.constant 3312 : index
    %swap3A_456 = tpu.vector_load %arg12[%swap3A_455] {strides = array<i32>} : memref<4096xf32, #tpu.memory_space<vmem>>, vector<16xf32>,
    tpu.vector_store %arg12[%swap3A_455], %broadcast_in_dim3A_24 {strides = array<i32>} : memref<4096xf32, #tpu.memory_space<vmem>>, vector<16xf32>,
    %swap3A_457 = arith.constant 3328 : index
    %swap3A_458 = tpu.vector_load %arg12[%swap3A_457] {strides = array<i32>} : memref<4096xf32, #tpu.memory_space<vmem>>, vector<16xf32>,
    tpu.vector_store %arg12[%swap3A_457], %broadcast_in_dim3A_24 {strides = array<i32>} : memref<4096xf32, #tpu.memory_space<vmem>>, vector<16xf32>,
    %swap3A_459 = arith.constant 3344 : index
    %swap3A_460 = tpu.vector_load %arg12[%swap3A_459] {strides = array<i32>} : memref<4096xf32, #tpu.memory_space<vmem>>, vector<16xf32>,
    tpu.vector_store %arg12[%swap3A_459], %broadcast_in_dim3A_24 {strides = array<i32>} : memref<4096xf32, #tpu.memory_space<vmem>>, vector<16xf32>,
    %swap3A_461 = arith.constant 3360 : index
    %swap3A_462 = tpu.vector_load %arg12[%swap3A_461] {strides = array<i32>} : memref<4096xf32, #tpu.memory_space<vmem>>, vector<16xf32>,
    tpu.vector_store %arg12[%swap3A_461], %broadcast_in_dim3A_24 {strides = array<i32>} : memref<4096xf32, #tpu.memory_space<vmem>>, vector<16xf32>,
    %swap3A_463 = arith.constant 3376 : index
    %swap3A_464 = tpu.vector_load %arg12[%swap3A_463] {strides = array<i32>} : memref<4096xf32, #tpu.memory_space<vmem>>, vector<16xf32>,
    tpu.vector_store %arg12[%swap3A_463], %broadcast_in_dim3A_24 {strides = array<i32>} : memref<4096xf32, #tpu.memory_space<vmem>>, vector<16xf32>,
    %swap3A_465 = arith.constant 3392 : index
    %swap3A_466 = tpu.vector_load %arg12[%swap3A_465] {strides = array<i32>} : memref<4096xf32, #tpu.memory_space<vmem>>, vector<16xf32>,
    tpu.vector_store %arg12[%swap3A_465], %broadcast_in_dim3A_24 {strides = array<i32>} : memref<4096xf32, #tpu.memory_space<vmem>>, vector<16xf32>,
    %swap3A_467 = arith.constant 3408 : index
    %swap3A_468 = tpu.vector_load %arg12[%swap3A_467] {strides = array<i32>} : memref<4096xf32, #tpu.memory_space<vmem>>, vector<16xf32>,
    tpu.vector_store %arg12[%swap3A_467], %broadcast_in_dim3A_24 {strides = array<i32>} : memref<4096xf32, #tpu.memory_space<vmem>>, vector<16xf32>,
    %swap3A_469 = arith.constant 3424 : index
    %swap3A_470 = tpu.vector_load %arg12[%swap3A_469] {strides = array<i32>} : memref<4096xf32, #tpu.memory_space<vmem>>, vector<16xf32>,
    tpu.vector_store %arg12[%swap3A_469], %broadcast_in_dim3A_24 {strides = array<i32>} : memref<4096xf32, #tpu.memory_space<vmem>>, vector<16xf32>,
    %swap3A_471 = arith.constant 3440 : index
    %swap3A_472 = tpu.vector_load %arg12[%swap3A_471] {strides = array<i32>} : memref<4096xf32, #tpu.memory_space<vmem>>, vector<16xf32>,
    tpu.vector_store %arg12[%swap3A_471], %broadcast_in_dim3A_24 {strides = array<i32>} : memref<4096xf32, #tpu.memory_space<vmem>>, vector<16xf32>,
    %swap3A_473 = arith.constant 3456 : index
    %swap3A_474 = tpu.vector_load %arg12[%swap3A_473] {strides = array<i32>} : memref<4096xf32, #tpu.memory_space<vmem>>, vector<16xf32>,
    tpu.vector_store %arg12[%swap3A_473], %broadcast_in_dim3A_24 {strides = array<i32>} : memref<4096xf32, #tpu.memory_space<vmem>>, vector<16xf32>,
    %swap3A_475 = arith.constant 3472 : index
    %swap3A_476 = tpu.vector_load %arg12[%swap3A_475] {strides = array<i32>} : memref<4096xf32, #tpu.memory_space<vmem>>, vector<16xf32>,
    tpu.vector_store %arg12[%swap3A_475], %broadcast_in_dim3A_24 {strides = array<i32>} : memref<4096xf32, #tpu.memory_space<vmem>>, vector<16xf32>,
    %swap3A_477 = arith.constant 3488 : index
    %swap3A_478 = tpu.vector_load %arg12[%swap3A_477] {strides = array<i32>} : memref<4096xf32, #tpu.memory_space<vmem>>, vector<16xf32>,
    tpu.vector_store %arg12[%swap3A_477], %broadcast_in_dim3A_24 {strides = array<i32>} : memref<4096xf32, #tpu.memory_space<vmem>>, vector<16xf32>,
    %swap3A_479 = arith.constant 3504 : index
    %swap3A_480 = tpu.vector_load %arg12[%swap3A_479] {strides = array<i32>} : memref<4096xf32, #tpu.memory_space<vmem>>, vector<16xf32>,
    tpu.vector_store %arg12[%swap3A_479], %broadcast_in_dim3A_24 {strides = array<i32>} : memref<4096xf32, #tpu.memory_space<vmem>>, vector<16xf32>,
    %swap3A_481 = arith.constant 3520 : index
    %swap3A_482 = tpu.vector_load %arg12[%swap3A_481] {strides = array<i32>} : memref<4096xf32, #tpu.memory_space<vmem>>, vector<16xf32>,
    tpu.vector_store %arg12[%swap3A_481], %broadcast_in_dim3A_24 {strides = array<i32>} : memref<4096xf32, #tpu.memory_space<vmem>>, vector<16xf32>,
    %swap3A_483 = arith.constant 3536 : index
    %swap3A_484 = tpu.vector_load %arg12[%swap3A_483] {strides = array<i32>} : memref<4096xf32, #tpu.memory_space<vmem>>, vector<16xf32>,
    tpu.vector_store %arg12[%swap3A_483], %broadcast_in_dim3A_24 {strides = array<i32>} : memref<4096xf32, #tpu.memory_space<vmem>>, vector<16xf32>,
    %swap3A_485 = arith.constant 3552 : index
    %swap3A_486 = tpu.vector_load %arg12[%swap3A_485] {strides = array<i32>} : memref<4096xf32, #tpu.memory_space<vmem>>, vector<16xf32>,
    tpu.vector_store %arg12[%swap3A_485], %broadcast_in_dim3A_24 {strides = array<i32>} : memref<4096xf32, #tpu.memory_space<vmem>>, vector<16xf32>,
    %swap3A_487 = arith.constant 3568 : index
    %swap3A_488 = tpu.vector_load %arg12[%swap3A_487] {strides = array<i32>} : memref<4096xf32, #tpu.memory_space<vmem>>, vector<16xf32>,
    tpu.vector_store %arg12[%swap3A_487], %broadcast_in_dim3A_24 {strides = array<i32>} : memref<4096xf32, #tpu.memory_space<vmem>>, vector<16xf32>,
    %swap3A_489 = arith.constant 3584 : index
    %swap3A_490 = tpu.vector_load %arg12[%swap3A_489] {strides = array<i32>} : memref<4096xf32, #tpu.memory_space<vmem>>, vector<16xf32>,
    tpu.vector_store %arg12[%swap3A_489], %broadcast_in_dim3A_24 {strides = array<i32>} : memref<4096xf32, #tpu.memory_space<vmem>>, vector<16xf32>,
    %swap3A_491 = arith.constant 3600 : index
    %swap3A_492 = tpu.vector_load %arg12[%swap3A_491] {strides = array<i32>} : memref<4096xf32, #tpu.memory_space<vmem>>, vector<16xf32>,
    tpu.vector_store %arg12[%swap3A_491], %broadcast_in_dim3A_24 {strides = array<i32>} : memref<4096xf32, #tpu.memory_space<vmem>>, vector<16xf32>,
    %swap3A_493 = arith.constant 3616 : index
    %swap3A_494 = tpu.vector_load %arg12[%swap3A_493] {strides = array<i32>} : memref<4096xf32, #tpu.memory_space<vmem>>, vector<16xf32>,
    tpu.vector_store %arg12[%swap3A_493], %broadcast_in_dim3A_24 {strides = array<i32>} : memref<4096xf32, #tpu.memory_space<vmem>>, vector<16xf32>,
    %swap3A_495 = arith.constant 3632 : index
    %swap3A_496 = tpu.vector_load %arg12[%swap3A_495] {strides = array<i32>} : memref<4096xf32, #tpu.memory_space<vmem>>, vector<16xf32>,
    tpu.vector_store %arg12[%swap3A_495], %broadcast_in_dim3A_24 {strides = array<i32>} : memref<4096xf32, #tpu.memory_space<vmem>>, vector<16xf32>,
    %swap3A_497 = arith.constant 3648 : index
    %swap3A_498 = tpu.vector_load %arg12[%swap3A_497] {strides = array<i32>} : memref<4096xf32, #tpu.memory_space<vmem>>, vector<16xf32>,
    tpu.vector_store %arg12[%swap3A_497], %broadcast_in_dim3A_24 {strides = array<i32>} : memref<4096xf32, #tpu.memory_space<vmem>>, vector<16xf32>,
    %swap3A_499 = arith.constant 3664 : index
    %swap3A_500 = tpu.vector_load %arg12[%swap3A_499] {strides = array<i32>} : memref<4096xf32, #tpu.memory_space<vmem>>, vector<16xf32>,
    tpu.vector_store %arg12[%swap3A_499], %broadcast_in_dim3A_24 {strides = array<i32>} : memref<4096xf32, #tpu.memory_space<vmem>>, vector<16xf32>,
    %swap3A_501 = arith.constant 3680 : index
    %swap3A_502 = tpu.vector_load %arg12[%swap3A_501] {strides = array<i32>} : memref<4096xf32, #tpu.memory_space<vmem>>, vector<16xf32>,
    tpu.vector_store %arg12[%swap3A_501], %broadcast_in_dim3A_24 {strides = array<i32>} : memref<4096xf32, #tpu.memory_space<vmem>>, vector<16xf32>,
    %swap3A_503 = arith.constant 3696 : index
    %swap3A_504 = tpu.vector_load %arg12[%swap3A_503] {strides = array<i32>} : memref<4096xf32, #tpu.memory_space<vmem>>, vector<16xf32>,
    tpu.vector_store %arg12[%swap3A_503], %broadcast_in_dim3A_24 {strides = array<i32>} : memref<4096xf32, #tpu.memory_space<vmem>>, vector<16xf32>,
    %swap3A_505 = arith.constant 3712 : index
    %swap3A_506 = tpu.vector_load %arg12[%swap3A_505] {strides = array<i32>} : memref<4096xf32, #tpu.memory_space<vmem>>, vector<16xf32>,
    tpu.vector_store %arg12[%swap3A_505], %broadcast_in_dim3A_24 {strides = array<i32>} : memref<4096xf32, #tpu.memory_space<vmem>>, vector<16xf32>,
    %swap3A_507 = arith.constant 3728 : index
    %swap3A_508 = tpu.vector_load %arg12[%swap3A_507] {strides = array<i32>} : memref<4096xf32, #tpu.memory_space<vmem>>, vector<16xf32>,
    tpu.vector_store %arg12[%swap3A_507], %broadcast_in_dim3A_24 {strides = array<i32>} : memref<4096xf32, #tpu.memory_space<vmem>>, vector<16xf32>,
    %swap3A_509 = arith.constant 3744 : index
    %swap3A_510 = tpu.vector_load %arg12[%swap3A_509] {strides = array<i32>} : memref<4096xf32, #tpu.memory_space<vmem>>, vector<16xf32>,
    tpu.vector_store %arg12[%swap3A_509], %broadcast_in_dim3A_24 {strides = array<i32>} : memref<4096xf32, #tpu.memory_space<vmem>>, vector<16xf32>,
    %swap3A_511 = arith.constant 3760 : index
    %swap3A_512 = tpu.vector_load %arg12[%swap3A_511] {strides = array<i32>} : memref<4096xf32, #tpu.memory_space<vmem>>, vector<16xf32>,
    tpu.vector_store %arg12[%swap3A_511], %broadcast_in_dim3A_24 {strides = array<i32>} : memref<4096xf32, #tpu.memory_space<vmem>>, vector<16xf32>,
    %swap3A_513 = arith.constant 3776 : index
    %swap3A_514 = tpu.vector_load %arg12[%swap3A_513] {strides = array<i32>} : memref<4096xf32, #tpu.memory_space<vmem>>, vector<16xf32>,
    tpu.vector_store %arg12[%swap3A_513], %broadcast_in_dim3A_24 {strides = array<i32>} : memref<4096xf32, #tpu.memory_space<vmem>>, vector<16xf32>,
    %swap3A_515 = arith.constant 3792 : index
    %swap3A_516 = tpu.vector_load %arg12[%swap3A_515] {strides = array<i32>} : memref<4096xf32, #tpu.memory_space<vmem>>, vector<16xf32>,
    tpu.vector_store %arg12[%swap3A_515], %broadcast_in_dim3A_24 {strides = array<i32>} : memref<4096xf32, #tpu.memory_space<vmem>>, vector<16xf32>,
    %swap3A_517 = arith.constant 3808 : index
    %swap3A_518 = tpu.vector_load %arg12[%swap3A_517] {strides = array<i32>} : memref<4096xf32, #tpu.memory_space<vmem>>, vector<16xf32>,
    tpu.vector_store %arg12[%swap3A_517], %broadcast_in_dim3A_24 {strides = array<i32>} : memref<4096xf32, #tpu.memory_space<vmem>>, vector<16xf32>,
    %swap3A_519 = arith.constant 3824 : index
    %swap3A_520 = tpu.vector_load %arg12[%swap3A_519] {strides = array<i32>} : memref<4096xf32, #tpu.memory_space<vmem>>, vector<16xf32>,
    tpu.vector_store %arg12[%swap3A_519], %broadcast_in_dim3A_24 {strides = array<i32>} : memref<4096xf32, #tpu.memory_space<vmem>>, vector<16xf32>,
    %swap3A_521 = arith.constant 3840 : index
    %swap3A_522 = tpu.vector_load %arg12[%swap3A_521] {strides = array<i32>} : memref<4096xf32, #tpu.memory_space<vmem>>, vector<16xf32>,
    tpu.vector_store %arg12[%swap3A_521], %broadcast_in_dim3A_24 {strides = array<i32>} : memref<4096xf32, #tpu.memory_space<vmem>>, vector<16xf32>,
    %swap3A_523 = arith.constant 3856 : index
    %swap3A_524 = tpu.vector_load %arg12[%swap3A_523] {strides = array<i32>} : memref<4096xf32, #tpu.memory_space<vmem>>, vector<16xf32>,
    tpu.vector_store %arg12[%swap3A_523], %broadcast_in_dim3A_24 {strides = array<i32>} : memref<4096xf32, #tpu.memory_space<vmem>>, vector<16xf32>,
    %swap3A_525 = arith.constant 3872 : index
    %swap3A_526 = tpu.vector_load %arg12[%swap3A_525] {strides = array<i32>} : memref<4096xf32, #tpu.memory_space<vmem>>, vector<16xf32>,
    tpu.vector_store %arg12[%swap3A_525], %broadcast_in_dim3A_24 {strides = array<i32>} : memref<4096xf32, #tpu.memory_space<vmem>>, vector<16xf32>,
    %swap3A_527 = arith.constant 3888 : index
    %swap3A_528 = tpu.vector_load %arg12[%swap3A_527] {strides = array<i32>} : memref<4096xf32, #tpu.memory_space<vmem>>, vector<16xf32>,
    tpu.vector_store %arg12[%swap3A_527], %broadcast_in_dim3A_24 {strides = array<i32>} : memref<4096xf32, #tpu.memory_space<vmem>>, vector<16xf32>,
    %swap3A_529 = arith.constant 3904 : index
    %swap3A_530 = tpu.vector_load %arg12[%swap3A_529] {strides = array<i32>} : memref<4096xf32, #tpu.memory_space<vmem>>, vector<16xf32>,
    tpu.vector_store %arg12[%swap3A_529], %broadcast_in_dim3A_24 {strides = array<i32>} : memref<4096xf32, #tpu.memory_space<vmem>>, vector<16xf32>,
    %swap3A_531 = arith.constant 3920 : index
    %swap3A_532 = tpu.vector_load %arg12[%swap3A_531] {strides = array<i32>} : memref<4096xf32, #tpu.memory_space<vmem>>, vector<16xf32>,
    tpu.vector_store %arg12[%swap3A_531], %broadcast_in_dim3A_24 {strides = array<i32>} : memref<4096xf32, #tpu.memory_space<vmem>>, vector<16xf32>,
    %swap3A_533 = arith.constant 3936 : index
    %swap3A_534 = tpu.vector_load %arg12[%swap3A_533] {strides = array<i32>} : memref<4096xf32, #tpu.memory_space<vmem>>, vector<16xf32>,
    tpu.vector_store %arg12[%swap3A_533], %broadcast_in_dim3A_24 {strides = array<i32>} : memref<4096xf32, #tpu.memory_space<vmem>>, vector<16xf32>,
    %swap3A_535 = arith.constant 3952 : index
    %swap3A_536 = tpu.vector_load %arg12[%swap3A_535] {strides = array<i32>} : memref<4096xf32, #tpu.memory_space<vmem>>, vector<16xf32>,
    tpu.vector_store %arg12[%swap3A_535], %broadcast_in_dim3A_24 {strides = array<i32>} : memref<4096xf32, #tpu.memory_space<vmem>>, vector<16xf32>,
    %swap3A_537 = arith.constant 3968 : index
    %swap3A_538 = tpu.vector_load %arg12[%swap3A_537] {strides = array<i32>} : memref<4096xf32, #tpu.memory_space<vmem>>, vector<16xf32>,
    tpu.vector_store %arg12[%swap3A_537], %broadcast_in_dim3A_24 {strides = array<i32>} : memref<4096xf32, #tpu.memory_space<vmem>>, vector<16xf32>,
    %swap3A_539 = arith.constant 3984 : index
    %swap3A_540 = tpu.vector_load %arg12[%swap3A_539] {strides = array<i32>} : memref<4096xf32, #tpu.memory_space<vmem>>, vector<16xf32>,
    tpu.vector_store %arg12[%swap3A_539], %broadcast_in_dim3A_24 {strides = array<i32>} : memref<4096xf32, #tpu.memory_space<vmem>>, vector<16xf32>,
    %swap3A_541 = arith.constant 4000 : index
    %swap3A_542 = tpu.vector_load %arg12[%swap3A_541] {strides = array<i32>} : memref<4096xf32, #tpu.memory_space<vmem>>, vector<16xf32>,
    tpu.vector_store %arg12[%swap3A_541], %broadcast_in_dim3A_24 {strides = array<i32>} : memref<4096xf32, #tpu.memory_space<vmem>>, vector<16xf32>,
    %swap3A_543 = arith.constant 4016 : index
    %swap3A_544 = tpu.vector_load %arg12[%swap3A_543] {strides = array<i32>} : memref<4096xf32, #tpu.memory_space<vmem>>, vector<16xf32>,
    tpu.vector_store %arg12[%swap3A_543], %broadcast_in_dim3A_24 {strides = array<i32>} : memref<4096xf32, #tpu.memory_space<vmem>>, vector<16xf32>,
    %swap3A_545 = arith.constant 4032 : index
    %swap3A_546 = tpu.vector_load %arg12[%swap3A_545] {strides = array<i32>} : memref<4096xf32, #tpu.memory_space<vmem>>, vector<16xf32>,
    tpu.vector_store %arg12[%swap3A_545], %broadcast_in_dim3A_24 {strides = array<i32>} : memref<4096xf32, #tpu.memory_space<vmem>>, vector<16xf32>,
    %swap3A_547 = arith.constant 4048 : index
    %swap3A_548 = tpu.vector_load %arg12[%swap3A_547] {strides = array<i32>} : memref<4096xf32, #tpu.memory_space<vmem>>, vector<16xf32>,
    tpu.vector_store %arg12[%swap3A_547], %broadcast_in_dim3A_24 {strides = array<i32>} : memref<4096xf32, #tpu.memory_space<vmem>>, vector<16xf32>,
    %swap3A_549 = arith.constant 4064 : index
    %swap3A_550 = tpu.vector_load %arg12[%swap3A_549] {strides = array<i32>} : memref<4096xf32, #tpu.memory_space<vmem>>, vector<16xf32>,
    tpu.vector_store %arg12[%swap3A_549], %broadcast_in_dim3A_24 {strides = array<i32>} : memref<4096xf32, #tpu.memory_space<vmem>>, vector<16xf32>,
    %swap3A_551 = arith.constant 4080 : index
    %swap3A_552 = tpu.vector_load %arg12[%swap3A_551] {strides = array<i32>} : memref<4096xf32, #tpu.memory_space<vmem>>, vector<16xf32>,
    tpu.vector_store %arg12[%swap3A_551], %broadcast_in_dim3A_24 {strides = array<i32>} : memref<4096xf32, #tpu.memory_space<vmem>>, vector<16xf32>,
    %eq3A = arith.constant 0 : i32
    %eq3A_553 = arith.cmpi eq, %arg1, %eq3A : i32
    %convert_element_type3A = arith.extui %eq3A_553 : i1 to i32
    %cond3A = arith.constant 0 : i32
    %cond3A_554 = arith.cmpi ne, %convert_element_type3A, %cond3A : i32
    scf.if %cond3A_554 {
      "tpu.region"() ({
        %run_scoped3A_627 = tpu.sem_alloc : memref<!tpu.dma_semaphore, #tpu.memory_space<semaphore_mem>>
        tpu.enqueue_dma source(%arg12 : memref<4096xf32, #tpu.memory_space<vmem>>) target(%arg17 : memref<4096xf32, #tpu.memory_space<vmem_shared>>) target_semaphore(%run_scoped3A_627 : memref<!tpu.dma_semaphore, #tpu.memory_space<semaphore_mem>>)
        tpu.wait_dma2 semaphore(%run_scoped3A_627 : memref<!tpu.dma_semaphore, #tpu.memory_space<semaphore_mem>>) src(%arg12 : memref<4096xf32, #tpu.memory_space<vmem>>) dst(%arg17 : memref<4096xf32, #tpu.memory_space<vmem_shared>>)
        tpu.yield
      }) : () -> ()
    } else {
    }
    %add3A_555 = arith.constant 0 : i32
    %add3A_556 = arith.addi %mul3A_2, %add3A_555 : i32
    %run_scoped3A = arith.constant 0 : i32
    "tpu.region"() ({
      %run_scoped3A_627 = tpu.sem_alloc : memref<!tpu.dma_semaphore, #tpu.memory_space<semaphore_mem>>
      %dma_start3A_628 = arith.constant 0 : i32
      %dma_start3A_629 = tpu.memref_slice %arg9[%run_scoped3A, %dma_start3A_628] : memref<4x128xi32, #tpu.memory_space<vmem>> -> memref<1x128xi32, #tpu.memory_space<vmem>>
      %dma_start3A_630 = tpu.memref_squeeze %dma_start3A_629 : memref<1x128xi32, #tpu.memory_space<vmem>> -> memref<128xi32, #tpu.memory_space<vmem>>
      %dma_start3A_631 = tpu.memref_slice %arg2[%add3A_556] : memref<16384xi32, #tpu.memory_space<hbm>> -> memref<128xi32, #tpu.memory_space<hbm>>
      %dma_start3A_632 = arith.constant 0 : i32
      %dma_start3A_633 = tpu.memref_slice %arg9[%run_scoped3A, %dma_start3A_632] : memref<4x128xi32, #tpu.memory_space<vmem>> -> memref<1x128xi32, #tpu.memory_space<vmem>>
      %dma_start3A_634 = tpu.memref_squeeze %dma_start3A_633 : memref<1x128xi32, #tpu.memory_space<vmem>> -> memref<128xi32, #tpu.memory_space<vmem>>
      %dma_start3A_635 = tpu.memref_slice %arg2[%add3A_556] : memref<16384xi32, #tpu.memory_space<hbm>> -> memref<128xi32, #tpu.memory_space<hbm>>
      tpu.enqueue_dma source(%dma_start3A_635 : memref<128xi32, #tpu.memory_space<hbm>>) target(%dma_start3A_634 : memref<128xi32, #tpu.memory_space<vmem>>) target_semaphore(%run_scoped3A_627 : memref<!tpu.dma_semaphore, #tpu.memory_space<semaphore_mem>>)
      %dma_wait3A_636 = arith.constant 0 : i32
      %dma_wait3A_637 = tpu.memref_slice %arg9[%run_scoped3A, %dma_wait3A_636] : memref<4x128xi32, #tpu.memory_space<vmem>> -> memref<1x128xi32, #tpu.memory_space<vmem>>
      %dma_wait3A_638 = tpu.memref_squeeze %dma_wait3A_637 : memref<1x128xi32, #tpu.memory_space<vmem>> -> memref<128xi32, #tpu.memory_space<vmem>>
      %dma_wait3A_639 = tpu.memref_slice %arg2[%add3A_556] : memref<16384xi32, #tpu.memory_space<hbm>> -> memref<128xi32, #tpu.memory_space<hbm>>
      %dma_wait3A_640 = arith.constant 0 : i32
      %dma_wait3A_641 = tpu.memref_slice %arg9[%run_scoped3A, %dma_wait3A_640] : memref<4x128xi32, #tpu.memory_space<vmem>> -> memref<1x128xi32, #tpu.memory_space<vmem>>
      %dma_wait3A_642 = tpu.memref_squeeze %dma_wait3A_641 : memref<1x128xi32, #tpu.memory_space<vmem>> -> memref<128xi32, #tpu.memory_space<vmem>>
      %dma_wait3A_643 = tpu.memref_slice %arg2[%add3A_556] : memref<16384xi32, #tpu.memory_space<hbm>> -> memref<128xi32, #tpu.memory_space<hbm>>
      tpu.wait_dma2 semaphore(%run_scoped3A_627 : memref<!tpu.dma_semaphore, #tpu.memory_space<semaphore_mem>>) src(%dma_wait3A_643 : memref<128xi32, #tpu.memory_space<hbm>>) dst(%dma_wait3A_642 : memref<128xi32, #tpu.memory_space<vmem>>)
      tpu.yield
    }) : () -> ()
    %add3A_557 = arith.constant 128 : i32
    %add3A_558 = arith.addi %mul3A_2, %add3A_557 : i32
    %run_scoped3A_559 = arith.constant 1 : i32
    "tpu.region"() ({
      %run_scoped3A_627 = tpu.sem_alloc : memref<!tpu.dma_semaphore, #tpu.memory_space<semaphore_mem>>
      %dma_start3A_628 = arith.constant 0 : i32
      %dma_start3A_629 = tpu.memref_slice %arg9[%run_scoped3A_559, %dma_start3A_628] : memref<4x128xi32, #tpu.memory_space<vmem>> -> memref<1x128xi32, #tpu.memory_space<vmem>>
      %dma_start3A_630 = tpu.memref_squeeze %dma_start3A_629 : memref<1x128xi32, #tpu.memory_space<vmem>> -> memref<128xi32, #tpu.memory_space<vmem>>
      %dma_start3A_631 = tpu.memref_slice %arg2[%add3A_558] : memref<16384xi32, #tpu.memory_space<hbm>> -> memref<128xi32, #tpu.memory_space<hbm>>
      %dma_start3A_632 = arith.constant 0 : i32
      %dma_start3A_633 = tpu.memref_slice %arg9[%run_scoped3A_559, %dma_start3A_632] : memref<4x128xi32, #tpu.memory_space<vmem>> -> memref<1x128xi32, #tpu.memory_space<vmem>>
      %dma_start3A_634 = tpu.memref_squeeze %dma_start3A_633 : memref<1x128xi32, #tpu.memory_space<vmem>> -> memref<128xi32, #tpu.memory_space<vmem>>
      %dma_start3A_635 = tpu.memref_slice %arg2[%add3A_558] : memref<16384xi32, #tpu.memory_space<hbm>> -> memref<128xi32, #tpu.memory_space<hbm>>
      tpu.enqueue_dma source(%dma_start3A_635 : memref<128xi32, #tpu.memory_space<hbm>>) target(%dma_start3A_634 : memref<128xi32, #tpu.memory_space<vmem>>) target_semaphore(%run_scoped3A_627 : memref<!tpu.dma_semaphore, #tpu.memory_space<semaphore_mem>>)
      %dma_wait3A_636 = arith.constant 0 : i32
      %dma_wait3A_637 = tpu.memref_slice %arg9[%run_scoped3A_559, %dma_wait3A_636] : memref<4x128xi32, #tpu.memory_space<vmem>> -> memref<1x128xi32, #tpu.memory_space<vmem>>
      %dma_wait3A_638 = tpu.memref_squeeze %dma_wait3A_637 : memref<1x128xi32, #tpu.memory_space<vmem>> -> memref<128xi32, #tpu.memory_space<vmem>>
      %dma_wait3A_639 = tpu.memref_slice %arg2[%add3A_558] : memref<16384xi32, #tpu.memory_space<hbm>> -> memref<128xi32, #tpu.memory_space<hbm>>
      %dma_wait3A_640 = arith.constant 0 : i32
      %dma_wait3A_641 = tpu.memref_slice %arg9[%run_scoped3A_559, %dma_wait3A_640] : memref<4x128xi32, #tpu.memory_space<vmem>> -> memref<1x128xi32, #tpu.memory_space<vmem>>
      %dma_wait3A_642 = tpu.memref_squeeze %dma_wait3A_641 : memref<1x128xi32, #tpu.memory_space<vmem>> -> memref<128xi32, #tpu.memory_space<vmem>>
      %dma_wait3A_643 = tpu.memref_slice %arg2[%add3A_558] : memref<16384xi32, #tpu.memory_space<hbm>> -> memref<128xi32, #tpu.memory_space<hbm>>
      tpu.wait_dma2 semaphore(%run_scoped3A_627 : memref<!tpu.dma_semaphore, #tpu.memory_space<semaphore_mem>>) src(%dma_wait3A_643 : memref<128xi32, #tpu.memory_space<hbm>>) dst(%dma_wait3A_642 : memref<128xi32, #tpu.memory_space<vmem>>)
      tpu.yield
    }) : () -> ()
    %add3A_560 = arith.constant 256 : i32
    %add3A_561 = arith.addi %mul3A_2, %add3A_560 : i32
    %run_scoped3A_562 = arith.constant 2 : i32
    "tpu.region"() ({
      %run_scoped3A_627 = tpu.sem_alloc : memref<!tpu.dma_semaphore, #tpu.memory_space<semaphore_mem>>
      %dma_start3A_628 = arith.constant 0 : i32
      %dma_start3A_629 = tpu.memref_slice %arg9[%run_scoped3A_562, %dma_start3A_628] : memref<4x128xi32, #tpu.memory_space<vmem>> -> memref<1x128xi32, #tpu.memory_space<vmem>>
      %dma_start3A_630 = tpu.memref_squeeze %dma_start3A_629 : memref<1x128xi32, #tpu.memory_space<vmem>> -> memref<128xi32, #tpu.memory_space<vmem>>
      %dma_start3A_631 = tpu.memref_slice %arg2[%add3A_561] : memref<16384xi32, #tpu.memory_space<hbm>> -> memref<128xi32, #tpu.memory_space<hbm>>
      %dma_start3A_632 = arith.constant 0 : i32
      %dma_start3A_633 = tpu.memref_slice %arg9[%run_scoped3A_562, %dma_start3A_632] : memref<4x128xi32, #tpu.memory_space<vmem>> -> memref<1x128xi32, #tpu.memory_space<vmem>>
      %dma_start3A_634 = tpu.memref_squeeze %dma_start3A_633 : memref<1x128xi32, #tpu.memory_space<vmem>> -> memref<128xi32, #tpu.memory_space<vmem>>
      %dma_start3A_635 = tpu.memref_slice %arg2[%add3A_561] : memref<16384xi32, #tpu.memory_space<hbm>> -> memref<128xi32, #tpu.memory_space<hbm>>
      tpu.enqueue_dma source(%dma_start3A_635 : memref<128xi32, #tpu.memory_space<hbm>>) target(%dma_start3A_634 : memref<128xi32, #tpu.memory_space<vmem>>) target_semaphore(%run_scoped3A_627 : memref<!tpu.dma_semaphore, #tpu.memory_space<semaphore_mem>>)
      %dma_wait3A_636 = arith.constant 0 : i32
      %dma_wait3A_637 = tpu.memref_slice %arg9[%run_scoped3A_562, %dma_wait3A_636] : memref<4x128xi32, #tpu.memory_space<vmem>> -> memref<1x128xi32, #tpu.memory_space<vmem>>
      %dma_wait3A_638 = tpu.memref_squeeze %dma_wait3A_637 : memref<1x128xi32, #tpu.memory_space<vmem>> -> memref<128xi32, #tpu.memory_space<vmem>>
      %dma_wait3A_639 = tpu.memref_slice %arg2[%add3A_561] : memref<16384xi32, #tpu.memory_space<hbm>> -> memref<128xi32, #tpu.memory_space<hbm>>
      %dma_wait3A_640 = arith.constant 0 : i32
      %dma_wait3A_641 = tpu.memref_slice %arg9[%run_scoped3A_562, %dma_wait3A_640] : memref<4x128xi32, #tpu.memory_space<vmem>> -> memref<1x128xi32, #tpu.memory_space<vmem>>
      %dma_wait3A_642 = tpu.memref_squeeze %dma_wait3A_641 : memref<1x128xi32, #tpu.memory_space<vmem>> -> memref<128xi32, #tpu.memory_space<vmem>>
      %dma_wait3A_643 = tpu.memref_slice %arg2[%add3A_561] : memref<16384xi32, #tpu.memory_space<hbm>> -> memref<128xi32, #tpu.memory_space<hbm>>
      tpu.wait_dma2 semaphore(%run_scoped3A_627 : memref<!tpu.dma_semaphore, #tpu.memory_space<semaphore_mem>>) src(%dma_wait3A_643 : memref<128xi32, #tpu.memory_space<hbm>>) dst(%dma_wait3A_642 : memref<128xi32, #tpu.memory_space<vmem>>)
      tpu.yield
    }) : () -> ()
    %add3A_563 = arith.constant 384 : i32
    %add3A_564 = arith.addi %mul3A_2, %add3A_563 : i32
    %run_scoped3A_565 = arith.constant 3 : i32
    "tpu.region"() ({
      %run_scoped3A_627 = tpu.sem_alloc : memref<!tpu.dma_semaphore, #tpu.memory_space<semaphore_mem>>
      %dma_start3A_628 = arith.constant 0 : i32
      %dma_start3A_629 = tpu.memref_slice %arg9[%run_scoped3A_565, %dma_start3A_628] : memref<4x128xi32, #tpu.memory_space<vmem>> -> memref<1x128xi32, #tpu.memory_space<vmem>>
      %dma_start3A_630 = tpu.memref_squeeze %dma_start3A_629 : memref<1x128xi32, #tpu.memory_space<vmem>> -> memref<128xi32, #tpu.memory_space<vmem>>
      %dma_start3A_631 = tpu.memref_slice %arg2[%add3A_564] : memref<16384xi32, #tpu.memory_space<hbm>> -> memref<128xi32, #tpu.memory_space<hbm>>
      %dma_start3A_632 = arith.constant 0 : i32
      %dma_start3A_633 = tpu.memref_slice %arg9[%run_scoped3A_565, %dma_start3A_632] : memref<4x128xi32, #tpu.memory_space<vmem>> -> memref<1x128xi32, #tpu.memory_space<vmem>>
      %dma_start3A_634 = tpu.memref_squeeze %dma_start3A_633 : memref<1x128xi32, #tpu.memory_space<vmem>> -> memref<128xi32, #tpu.memory_space<vmem>>
      %dma_start3A_635 = tpu.memref_slice %arg2[%add3A_564] : memref<16384xi32, #tpu.memory_space<hbm>> -> memref<128xi32, #tpu.memory_space<hbm>>
      tpu.enqueue_dma source(%dma_start3A_635 : memref<128xi32, #tpu.memory_space<hbm>>) target(%dma_start3A_634 : memref<128xi32, #tpu.memory_space<vmem>>) target_semaphore(%run_scoped3A_627 : memref<!tpu.dma_semaphore, #tpu.memory_space<semaphore_mem>>)
      %dma_wait3A_636 = arith.constant 0 : i32
      %dma_wait3A_637 = tpu.memref_slice %arg9[%run_scoped3A_565, %dma_wait3A_636] : memref<4x128xi32, #tpu.memory_space<vmem>> -> memref<1x128xi32, #tpu.memory_space<vmem>>
      %dma_wait3A_638 = tpu.memref_squeeze %dma_wait3A_637 : memref<1x128xi32, #tpu.memory_space<vmem>> -> memref<128xi32, #tpu.memory_space<vmem>>
      %dma_wait3A_639 = tpu.memref_slice %arg2[%add3A_564] : memref<16384xi32, #tpu.memory_space<hbm>> -> memref<128xi32, #tpu.memory_space<hbm>>
      %dma_wait3A_640 = arith.constant 0 : i32
      %dma_wait3A_641 = tpu.memref_slice %arg9[%run_scoped3A_565, %dma_wait3A_640] : memref<4x128xi32, #tpu.memory_space<vmem>> -> memref<1x128xi32, #tpu.memory_space<vmem>>
      %dma_wait3A_642 = tpu.memref_squeeze %dma_wait3A_641 : memref<1x128xi32, #tpu.memory_space<vmem>> -> memref<128xi32, #tpu.memory_space<vmem>>
      %dma_wait3A_643 = tpu.memref_slice %arg2[%add3A_564] : memref<16384xi32, #tpu.memory_space<hbm>> -> memref<128xi32, #tpu.memory_space<hbm>>
      tpu.wait_dma2 semaphore(%run_scoped3A_627 : memref<!tpu.dma_semaphore, #tpu.memory_space<semaphore_mem>>) src(%dma_wait3A_643 : memref<128xi32, #tpu.memory_space<hbm>>) dst(%dma_wait3A_642 : memref<128xi32, #tpu.memory_space<vmem>>)
      tpu.yield
    }) : () -> ()
    %barrier3A = arith.constant 0 : index
    tpu.barrier barrier_id(%barrier3A)
    %run_scoped3A_566 = arith.constant 0 : i32
    "tpu.region"() ({
      %run_scoped3A_627 = tpu.sem_alloc : memref<!tpu.dma_semaphore, #tpu.memory_space<semaphore_mem>>
      %dma_start3A_628 = arith.constant 0 : i32
      %dma_start3A_629 = tpu.memref_slice %arg9[%run_scoped3A_566, %dma_start3A_628] : memref<4x128xi32, #tpu.memory_space<vmem>> -> memref<1x128xi32, #tpu.memory_space<vmem>>
      %dma_start3A_630 = tpu.memref_squeeze %dma_start3A_629 : memref<1x128xi32, #tpu.memory_space<vmem>> -> memref<128xi32, #tpu.memory_space<vmem>>
      %dma_start3A_631 = arith.constant 0 : i32
      %dma_start3A_632 = tpu.memref_slice %arg17[%dma_start3A_631] : memref<4096xf32, #tpu.memory_space<vmem_shared>> -> memref<4096xf32, #tpu.memory_space<vmem_shared>>
      tpu.enqueue_indirect_dma source(%arg11 : memref<128xf32, #tpu.memory_space<vmem>>) target(%dma_start3A_632 : memref<4096xf32, #tpu.memory_space<vmem_shared>>) offsets(%dma_start3A_630 : memref<128xi32, #tpu.memory_space<vmem>>) semaphore(%run_scoped3A_627 : memref<!tpu.dma_semaphore, #tpu.memory_space<semaphore_mem>>) {add = true}
      %dma_wait3A_633 = arith.constant 0 : i32
      %dma_wait3A_634 = tpu.memref_slice %arg9[%run_scoped3A_566, %dma_wait3A_633] : memref<4x128xi32, #tpu.memory_space<vmem>> -> memref<1x128xi32, #tpu.memory_space<vmem>>
      %dma_wait3A_635 = tpu.memref_squeeze %dma_wait3A_634 : memref<1x128xi32, #tpu.memory_space<vmem>> -> memref<128xi32, #tpu.memory_space<vmem>>
      %dma_wait3A_636 = arith.constant 0 : i32
      %dma_wait3A_637 = tpu.memref_slice %arg17[%dma_wait3A_636] : memref<4096xf32, #tpu.memory_space<vmem_shared>> -> memref<4096xf32, #tpu.memory_space<vmem_shared>>
      tpu.wait_indirect_dma semaphore(%run_scoped3A_627 : memref<!tpu.dma_semaphore, #tpu.memory_space<semaphore_mem>>) src(%arg11 : memref<128xf32, #tpu.memory_space<vmem>>) dst(%dma_wait3A_637 : memref<4096xf32, #tpu.memory_space<vmem_shared>>)
      tpu.yield
    }) : () -> ()
    %run_scoped3A_567 = arith.constant 1 : i32
    "tpu.region"() ({
      %run_scoped3A_627 = tpu.sem_alloc : memref<!tpu.dma_semaphore, #tpu.memory_space<semaphore_mem>>
      %dma_start3A_628 = arith.constant 0 : i32
      %dma_start3A_629 = tpu.memref_slice %arg9[%run_scoped3A_567, %dma_start3A_628] : memref<4x128xi32, #tpu.memory_space<vmem>> -> memref<1x128xi32, #tpu.memory_space<vmem>>
      %dma_start3A_630 = tpu.memref_squeeze %dma_start3A_629 : memref<1x128xi32, #tpu.memory_space<vmem>> -> memref<128xi32, #tpu.memory_space<vmem>>
      %dma_start3A_631 = arith.constant 0 : i32
      %dma_start3A_632 = tpu.memref_slice %arg17[%dma_start3A_631] : memref<4096xf32, #tpu.memory_space<vmem_shared>> -> memref<4096xf32, #tpu.memory_space<vmem_shared>>
      tpu.enqueue_indirect_dma source(%arg11 : memref<128xf32, #tpu.memory_space<vmem>>) target(%dma_start3A_632 : memref<4096xf32, #tpu.memory_space<vmem_shared>>) offsets(%dma_start3A_630 : memref<128xi32, #tpu.memory_space<vmem>>) semaphore(%run_scoped3A_627 : memref<!tpu.dma_semaphore, #tpu.memory_space<semaphore_mem>>) {add = true}
      %dma_wait3A_633 = arith.constant 0 : i32
      %dma_wait3A_634 = tpu.memref_slice %arg9[%run_scoped3A_567, %dma_wait3A_633] : memref<4x128xi32, #tpu.memory_space<vmem>> -> memref<1x128xi32, #tpu.memory_space<vmem>>
      %dma_wait3A_635 = tpu.memref_squeeze %dma_wait3A_634 : memref<1x128xi32, #tpu.memory_space<vmem>> -> memref<128xi32, #tpu.memory_space<vmem>>
      %dma_wait3A_636 = arith.constant 0 : i32
      %dma_wait3A_637 = tpu.memref_slice %arg17[%dma_wait3A_636] : memref<4096xf32, #tpu.memory_space<vmem_shared>> -> memref<4096xf32, #tpu.memory_space<vmem_shared>>
      tpu.wait_indirect_dma semaphore(%run_scoped3A_627 : memref<!tpu.dma_semaphore, #tpu.memory_space<semaphore_mem>>) src(%arg11 : memref<128xf32, #tpu.memory_space<vmem>>) dst(%dma_wait3A_637 : memref<4096xf32, #tpu.memory_space<vmem_shared>>)
      tpu.yield
    }) : () -> ()
    %run_scoped3A_568 = arith.constant 2 : i32
    "tpu.region"() ({
      %run_scoped3A_627 = tpu.sem_alloc : memref<!tpu.dma_semaphore, #tpu.memory_space<semaphore_mem>>
      %dma_start3A_628 = arith.constant 0 : i32
      %dma_start3A_629 = tpu.memref_slice %arg9[%run_scoped3A_568, %dma_start3A_628] : memref<4x128xi32, #tpu.memory_space<vmem>> -> memref<1x128xi32, #tpu.memory_space<vmem>>
      %dma_start3A_630 = tpu.memref_squeeze %dma_start3A_629 : memref<1x128xi32, #tpu.memory_space<vmem>> -> memref<128xi32, #tpu.memory_space<vmem>>
      %dma_start3A_631 = arith.constant 0 : i32
      %dma_start3A_632 = tpu.memref_slice %arg17[%dma_start3A_631] : memref<4096xf32, #tpu.memory_space<vmem_shared>> -> memref<4096xf32, #tpu.memory_space<vmem_shared>>
      tpu.enqueue_indirect_dma source(%arg11 : memref<128xf32, #tpu.memory_space<vmem>>) target(%dma_start3A_632 : memref<4096xf32, #tpu.memory_space<vmem_shared>>) offsets(%dma_start3A_630 : memref<128xi32, #tpu.memory_space<vmem>>) semaphore(%run_scoped3A_627 : memref<!tpu.dma_semaphore, #tpu.memory_space<semaphore_mem>>) {add = true}
      %dma_wait3A_633 = arith.constant 0 : i32
      %dma_wait3A_634 = tpu.memref_slice %arg9[%run_scoped3A_568, %dma_wait3A_633] : memref<4x128xi32, #tpu.memory_space<vmem>> -> memref<1x128xi32, #tpu.memory_space<vmem>>
      %dma_wait3A_635 = tpu.memref_squeeze %dma_wait3A_634 : memref<1x128xi32, #tpu.memory_space<vmem>> -> memref<128xi32, #tpu.memory_space<vmem>>
      %dma_wait3A_636 = arith.constant 0 : i32
      %dma_wait3A_637 = tpu.memref_slice %arg17[%dma_wait3A_636] : memref<4096xf32, #tpu.memory_space<vmem_shared>> -> memref<4096xf32, #tpu.memory_space<vmem_shared>>
      tpu.wait_indirect_dma semaphore(%run_scoped3A_627 : memref<!tpu.dma_semaphore, #tpu.memory_space<semaphore_mem>>) src(%arg11 : memref<128xf32, #tpu.memory_space<vmem>>) dst(%dma_wait3A_637 : memref<4096xf32, #tpu.memory_space<vmem_shared>>)
      tpu.yield
    }) : () -> ()
    %run_scoped3A_569 = arith.constant 3 : i32
    "tpu.region"() ({
      %run_scoped3A_627 = tpu.sem_alloc : memref<!tpu.dma_semaphore, #tpu.memory_space<semaphore_mem>>
      %dma_start3A_628 = arith.constant 0 : i32
      %dma_start3A_629 = tpu.memref_slice %arg9[%run_scoped3A_569, %dma_start3A_628] : memref<4x128xi32, #tpu.memory_space<vmem>> -> memref<1x128xi32, #tpu.memory_space<vmem>>
      %dma_start3A_630 = tpu.memref_squeeze %dma_start3A_629 : memref<1x128xi32, #tpu.memory_space<vmem>> -> memref<128xi32, #tpu.memory_space<vmem>>
      %dma_start3A_631 = arith.constant 0 : i32
      %dma_start3A_632 = tpu.memref_slice %arg17[%dma_start3A_631] : memref<4096xf32, #tpu.memory_space<vmem_shared>> -> memref<4096xf32, #tpu.memory_space<vmem_shared>>
      tpu.enqueue_indirect_dma source(%arg11 : memref<128xf32, #tpu.memory_space<vmem>>) target(%dma_start3A_632 : memref<4096xf32, #tpu.memory_space<vmem_shared>>) offsets(%dma_start3A_630 : memref<128xi32, #tpu.memory_space<vmem>>) semaphore(%run_scoped3A_627 : memref<!tpu.dma_semaphore, #tpu.memory_space<semaphore_mem>>) {add = true}
      %dma_wait3A_633 = arith.constant 0 : i32
      %dma_wait3A_634 = tpu.memref_slice %arg9[%run_scoped3A_569, %dma_wait3A_633] : memref<4x128xi32, #tpu.memory_space<vmem>> -> memref<1x128xi32, #tpu.memory_space<vmem>>
      %dma_wait3A_635 = tpu.memref_squeeze %dma_wait3A_634 : memref<1x128xi32, #tpu.memory_space<vmem>> -> memref<128xi32, #tpu.memory_space<vmem>>
      %dma_wait3A_636 = arith.constant 0 : i32
      %dma_wait3A_637 = tpu.memref_slice %arg17[%dma_wait3A_636] : memref<4096xf32, #tpu.memory_space<vmem_shared>> -> memref<4096xf32, #tpu.memory_space<vmem_shared>>
      tpu.wait_indirect_dma semaphore(%run_scoped3A_627 : memref<!tpu.dma_semaphore, #tpu.memory_space<semaphore_mem>>) src(%arg11 : memref<128xf32, #tpu.memory_space<vmem>>) dst(%dma_wait3A_637 : memref<4096xf32, #tpu.memory_space<vmem_shared>>)
      tpu.yield
    }) : () -> ()
    %broadcast_in_dim3A_570 = arith.constant 0.000000e+00 : f32
    %broadcast_in_dim3A_571 = vector.broadcast %broadcast_in_dim3A_570 : f32 to vector<16xf32>
    %scan3A = arith.constant 0 : i32
    %scan3A_572 = arith.constant 21 : i32
    %scan3A_573 = arith.addi %scan3A, %scan3A_572 : i32
    %scan3A_574 = arith.constant 1 : i32
    %scan3A_575 = scf.for %scan3A_627 = %scan3A to %scan3A_573 step %scan3A_574 iter_args(%scan3A_628 = %broadcast_in_dim3A_571) -> (vector<16xf32>)  : i32 {
      %mul3A_629 = arith.constant 3 : i32
      %mul3A_630 = arith.muli %scan3A_627, %mul3A_629 : i32
      %add3A_631 = arith.constant 0 : i32
      %add3A_632 = arith.addi %mul3A_630, %add3A_631 : i32
      %mul3A_633 = arith.constant 8 : i32
      %mul3A_634 = arith.muli %add3A_632, %mul3A_633 : i32
      %multiple_of3A_635 = tpu.assume_multiple %mul3A_634, 8 : i32
      %dma_wait3A_636 = tpu.memref_slice %arg8[%multiple_of3A_635] : memref<512xi32, #tpu.memory_space<vmem>> -> memref<8xi32, #tpu.memory_space<vmem>>
      %dma_wait3A_637 = arith.constant 0 : i32
      %dma_wait3A_638 = arith.constant 0 : i32
      %dma_wait3A_639 = tpu.memref_slice %arg4[%dma_wait3A_637, %dma_wait3A_638] : memref<4096x4096xf32, #tpu.memory_space<hbm>> -> memref<4096x4096xf32, #tpu.memory_space<hbm>>
      tpu.wait_indirect_dma semaphore(%arg18 : memref<!tpu.dma_semaphore, #tpu.memory_space<semaphore_mem>>) src(%dma_wait3A_639 : memref<4096x4096xf32, #tpu.memory_space<hbm>>) dst(%arg13 : memref<8x4096xf32, #tpu.memory_space<vmem>>)
      %mul3A_640 = arith.constant 8 : i32
      %mul3A_641 = arith.muli %add3A_632, %mul3A_640 : i32
      %multiple_of3A_642 = tpu.assume_multiple %mul3A_641, 8 : i32
      %add3A_643 = arith.addi %mul3A_2, %multiple_of3A_642 : i32
      %dma_start3A_644 = arith.constant 0 : i32
      %dma_start3A_645 = tpu.memref_slice %arg5[%add3A_643, %dma_start3A_644] : memref<16384x4096xf32, #tpu.memory_space<hbm>> -> memref<8x4096xf32, #tpu.memory_space<hbm>>
      %dma_start3A_646 = arith.constant 0 : i32
      %dma_start3A_647 = tpu.memref_slice %arg5[%add3A_643, %dma_start3A_646] : memref<16384x4096xf32, #tpu.memory_space<hbm>> -> memref<8x4096xf32, #tpu.memory_space<hbm>>
      tpu.enqueue_dma source(%arg13 : memref<8x4096xf32, #tpu.memory_space<vmem>>) target(%dma_start3A_647 : memref<8x4096xf32, #tpu.memory_space<hbm>>) target_semaphore(%arg21 : memref<!tpu.dma_semaphore, #tpu.memory_space<semaphore_mem>>)
      %mul3A_648 = arith.constant 8 : i32
      %mul3A_649 = arith.muli %add3A_632, %mul3A_648 : i32
      %multiple_of3A_650 = tpu.assume_multiple %mul3A_649, 8 : i32
      %get3A_651 = arith.index_cast %multiple_of3A_650 : i32 to index
      %get3A_652 = tpu.vector_load %arg10[%get3A_651] {strides = array<i32>} : memref<528xi32, #tpu.memory_space<vmem>>, vector<16xi32>,
      %and3A_653 = arith.constant 7 : i32
      %and3A_654 = vector.broadcast %and3A_653 : i32 to vector<16xi32>
      %and3A_655 = arith.andi %iota3A, %and3A_654 : vector<16xi32>
      %gather3A_656 = tpu.vector_load_idx %arg13[%and3A_655, %get3A_652] : memref<8x4096xf32, #tpu.memory_space<vmem>>[vector<16xi32>, vector<16xi32>], vector<16xf32>,
      %lt3A_657 = arith.constant 8 : i32
      %lt3A_658 = vector.broadcast %lt3A_657 : i32 to vector<16xi32>
      %lt3A_659 = arith.cmpi slt, %iota3A, %lt3A_658 : vector<16xi32>
      %jit3A_660 = arith.constant 0.000000e+00 : f32
      %broadcast_in_dim3A_661 = vector.broadcast %jit3A_660 : f32 to vector<16xf32>
      %select_n3A_662 = arith.select %lt3A_659, %gather3A_656, %broadcast_in_dim3A_661 : vector<16xi1>, vector<16xf32>
      %add3A_663 = arith.addf %scan3A_628, %select_n3A_662 : vector<16xf32>
      %mul3A_664 = arith.constant 3 : i32
      %mul3A_665 = arith.muli %scan3A_627, %mul3A_664 : i32
      %add3A_666 = arith.constant 1 : i32
      %add3A_667 = arith.addi %mul3A_665, %add3A_666 : i32
      %mul3A_668 = arith.constant 8 : i32
      %mul3A_669 = arith.muli %add3A_667, %mul3A_668 : i32
      %multiple_of3A_670 = tpu.assume_multiple %mul3A_669, 8 : i32
      %dma_wait3A_671 = tpu.memref_slice %arg8[%multiple_of3A_670] : memref<512xi32, #tpu.memory_space<vmem>> -> memref<8xi32, #tpu.memory_space<vmem>>
      %dma_wait3A_672 = arith.constant 0 : i32
      %dma_wait3A_673 = arith.constant 0 : i32
      %dma_wait3A_674 = tpu.memref_slice %arg4[%dma_wait3A_672, %dma_wait3A_673] : memref<4096x4096xf32, #tpu.memory_space<hbm>> -> memref<4096x4096xf32, #tpu.memory_space<hbm>>
      tpu.wait_indirect_dma semaphore(%arg19 : memref<!tpu.dma_semaphore, #tpu.memory_space<semaphore_mem>>) src(%dma_wait3A_674 : memref<4096x4096xf32, #tpu.memory_space<hbm>>) dst(%arg14 : memref<8x4096xf32, #tpu.memory_space<vmem>>)
      %mul3A_675 = arith.constant 8 : i32
      %mul3A_676 = arith.muli %add3A_667, %mul3A_675 : i32
      %multiple_of3A_677 = tpu.assume_multiple %mul3A_676, 8 : i32
      %add3A_678 = arith.addi %mul3A_2, %multiple_of3A_677 : i32
      %dma_start3A_679 = arith.constant 0 : i32
      %dma_start3A_680 = tpu.memref_slice %arg5[%add3A_678, %dma_start3A_679] : memref<16384x4096xf32, #tpu.memory_space<hbm>> -> memref<8x4096xf32, #tpu.memory_space<hbm>>
      %dma_start3A_681 = arith.constant 0 : i32
      %dma_start3A_682 = tpu.memref_slice %arg5[%add3A_678, %dma_start3A_681] : memref<16384x4096xf32, #tpu.memory_space<hbm>> -> memref<8x4096xf32, #tpu.memory_space<hbm>>
      tpu.enqueue_dma source(%arg14 : memref<8x4096xf32, #tpu.memory_space<vmem>>) target(%dma_start3A_682 : memref<8x4096xf32, #tpu.memory_space<hbm>>) target_semaphore(%arg22 : memref<!tpu.dma_semaphore, #tpu.memory_space<semaphore_mem>>)
      %mul3A_683 = arith.constant 8 : i32
      %mul3A_684 = arith.muli %add3A_667, %mul3A_683 : i32
      %multiple_of3A_685 = tpu.assume_multiple %mul3A_684, 8 : i32
      %get3A_686 = arith.index_cast %multiple_of3A_685 : i32 to index
      %get3A_687 = tpu.vector_load %arg10[%get3A_686] {strides = array<i32>} : memref<528xi32, #tpu.memory_space<vmem>>, vector<16xi32>,
      %and3A_688 = arith.constant 7 : i32
      %and3A_689 = vector.broadcast %and3A_688 : i32 to vector<16xi32>
      %and3A_690 = arith.andi %iota3A, %and3A_689 : vector<16xi32>
      %gather3A_691 = tpu.vector_load_idx %arg14[%and3A_690, %get3A_687] : memref<8x4096xf32, #tpu.memory_space<vmem>>[vector<16xi32>, vector<16xi32>], vector<16xf32>,
      %lt3A_692 = arith.constant 8 : i32
      %lt3A_693 = vector.broadcast %lt3A_692 : i32 to vector<16xi32>
      %lt3A_694 = arith.cmpi slt, %iota3A, %lt3A_693 : vector<16xi32>
      %jit3A_695 = arith.constant 0.000000e+00 : f32
      %broadcast_in_dim3A_696 = vector.broadcast %jit3A_695 : f32 to vector<16xf32>
      %select_n3A_697 = arith.select %lt3A_694, %gather3A_691, %broadcast_in_dim3A_696 : vector<16xi1>, vector<16xf32>
      %add3A_698 = arith.addf %add3A_663, %select_n3A_697 : vector<16xf32>
      %mul3A_699 = arith.constant 3 : i32
      %mul3A_700 = arith.muli %scan3A_627, %mul3A_699 : i32
      %add3A_701 = arith.constant 2 : i32
      %add3A_702 = arith.addi %mul3A_700, %add3A_701 : i32
      %mul3A_703 = arith.constant 8 : i32
      %mul3A_704 = arith.muli %add3A_702, %mul3A_703 : i32
      %multiple_of3A_705 = tpu.assume_multiple %mul3A_704, 8 : i32
      %dma_wait3A_706 = tpu.memref_slice %arg8[%multiple_of3A_705] : memref<512xi32, #tpu.memory_space<vmem>> -> memref<8xi32, #tpu.memory_space<vmem>>
      %dma_wait3A_707 = arith.constant 0 : i32
      %dma_wait3A_708 = arith.constant 0 : i32
      %dma_wait3A_709 = tpu.memref_slice %arg4[%dma_wait3A_707, %dma_wait3A_708] : memref<4096x4096xf32, #tpu.memory_space<hbm>> -> memref<4096x4096xf32, #tpu.memory_space<hbm>>
      tpu.wait_indirect_dma semaphore(%arg20 : memref<!tpu.dma_semaphore, #tpu.memory_space<semaphore_mem>>) src(%dma_wait3A_709 : memref<4096x4096xf32, #tpu.memory_space<hbm>>) dst(%arg15 : memref<8x4096xf32, #tpu.memory_space<vmem>>)
      %mul3A_710 = arith.constant 8 : i32
      %mul3A_711 = arith.muli %add3A_702, %mul3A_710 : i32
      %multiple_of3A_712 = tpu.assume_multiple %mul3A_711, 8 : i32
      %add3A_713 = arith.addi %mul3A_2, %multiple_of3A_712 : i32
      %dma_start3A_714 = arith.constant 0 : i32
      %dma_start3A_715 = tpu.memref_slice %arg5[%add3A_713, %dma_start3A_714] : memref<16384x4096xf32, #tpu.memory_space<hbm>> -> memref<8x4096xf32, #tpu.memory_space<hbm>>
      %dma_start3A_716 = arith.constant 0 : i32
      %dma_start3A_717 = tpu.memref_slice %arg5[%add3A_713, %dma_start3A_716] : memref<16384x4096xf32, #tpu.memory_space<hbm>> -> memref<8x4096xf32, #tpu.memory_space<hbm>>
      tpu.enqueue_dma source(%arg15 : memref<8x4096xf32, #tpu.memory_space<vmem>>) target(%dma_start3A_717 : memref<8x4096xf32, #tpu.memory_space<hbm>>) target_semaphore(%arg23 : memref<!tpu.dma_semaphore, #tpu.memory_space<semaphore_mem>>)
      %mul3A_718 = arith.constant 8 : i32
      %mul3A_719 = arith.muli %add3A_702, %mul3A_718 : i32
      %multiple_of3A_720 = tpu.assume_multiple %mul3A_719, 8 : i32
      %get3A_721 = arith.index_cast %multiple_of3A_720 : i32 to index
      %get3A_722 = tpu.vector_load %arg10[%get3A_721] {strides = array<i32>} : memref<528xi32, #tpu.memory_space<vmem>>, vector<16xi32>,
      %and3A_723 = arith.constant 7 : i32
      %and3A_724 = vector.broadcast %and3A_723 : i32 to vector<16xi32>
      %and3A_725 = arith.andi %iota3A, %and3A_724 : vector<16xi32>
      %gather3A_726 = tpu.vector_load_idx %arg15[%and3A_725, %get3A_722] : memref<8x4096xf32, #tpu.memory_space<vmem>>[vector<16xi32>, vector<16xi32>], vector<16xf32>,
      %lt3A_727 = arith.constant 8 : i32
      %lt3A_728 = vector.broadcast %lt3A_727 : i32 to vector<16xi32>
      %lt3A_729 = arith.cmpi slt, %iota3A, %lt3A_728 : vector<16xi32>
      %jit3A_730 = arith.constant 0.000000e+00 : f32
      %broadcast_in_dim3A_731 = vector.broadcast %jit3A_730 : f32 to vector<16xf32>
      %select_n3A_732 = arith.select %lt3A_729, %gather3A_726, %broadcast_in_dim3A_731 : vector<16xi1>, vector<16xf32>
      %add3A_733 = arith.addf %add3A_698, %select_n3A_732 : vector<16xf32>
      %mul3A_734 = arith.constant 3 : i32
      %mul3A_735 = arith.muli %scan3A_627, %mul3A_734 : i32
      %add3A_736 = arith.constant 0 : i32
      %add3A_737 = arith.addi %mul3A_735, %add3A_736 : i32
      %add3A_738 = arith.constant 3 : i32
      %add3A_739 = arith.addi %add3A_737, %add3A_738 : i32
      %lt3A_740 = arith.constant 64 : i32
      %lt3A_741 = arith.cmpi slt, %add3A_739, %lt3A_740 : i32
      %convert_element_type3A_742 = arith.extui %lt3A_741 : i1 to i32
      %cond3A_743 = arith.constant 0 : i32
      %cond3A_744 = arith.cmpi ne, %convert_element_type3A_742, %cond3A_743 : i32
      scf.if %cond3A_744 {
        %mul3A_767 = arith.constant 8 : i32
        %mul3A_768 = arith.muli %add3A_737, %mul3A_767 : i32
        %multiple_of3A_769 = tpu.assume_multiple %mul3A_768, 8 : i32
        %add3A_770 = arith.addi %mul3A_2, %multiple_of3A_769 : i32
        %dma_wait3A_771 = arith.constant 0 : i32
        %dma_wait3A_772 = tpu.memref_slice %arg5[%add3A_770, %dma_wait3A_771] : memref<16384x4096xf32, #tpu.memory_space<hbm>> -> memref<8x4096xf32, #tpu.memory_space<hbm>>
        %dma_wait3A_773 = arith.constant 0 : i32
        %dma_wait3A_774 = tpu.memref_slice %arg5[%add3A_770, %dma_wait3A_773] : memref<16384x4096xf32, #tpu.memory_space<hbm>> -> memref<8x4096xf32, #tpu.memory_space<hbm>>
        tpu.wait_dma2 semaphore(%arg21 : memref<!tpu.dma_semaphore, #tpu.memory_space<semaphore_mem>>) src(%arg13 : memref<8x4096xf32, #tpu.memory_space<vmem>>) dst(%dma_wait3A_774 : memref<8x4096xf32, #tpu.memory_space<hbm>>)
        %add3A_775 = arith.constant 3 : i32
        %add3A_776 = arith.addi %add3A_737, %add3A_775 : i32
        %mul3A_777 = arith.constant 8 : i32
        %mul3A_778 = arith.muli %add3A_776, %mul3A_777 : i32
        %multiple_of3A_779 = tpu.assume_multiple %mul3A_778, 8 : i32
        %dma_start3A_780 = tpu.memref_slice %arg8[%multiple_of3A_779] : memref<512xi32, #tpu.memory_space<vmem>> -> memref<8xi32, #tpu.memory_space<vmem>>
        %dma_start3A_781 = arith.constant 0 : i32
        %dma_start3A_782 = arith.constant 0 : i32
        %dma_start3A_783 = tpu.memref_slice %arg4[%dma_start3A_781, %dma_start3A_782] : memref<4096x4096xf32, #tpu.memory_space<hbm>> -> memref<4096x4096xf32, #tpu.memory_space<hbm>>
        tpu.enqueue_indirect_dma source(%dma_start3A_783 : memref<4096x4096xf32, #tpu.memory_space<hbm>>) target(%arg13 : memref<8x4096xf32, #tpu.memory_space<vmem>>) offsets(%dma_start3A_780 : memref<8xi32, #tpu.memory_space<vmem>>) semaphore(%arg18 : memref<!tpu.dma_semaphore, #tpu.memory_space<semaphore_mem>>)
      } else {
      }
      %mul3A_745 = arith.constant 3 : i32
      %mul3A_746 = arith.muli %scan3A_627, %mul3A_745 : i32
      %add3A_747 = arith.constant 1 : i32
      %add3A_748 = arith.addi %mul3A_746, %add3A_747 : i32
      %add3A_749 = arith.constant 3 : i32
      %add3A_750 = arith.addi %add3A_748, %add3A_749 : i32
      %lt3A_751 = arith.constant 64 : i32
      %lt3A_752 = arith.cmpi slt, %add3A_750, %lt3A_751 : i32
      %convert_element_type3A_753 = arith.extui %lt3A_752 : i1 to i32
      %cond3A_754 = arith.constant 0 : i32
      %cond3A_755 = arith.cmpi ne, %convert_element_type3A_753, %cond3A_754 : i32
      scf.if %cond3A_755 {
        %mul3A_767 = arith.constant 8 : i32
        %mul3A_768 = arith.muli %add3A_748, %mul3A_767 : i32
        %multiple_of3A_769 = tpu.assume_multiple %mul3A_768, 8 : i32
        %add3A_770 = arith.addi %mul3A_2, %multiple_of3A_769 : i32
        %dma_wait3A_771 = arith.constant 0 : i32
        %dma_wait3A_772 = tpu.memref_slice %arg5[%add3A_770, %dma_wait3A_771] : memref<16384x4096xf32, #tpu.memory_space<hbm>> -> memref<8x4096xf32, #tpu.memory_space<hbm>>
        %dma_wait3A_773 = arith.constant 0 : i32
        %dma_wait3A_774 = tpu.memref_slice %arg5[%add3A_770, %dma_wait3A_773] : memref<16384x4096xf32, #tpu.memory_space<hbm>> -> memref<8x4096xf32, #tpu.memory_space<hbm>>
        tpu.wait_dma2 semaphore(%arg22 : memref<!tpu.dma_semaphore, #tpu.memory_space<semaphore_mem>>) src(%arg14 : memref<8x4096xf32, #tpu.memory_space<vmem>>) dst(%dma_wait3A_774 : memref<8x4096xf32, #tpu.memory_space<hbm>>)
        %add3A_775 = arith.constant 3 : i32
        %add3A_776 = arith.addi %add3A_748, %add3A_775 : i32
        %mul3A_777 = arith.constant 8 : i32
        %mul3A_778 = arith.muli %add3A_776, %mul3A_777 : i32
        %multiple_of3A_779 = tpu.assume_multiple %mul3A_778, 8 : i32
        %dma_start3A_780 = tpu.memref_slice %arg8[%multiple_of3A_779] : memref<512xi32, #tpu.memory_space<vmem>> -> memref<8xi32, #tpu.memory_space<vmem>>
        %dma_start3A_781 = arith.constant 0 : i32
        %dma_start3A_782 = arith.constant 0 : i32
        %dma_start3A_783 = tpu.memref_slice %arg4[%dma_start3A_781, %dma_start3A_782] : memref<4096x4096xf32, #tpu.memory_space<hbm>> -> memref<4096x4096xf32, #tpu.memory_space<hbm>>
        tpu.enqueue_indirect_dma source(%dma_start3A_783 : memref<4096x4096xf32, #tpu.memory_space<hbm>>) target(%arg14 : memref<8x4096xf32, #tpu.memory_space<vmem>>) offsets(%dma_start3A_780 : memref<8xi32, #tpu.memory_space<vmem>>) semaphore(%arg19 : memref<!tpu.dma_semaphore, #tpu.memory_space<semaphore_mem>>)
      } else {
      }
      %mul3A_756 = arith.constant 3 : i32
      %mul3A_757 = arith.muli %scan3A_627, %mul3A_756 : i32
      %add3A_758 = arith.constant 2 : i32
      %add3A_759 = arith.addi %mul3A_757, %add3A_758 : i32
      %add3A_760 = arith.constant 3 : i32
      %add3A_761 = arith.addi %add3A_759, %add3A_760 : i32
      %lt3A_762 = arith.constant 64 : i32
      %lt3A_763 = arith.cmpi slt, %add3A_761, %lt3A_762 : i32
      %convert_element_type3A_764 = arith.extui %lt3A_763 : i1 to i32
      %cond3A_765 = arith.constant 0 : i32
      %cond3A_766 = arith.cmpi ne, %convert_element_type3A_764, %cond3A_765 : i32
      scf.if %cond3A_766 {
        %mul3A_767 = arith.constant 8 : i32
        %mul3A_768 = arith.muli %add3A_759, %mul3A_767 : i32
        %multiple_of3A_769 = tpu.assume_multiple %mul3A_768, 8 : i32
        %add3A_770 = arith.addi %mul3A_2, %multiple_of3A_769 : i32
        %dma_wait3A_771 = arith.constant 0 : i32
        %dma_wait3A_772 = tpu.memref_slice %arg5[%add3A_770, %dma_wait3A_771] : memref<16384x4096xf32, #tpu.memory_space<hbm>> -> memref<8x4096xf32, #tpu.memory_space<hbm>>
        %dma_wait3A_773 = arith.constant 0 : i32
        %dma_wait3A_774 = tpu.memref_slice %arg5[%add3A_770, %dma_wait3A_773] : memref<16384x4096xf32, #tpu.memory_space<hbm>> -> memref<8x4096xf32, #tpu.memory_space<hbm>>
        tpu.wait_dma2 semaphore(%arg23 : memref<!tpu.dma_semaphore, #tpu.memory_space<semaphore_mem>>) src(%arg15 : memref<8x4096xf32, #tpu.memory_space<vmem>>) dst(%dma_wait3A_774 : memref<8x4096xf32, #tpu.memory_space<hbm>>)
        %add3A_775 = arith.constant 3 : i32
        %add3A_776 = arith.addi %add3A_759, %add3A_775 : i32
        %mul3A_777 = arith.constant 8 : i32
        %mul3A_778 = arith.muli %add3A_776, %mul3A_777 : i32
        %multiple_of3A_779 = tpu.assume_multiple %mul3A_778, 8 : i32
        %dma_start3A_780 = tpu.memref_slice %arg8[%multiple_of3A_779] : memref<512xi32, #tpu.memory_space<vmem>> -> memref<8xi32, #tpu.memory_space<vmem>>
        %dma_start3A_781 = arith.constant 0 : i32
        %dma_start3A_782 = arith.constant 0 : i32
        %dma_start3A_783 = tpu.memref_slice %arg4[%dma_start3A_781, %dma_start3A_782] : memref<4096x4096xf32, #tpu.memory_space<hbm>> -> memref<4096x4096xf32, #tpu.memory_space<hbm>>
        tpu.enqueue_indirect_dma source(%dma_start3A_783 : memref<4096x4096xf32, #tpu.memory_space<hbm>>) target(%arg15 : memref<8x4096xf32, #tpu.memory_space<vmem>>) offsets(%dma_start3A_780 : memref<8xi32, #tpu.memory_space<vmem>>) semaphore(%arg20 : memref<!tpu.dma_semaphore, #tpu.memory_space<semaphore_mem>>)
      } else {
      }
      scf.yield %add3A_733 : vector<16xf32>
    }
    %scan3A_576 = arith.constant 21 : i32
    %multiple_of3A_577 = arith.constant 504 : i32
    %multiple_of3A_578 = tpu.assume_multiple %multiple_of3A_577, 8 : i32
    %dma_wait3A = tpu.memref_slice %arg8[%multiple_of3A_578] : memref<512xi32, #tpu.memory_space<vmem>> -> memref<8xi32, #tpu.memory_space<vmem>>
    %dma_wait3A_579 = arith.constant 0 : i32
    %dma_wait3A_580 = arith.constant 0 : i32
    %dma_wait3A_581 = tpu.memref_slice %arg4[%dma_wait3A_579, %dma_wait3A_580] : memref<4096x4096xf32, #tpu.memory_space<hbm>> -> memref<4096x4096xf32, #tpu.memory_space<hbm>>
    tpu.wait_indirect_dma semaphore(%arg18 : memref<!tpu.dma_semaphore, #tpu.memory_space<semaphore_mem>>) src(%dma_wait3A_581 : memref<4096x4096xf32, #tpu.memory_space<hbm>>) dst(%arg13 : memref<8x4096xf32, #tpu.memory_space<vmem>>)
    %multiple_of3A_582 = arith.constant 504 : i32
    %multiple_of3A_583 = tpu.assume_multiple %multiple_of3A_582, 8 : i32
    %add3A_584 = arith.addi %mul3A_2, %multiple_of3A_583 : i32
    %dma_start3A_585 = arith.constant 0 : i32
    %dma_start3A_586 = tpu.memref_slice %arg5[%add3A_584, %dma_start3A_585] : memref<16384x4096xf32, #tpu.memory_space<hbm>> -> memref<8x4096xf32, #tpu.memory_space<hbm>>
    %dma_start3A_587 = arith.constant 0 : i32
    %dma_start3A_588 = tpu.memref_slice %arg5[%add3A_584, %dma_start3A_587] : memref<16384x4096xf32, #tpu.memory_space<hbm>> -> memref<8x4096xf32, #tpu.memory_space<hbm>>
    tpu.enqueue_dma source(%arg13 : memref<8x4096xf32, #tpu.memory_space<vmem>>) target(%dma_start3A_588 : memref<8x4096xf32, #tpu.memory_space<hbm>>) target_semaphore(%arg21 : memref<!tpu.dma_semaphore, #tpu.memory_space<semaphore_mem>>)
    %multiple_of3A_589 = arith.constant 504 : i32
    %multiple_of3A_590 = tpu.assume_multiple %multiple_of3A_589, 8 : i32
    %get3A = arith.index_cast %multiple_of3A_590 : i32 to index
    %get3A_591 = tpu.vector_load %arg10[%get3A] {strides = array<i32>} : memref<528xi32, #tpu.memory_space<vmem>>, vector<16xi32>,
    %and3A = arith.constant 7 : i32
    %and3A_592 = vector.broadcast %and3A : i32 to vector<16xi32>
    %and3A_593 = arith.andi %iota3A, %and3A_592 : vector<16xi32>
    %gather3A = tpu.vector_load_idx %arg13[%and3A_593, %get3A_591] : memref<8x4096xf32, #tpu.memory_space<vmem>>[vector<16xi32>, vector<16xi32>], vector<16xf32>,
    %lt3A = arith.constant 8 : i32
    %lt3A_594 = vector.broadcast %lt3A : i32 to vector<16xi32>
    %lt3A_595 = arith.cmpi slt, %iota3A, %lt3A_594 : vector<16xi32>
    %jit3A = arith.constant 0.000000e+00 : f32
    %broadcast_in_dim3A_596 = vector.broadcast %jit3A : f32 to vector<16xf32>
    %select_n3A = arith.select %lt3A_595, %gather3A, %broadcast_in_dim3A_596 : vector<16xi1>, vector<16xf32>
    %add3A_597 = arith.addf %scan3A_575, %select_n3A : vector<16xf32>
    %multiple_of3A_598 = arith.constant 504 : i32
    %multiple_of3A_599 = tpu.assume_multiple %multiple_of3A_598, 8 : i32
    %add3A_600 = arith.addi %mul3A_2, %multiple_of3A_599 : i32
    %dma_wait3A_601 = arith.constant 0 : i32
    %dma_wait3A_602 = tpu.memref_slice %arg5[%add3A_600, %dma_wait3A_601] : memref<16384x4096xf32, #tpu.memory_space<hbm>> -> memref<8x4096xf32, #tpu.memory_space<hbm>>
    %dma_wait3A_603 = arith.constant 0 : i32
    %dma_wait3A_604 = tpu.memref_slice %arg5[%add3A_600, %dma_wait3A_603] : memref<16384x4096xf32, #tpu.memory_space<hbm>> -> memref<8x4096xf32, #tpu.memory_space<hbm>>
    tpu.wait_dma2 semaphore(%arg21 : memref<!tpu.dma_semaphore, #tpu.memory_space<semaphore_mem>>) src(%arg13 : memref<8x4096xf32, #tpu.memory_space<vmem>>) dst(%dma_wait3A_604 : memref<8x4096xf32, #tpu.memory_space<hbm>>)
    %multiple_of3A_605 = arith.constant 488 : i32
    %multiple_of3A_606 = tpu.assume_multiple %multiple_of3A_605, 8 : i32
    %add3A_607 = arith.addi %mul3A_2, %multiple_of3A_606 : i32
    %dma_wait3A_608 = arith.constant 0 : i32
    %dma_wait3A_609 = tpu.memref_slice %arg5[%add3A_607, %dma_wait3A_608] : memref<16384x4096xf32, #tpu.memory_space<hbm>> -> memref<8x4096xf32, #tpu.memory_space<hbm>>
    %dma_wait3A_610 = arith.constant 0 : i32
    %dma_wait3A_611 = tpu.memref_slice %arg5[%add3A_607, %dma_wait3A_610] : memref<16384x4096xf32, #tpu.memory_space<hbm>> -> memref<8x4096xf32, #tpu.memory_space<hbm>>
    tpu.wait_dma2 semaphore(%arg22 : memref<!tpu.dma_semaphore, #tpu.memory_space<semaphore_mem>>) src(%arg14 : memref<8x4096xf32, #tpu.memory_space<vmem>>) dst(%dma_wait3A_611 : memref<8x4096xf32, #tpu.memory_space<hbm>>)
    %multiple_of3A_612 = arith.constant 496 : i32
    %multiple_of3A_613 = tpu.assume_multiple %multiple_of3A_612, 8 : i32
    %add3A_614 = arith.addi %mul3A_2, %multiple_of3A_613 : i32
    %dma_wait3A_615 = arith.constant 0 : i32
    %dma_wait3A_616 = tpu.memref_slice %arg5[%add3A_614, %dma_wait3A_615] : memref<16384x4096xf32, #tpu.memory_space<hbm>> -> memref<8x4096xf32, #tpu.memory_space<hbm>>
    %dma_wait3A_617 = arith.constant 0 : i32
    %dma_wait3A_618 = tpu.memref_slice %arg5[%add3A_614, %dma_wait3A_617] : memref<16384x4096xf32, #tpu.memory_space<hbm>> -> memref<8x4096xf32, #tpu.memory_space<hbm>>
    tpu.wait_dma2 semaphore(%arg23 : memref<!tpu.dma_semaphore, #tpu.memory_space<semaphore_mem>>) src(%arg15 : memref<8x4096xf32, #tpu.memory_space<vmem>>) dst(%dma_wait3A_618 : memref<8x4096xf32, #tpu.memory_space<hbm>>)
    %swap3A_619 = arith.constant 0 : index
    %swap3A_620 = tpu.vector_load %arg16[%swap3A_619] {strides = array<i32>} : memref<16xf32, #tpu.memory_space<vmem>>, vector<16xf32>,
    tpu.vector_store %arg16[%swap3A_619], %add3A_597 {strides = array<i32>} : memref<16xf32, #tpu.memory_space<vmem>>, vector<16xf32>,
    "tpu.region"() ({
      %run_scoped3A_627 = tpu.sem_alloc : memref<!tpu.dma_semaphore, #tpu.memory_space<semaphore_mem>>
      %dma_start3A_628 = arith.constant 0 : i32
      %dma_start3A_629 = tpu.memref_slice %arg6[%add3A, %dma_start3A_628] : memref<32x16xf32, #tpu.memory_space<hbm>> -> memref<1x16xf32, #tpu.memory_space<hbm>>
      %dma_start3A_630 = tpu.memref_squeeze %dma_start3A_629 : memref<1x16xf32, #tpu.memory_space<hbm>> -> memref<16xf32, #tpu.memory_space<hbm>>
      %dma_start3A_631 = arith.constant 0 : i32
      %dma_start3A_632 = tpu.memref_slice %arg6[%add3A, %dma_start3A_631] : memref<32x16xf32, #tpu.memory_space<hbm>> -> memref<1x16xf32, #tpu.memory_space<hbm>>
      %dma_start3A_633 = tpu.memref_squeeze %dma_start3A_632 : memref<1x16xf32, #tpu.memory_space<hbm>> -> memref<16xf32, #tpu.memory_space<hbm>>
      tpu.enqueue_dma source(%arg16 : memref<16xf32, #tpu.memory_space<vmem>>) target(%dma_start3A_633 : memref<16xf32, #tpu.memory_space<hbm>>) target_semaphore(%run_scoped3A_627 : memref<!tpu.dma_semaphore, #tpu.memory_space<semaphore_mem>>)
      %dma_wait3A_634 = arith.constant 0 : i32
      %dma_wait3A_635 = tpu.memref_slice %arg6[%add3A, %dma_wait3A_634] : memref<32x16xf32, #tpu.memory_space<hbm>> -> memref<1x16xf32, #tpu.memory_space<hbm>>
      %dma_wait3A_636 = tpu.memref_squeeze %dma_wait3A_635 : memref<1x16xf32, #tpu.memory_space<hbm>> -> memref<16xf32, #tpu.memory_space<hbm>>
      %dma_wait3A_637 = arith.constant 0 : i32
      %dma_wait3A_638 = tpu.memref_slice %arg6[%add3A, %dma_wait3A_637] : memref<32x16xf32, #tpu.memory_space<hbm>> -> memref<1x16xf32, #tpu.memory_space<hbm>>
      %dma_wait3A_639 = tpu.memref_squeeze %dma_wait3A_638 : memref<1x16xf32, #tpu.memory_space<hbm>> -> memref<16xf32, #tpu.memory_space<hbm>>
      tpu.wait_dma2 semaphore(%run_scoped3A_627 : memref<!tpu.dma_semaphore, #tpu.memory_space<semaphore_mem>>) src(%arg16 : memref<16xf32, #tpu.memory_space<vmem>>) dst(%dma_wait3A_639 : memref<16xf32, #tpu.memory_space<hbm>>)
      tpu.yield
    }) : () -> ()
    %barrier3A_621 = arith.constant 0 : index
    tpu.barrier barrier_id(%barrier3A_621)
    %eq3A_622 = arith.constant 0 : i32
    %eq3A_623 = arith.cmpi eq, %arg1, %eq3A_622 : i32
    %convert_element_type3A_624 = arith.extui %eq3A_623 : i1 to i32
    %cond3A_625 = arith.constant 0 : i32
    %cond3A_626 = arith.cmpi ne, %convert_element_type3A_624, %cond3A_625 : i32
    scf.if %cond3A_626 {
      "tpu.region"() ({
        %run_scoped3A_627 = tpu.sem_alloc : memref<!tpu.dma_semaphore, #tpu.memory_space<semaphore_mem>>
        %dma_start3A_628 = arith.constant 0 : i32
        %dma_start3A_629 = tpu.memref_slice %arg7[%arg0, %dma_start3A_628] : memref<2x4096xf32, #tpu.memory_space<hbm>> -> memref<1x4096xf32, #tpu.memory_space<hbm>>
        %dma_start3A_630 = tpu.memref_squeeze %dma_start3A_629 : memref<1x4096xf32, #tpu.memory_space<hbm>> -> memref<4096xf32, #tpu.memory_space<hbm>>
        tpu.enqueue_dma source(%arg17 : memref<4096xf32, #tpu.memory_space<vmem_shared>>) target(%dma_start3A_630 : memref<4096xf32, #tpu.memory_space<hbm>>) target_semaphore(%run_scoped3A_627 : memref<!tpu.dma_semaphore, #tpu.memory_space<semaphore_mem>>)
        %dma_wait3A_631 = arith.constant 0 : i32
        %dma_wait3A_632 = tpu.memref_slice %arg7[%arg0, %dma_wait3A_631] : memref<2x4096xf32, #tpu.memory_space<hbm>> -> memref<1x4096xf32, #tpu.memory_space<hbm>>
        %dma_wait3A_633 = tpu.memref_squeeze %dma_wait3A_632 : memref<1x4096xf32, #tpu.memory_space<hbm>> -> memref<4096xf32, #tpu.memory_space<hbm>>
        tpu.wait_dma2 semaphore(%run_scoped3A_627 : memref<!tpu.dma_semaphore, #tpu.memory_space<semaphore_mem>>) src(%arg17 : memref<4096xf32, #tpu.memory_space<vmem_shared>>) dst(%dma_wait3A_633 : memref<4096xf32, #tpu.memory_space<hbm>>)
        tpu.yield
      }) : () -> ()
    } else {
    }
    return
  }
}

module attributes {stable_mosaic.version = 14 : i64} {
  func.func @_lse_block(%arg0: i32, %arg1: memref<256x4096xf32, #tpu.memory_space<vmem>>, %arg2: memref<1x1x256xf32, #tpu.memory_space<vmem>>) attributes {dimension_semantics = [#tpu.dimension_semantics<arbitrary>], iteration_bounds = array<i64: 16>, scalar_prefetch = 0 : i64, scratch_operands = 0 : i64, tpu.core_type = #tpu.core_type<tc>, window_params = [{transform_indices = @transform_0, window_bounds = array<i64: 256, 4096>}, {transform_indices = @transform_1, window_bounds = array<i64: 1, 1, 256>}]} {
    %get3A = arith.constant 0 : index
    %get3A_0 = arith.constant 0 : index
    %get3A_1 = vector.load %arg1[%get3A, %get3A_0] : memref<256x4096xf32, #tpu.memory_space<vmem>>, vector<256x4096xf32>
    %reduce_max3A = arith.constant dense<0xFF800000> : vector<256xf32>
    %reduce_max3A_2 = vector.multi_reduction <maximumf>, %get3A_1, %reduce_max3A [1] : vector<256x4096xf32> to vector<256xf32>
    %broadcast_in_dim3A = vector.shape_cast %reduce_max3A_2 : vector<256xf32> to vector<256x1xf32>
    %sub3A = vector.broadcast %broadcast_in_dim3A : vector<256x1xf32> to vector<256x4096xf32>
    %sub3A_3 = arith.subf %get3A_1, %sub3A : vector<256x4096xf32>
    %exp3A = math.exp %sub3A_3 : vector<256x4096xf32>
    %reduce_sum3A = arith.constant dense<0.000000e+00> : vector<256xf32>
    %reduce_sum3A_4 = vector.multi_reduction <add>, %exp3A, %reduce_sum3A [1] : vector<256x4096xf32> to vector<256xf32>
    %log3A = math.log %reduce_sum3A_4 : vector<256xf32>
    %add3A = arith.addf %reduce_max3A_2, %log3A : vector<256xf32>
    %swap3A = arith.constant 0 : index
    %swap3A_5 = arith.constant 0 : index
    %swap3A_6 = arith.constant 0 : index
    %swap3A_7 = vector.load %arg2[%swap3A, %swap3A_5, %swap3A_6] : memref<1x1x256xf32, #tpu.memory_space<vmem>>, vector<1x1x256xf32>
    %swap3A_8 = vector.shape_cast %swap3A_7 : vector<1x1x256xf32> to vector<256xf32>
    %swap3A_9 = vector.shape_cast %add3A : vector<256xf32> to vector<1x1x256xf32>
    tpu.vector_store %arg2[%swap3A, %swap3A_5, %swap3A_6], %swap3A_9 {strides = array<i32>} : memref<1x1x256xf32, #tpu.memory_space<vmem>>, vector<1x1x256xf32>,
    return
  }
  func.func @transform_0(%arg0: i32) -> (i32, i32) {
    %c0_i32 = arith.constant 0 : i32
    %c0_i32_0 = arith.constant 0 : i32
    return %arg0, %c0_i32 : i32, i32
  }
  func.func @transform_1(%arg0: i32) -> (i32, i32, i32) {
    %c0_i32 = arith.constant 0 : i32
    %c0_i32_0 = arith.constant 0 : i32
    %c0_i32_1 = arith.constant 0 : i32
    return %arg0, %c0_i32, %c0_i32_0 : i32, i32, i32
  }
}

</mosaic_0001>

<sc_bundles>
// kernel: kernel.4.cloned.1.call-start
scs
__scs_entry_jumppad:
0x0: {  	(pc) =	sbr.rel $0x88, $3  }
0x1: {  	(tag) =	ssettag $0x0;
	lr =	simm.s32 $0x1  }
0x2: {  	[smem:$0x3F9E] =	sst lr;
	_ =	strace $0xD0000000  }
0x3: {  	_ = 	snop  }
0x4: {  	_ = 	snop  }
0x5: {  	_ = 	snop  }
0x6: {  	_ = 	snop  }
0x7: {  	_ = 	snop  }
__scs_overlays_trampoline_lowered:
0x8: {  	[smem:$0x3FAD] =	sst s0  }
0x9: {  	[smem:$0x3FAE] =	sst s1  }
0xa: {  	[smem:$0x3FAF] =	sst s2  }
0xb: {  	[smem:$0x3FB0] =	sst s3  }
0xc: {  	[smem:$0x3FB1] =	sst s4  }
0xd: {  	[smem:$0x3FB2] =	sst s5  }
0xe: {  	[smem:$0x3FB3] =	sst s6  }
0xf: {  	[smem:$0x3FB4] =	sst s7  }
0x10: {  	[smem:$0x3FB5] =	sst s8  }
0x11: {  	[smem:$0x3FB6] =	sst s9;
	s0 =	simm.s32 @!p0 $0x0  }
0x12: {  	s1 =	sld [smem:$0x3F9C];
	s0 =	simm.s32 @p0 $0x1  }
0x13: {  	[smem:$0x3FB7] =	sst s0;
	s0 =	simm.s32 @!p1 $0x0  }
0x14: {  	s2 =	sld [smem:$0x3F9B];
	s0 =	simm.s32 @p1 $0x1  }
0x15: {  	[smem:$0x3FB8] =	sst s0;
	s0 =	simm.s32 @!p2 $0x0  }
0x16: {  	s3 =	sld [smem:$0x3FDB];
	s0 =	simm.s32 @p2 $0x1  }
0x17: {  	s4 =	simm.s32 $0x1BF5;
	[smem:$0x3FBA] =	sst s0  }
0x18: {  	s0 =	sld [smem:$0x3F9D];
	_ =	swait.ge [sflag:s4], $0x0  }
0x19: {  	s7 =	sld [smem:$0x3F9E]  }
0x1a: {  	s8 =	sadd.s32 $0xFFFFE003, lr  }
0x1b: {  	s9 =	sadd.s32 $0xFFFFFEF7, lr;
	s5 =	simm.s32 $0xFFFFFFFF;
	p2 =	slt.u32 s8, $0xFFFFF086  }
0x1c: {  	p1 =	slt.u32 s9, $0xF7A;
	s5 =	simm.s32 @!p2 $0x0  }
0x1d: {  	s5 =	simm.s32 @p1 $0x1;
	p0 =	seq.s32 s7, s2  }
0x1e: {  	s7 =	smul.u32 @!p0 $0xF7A, s2;
	p2 =	seq.s32 @!p0 s5, $0x0  }
0x1f: {  	s9 =	smul.u32 $0xF7A, s1;
	s8 =	simm.s32 @!p0 $0x1BF5;
	p2 =	por !p2, p0  }
0x20: {  	[sflag:s8] =	ssyncset.s32 @!p0 $0xFFFFF086;
	s6 =	sadd.s32 @!p0 s3, s7;
	s7 =	simm.s32 @!p0 $0x108  }
0x21: {  	s3 =	sadd.s32 s3, s9;
	s6 =	sadd.s32 @!p0 $0x88, s6;
	s7 =	simm.s32 @p2 $0x1082  }
0x22: {  	[simem:s7], [sflag:s8] =	dma.local @!p0 [hbm:s6], $0xF7A  }
0x23: {  	s9 =	sor.u32 $0xD0000000, s2;
	s6 =	simm.s32 $0x108;
	_ =	swait.ge @!p0 [sflag:s8], $0x0  }
0x24: {  	s3 =	sadd.s32 $0x88, s3;
	s6 =	simm.s32 @!p1 $0x1082;
	[sflag:s4] =	ssyncset.s32 $0xFFFFF086  }
0x25: {  	[simem:s6], [sflag:s4] =	dma.local [hbm:s3], $0xF7A  }
0x26: {  	[smem:$0x3F9E] =	sst s1;
	(tag) =	ssettag s2;
	_ =	strace s9  }
0x27: {  	s1 =	sld [smem:$0x3FAE]  }
0x28: {  	s2 =	sld [smem:$0x3FAF]  }
0x29: {  	s4 =	sld [smem:$0x3FB1]  }
0x2a: {  	p0 =	seq.s32 s5, $0x0;
	s5 =	sld [smem:$0x3FB2]  }
0x2b: {  	s6 =	sld [smem:$0x3FB3]  }
0x2c: {  	s7 =	sld [smem:$0x3FB4]  }
0x2d: {  	s3 =	simm.s32 $0x108;
	s8 =	sld [smem:$0x3FB5]  }
0x2e: {  	s3 =	simm.s32 @!p0 $0x1082;
	s9 =	sld [smem:$0x3FB6]  }
0x2f: {  	lr =	sadd.s32 s0, s3;
	s0 =	sld [smem:$0x3FAD]  }
0x30: {  	s3 =	sld [smem:$0x3FB0]  }
0x31: {  	[smem:$0x3FB9] =	sst s10  }
0x32: {  	s10 =	sld [smem:$0x3FB7];
	_ =	sdelay $0x3  }
0x33: {  	p0 =	seq.s32 s10, $0x1;
	s10 =	sld [smem:$0x3FB9];
	_ =	sdelay $0x3  }
0x34: {  	[smem:$0x3FB9] =	sst s10  }
0x35: {  	s10 =	sld [smem:$0x3FB8];
	_ =	sdelay $0x3  }
0x36: {  	p1 =	seq.s32 s10, $0x1;
	s10 =	sld [smem:$0x3FB9];
	_ =	sdelay $0x3  }
0x37: {  	[smem:$0x3FB9] =	sst s10  }
0x38: {  	s10 =	sld [smem:$0x3FBA]  }
0x39: {  	_ = 	snop;
	(pc) =	sbr.ind lr, $3  }
0x3a: {  	_ = 	snop  }
0x3b: {  	_ = 	snop  }
0x3c: {  	p2 =	seq.s32 s10, $0x1;
	s10 =	sld [smem:$0x3FB9]  }
0x3d: {  	_ =	shalt  }
0x3e: {  	_ =	shalt  }
0x3f: {  	_ =	shalt  }
0x40: {  	_ =	shalt  }
0x41: {  	_ =	shalt  }
0x42: {  	_ =	shalt  }
0x43: {  	_ =	shalt  }
0x44: {  	_ =	shalt  }
0x45: {  	_ =	shalt  }
0x46: {  	_ =	shalt  }
0x47: {  	_ =	shalt  }
0x48: {  	_ =	shalt  }
0x49: {  	_ =	shalt  }
0x4a: {  	_ =	shalt  }
0x4b: {  	_ =	shalt  }
0x4c: {  	_ =	shalt  }
0x4d: {  	_ =	shalt  }
0x4e: {  	_ =	shalt  }
0x4f: {  	_ =	shalt  }
0x50: {  	_ =	shalt  }
0x51: {  	_ =	shalt  }
0x52: {  	_ =	shalt  }
0x53: {  	_ =	shalt  }
0x54: {  	_ =	shalt  }
0x55: {  	_ =	shalt  }
0x56: {  	_ =	shalt  }
0x57: {  	_ =	shalt  }
0x58: {  	_ =	shalt  }
0x59: {  	_ =	shalt  }
0x5a: {  	_ =	shalt  }
0x5b: {  	_ =	shalt  }
0x5c: {  	_ =	shalt  }
0x5d: {  	_ =	shalt  }
0x5e: {  	_ =	shalt  }
0x5f: {  	_ =	shalt  }
0x60: {  	_ =	shalt  }
0x61: {  	_ =	shalt  }
0x62: {  	_ =	shalt  }
0x63: {  	_ =	shalt  }
0x64: {  	_ =	shalt  }
0x65: {  	_ =	shalt  }
0x66: {  	_ =	shalt  }
0x67: {  	_ =	shalt  }
0x68: {  	_ =	shalt  }
0x69: {  	_ =	shalt  }
0x6a: {  	_ =	shalt  }
0x6b: {  	_ =	shalt  }
0x6c: {  	_ =	shalt  }
0x6d: {  	_ =	shalt  }
0x6e: {  	_ =	shalt  }
0x6f: {  	_ =	shalt  }
0x70: {  	_ =	shalt  }
0x71: {  	_ =	shalt  }
0x72: {  	_ =	shalt  }
0x73: {  	_ =	shalt  }
0x74: {  	_ =	shalt  }
0x75: {  	_ =	shalt  }
0x76: {  	_ =	shalt  }
0x77: {  	_ =	shalt  }
0x78: {  	_ =	shalt  }
0x79: {  	_ =	shalt  }
0x7a: {  	_ =	shalt  }
0x7b: {  	_ =	shalt  }
0x7c: {  	_ =	shalt  }
0x7d: {  	_ =	shalt  }
0x7e: {  	_ =	shalt  }
0x7f: {  	_ =	shalt  }
0x80: {  	_ =	shalt  }
0x81: {  	_ =	shalt  }
0x82: {  	_ =	shalt  }
0x83: {  	_ =	shalt  }
0x84: {  	_ =	shalt  }
0x85: {  	_ =	shalt  }
0x86: {  	_ =	shalt  }
0x87: {  	_ =	shalt  }
.Lfunc_end0:
.L_simem_size_0:
called_computation_lowered:
.L_overlay_start_0:
0x88: {  	s2 =	sld [smem:$0x3FD9]  }
0x89: {  	s3 =	sld [smem:$0x3FFE];
	_ =	sdelay $0x1  }
0x8a: {  	s1 =	srdreg.scid  }
0x8b: {  	s0 =	sand.u32 $0x1, s1  }
0x8c: {  	s14 =	sshll.u32 s0, $0xA;
	s2 =	sadd.s32 s3, s2  }
0x8d: {  	s2 =	sadd.s32 s2, s14  }
0x8e: {  	[smem:$0x3FC5] =	sst s2  }
0x8f: {  	_ = 	snop  }
0x90: {  	s2 =	sld [smem:$0x3FD0];
	_ =	sdelay $0x2  }
0x91: {  	s4 =	simm.s32 $0xA;
	s5 =	simm.s32 $0x10;
	s15 =	sld [smem:$0x3FC7]  }
0x92: {  	[smem:s5], [sflag:s4] =	dma.local [hbm:s2], $0x1  }
0x93: {  	_ =	swait.eq [sflag:s4], $0x1  }
0x94: {  	[sflag:s4] =	ssyncset.done $0x0  }
0x95: {  	[sflag:s4] =	ssyncadd.s32 $0xFFFFFFFF  }
0x96: {  	s16 =	sld [smem:$0x10];
	(tm) =	ssettm $0x1  }
0x97: {  	s17 =	sld [smem:$0x3FFB];
	_ =	sdelay $0x3  }
0x98: {  	_ =	strace s17  }
0x99: {  	s4 =	sld [smem:$0x3FFC];
	_ =	sdelay $0x3  }
0x9a: {  	_ =	strace s4  }
0x9b: {  	s4 =	sld [smem:$0x3FFD];
	_ =	sdelay $0x3  }
0x9c: {  	_ =	strace s4  }
0x9d: {  	_ =	strace $0x8FFFFFFF  }
0x9e: {  	s18 =	sld [smem:$0x3FDB];
	_ =	sdelay $0x1  }
0x9f: {  	s19 =	simm.s32 $_scs_section_size  }
0xa0: {  	s6 =	simm.s32 $_size__tile_overlayer_lowered;
	s7 =	simm.s32 $_tile_overlayer_lowered  }
0xa1: {  	s22 =	simm.s32 $0x1BFF;
	s21 =	sshll.u32 s7, $0x1;
	s4 =	sadd.s32 s19, s18  }
0xa2: {  	s8 =	simm.s32 $0x0;
	s20 =	sshll.u32 s6, $0x1;
	s6 =	sadd.s32 s21, s4  }
0xa3: {  	[timem:s8], [sflag:s22] =	dma.local [hbm:s6], s20  }
0xa4: {  	_ =	swait.ge [sflag:s22], s20  }
0xa5: {  	s5 =	ssub.s32 $0x0, s20;
	[sflag:s22] =	ssyncset.done $0x0  }
0xa6: {  	[sflag:s22] =	ssyncadd.s32 s5;
	_ =	sdelay $0x1  }
0xa7: {  	s23 =	simm.s32 $0x1B8B  }
0xa8: {  	_ =	swait.ge [sflag:s23], $0x1  }
0xa9: {  	[sflag:s23] =	ssyncset.done $0x0  }
0xaa: {  	s25 =	simm.s32 $0x1B8E;
	s24 =	sld [smem:$0x3FFE];
	[sflag:s23] =	ssyncadd.s32 $0xFFFFFFFF  }
0xab: {  	s26 =	simm.s32 $execute0_lowered;
	[smem:$0x3FD2] =	sst s25  }
0xac: {  	s6 =	sshll.u32 s26, $0x1;
	_ =	strace $0x80000046;
	[dreg:$0x1] =	wrdreg $0xFFFFFFFF  }
0xad: {  	s28 =	simm.s32 $_size_execute0_lowered;
	s4 =	sadd.s32 s4, s6;
	[dreg:$0x0] =	wrdreg $0x0  }
0xae: {  	s6 =	sshll.u32 s28, $0x1;
	[dreg:$0x2] =	wrdreg s4  }
0xaf: {  	[dreg:$0x3] =	wrdreg s6  }
0xb0: {  	[dreg:$0x4] =	wrdreg $0xC0  }
0xb1: {  	_ =	task [dreg:s8], $0x5FFFF  }
0xb2: {  	[dreg:$0x1] =	wrdreg $0xFFFFFFFF  }
0xb3: {  	[dreg:$0x0] =	wrdreg $0x60  }
0xb4: {  	[dreg:$0x2] =	wrdreg s24  }
0xb5: {  	[dreg:$0x3] =	wrdreg s15  }
0xb6: {  	[dreg:$0x4] =	wrdreg s16  }
0xb7: {  	[dreg:$0x5] =	wrdreg $0x197800  }
0xb8: {  	[dreg:$0x6] =	wrdreg $0x9  }
0xb9: {  	_ =	task.clear_ibuf [dreg:s8], $0x7FFFF;
	_ =	strace $0x90000046  }
0xba: {  	s29 =	simm.s32 $0x9;
	_ =	strace $0x80000048  }
0xbb: {  	_ =	swait.ge [sflag:s29], $0x1  }
0xbc: {  	[sflag:s29] =	ssyncadd.s32 $0xFFFFFFFF  }
0xbd: {  	_ =	strace $0x90000048  }
0xbe: {  	_ =	sfence  }
0xbf: {  	s30 =	sld [smem:$0x0];
	_ =	sdelay $0x2  }
0xc0: {  	s31 =	sshll.u32 s1, $0xD;
	s1 =	sshrl.u32 s1, $0x2  }
0xc1: {  	s3 =	sand.u32 $0x4000, s31;
	s1 =	sadd.s32 s1, s30  }
0xc2: {  	s0 =	sor.u32 s3, s0;
	s1 =	sshll.u32 s1, $0x11  }
0xc3: {  	s0 =	sor.u32 s1, s0  }
0xc4: {  	s0 =	sadd.s32 $0x8F2B, s0  }
0xc5: {  	[sflag:s0] =	ssyncadd.remote.s32 $0x1  }
0xc6: {  	_ =	sfence.sel $0xFFFF  }
0xc7: {  	[dreg:$0x0] =	wrdreg $0xFFFFFFFF;
	(pc) =	sbr.abs _section_cstart, $3  }
0xc8: {  	[dreg:$0x1] =	wrdreg $0xFFFFFFFF  }
0xc9: {  	_ =	task.clear_ibuf [dreg:s8], $0x2FFFF;
	_ =	strace $0x9FFFFFFF  }
0xca: {  	(tm) =	ssettm $0x7FFFFFFF  }
0xcb: {  	_ =	shalt  }
tec
execute0_lowered:
.L_overlay_start_1:
0x0: {  	(tag) =	ssettag $0x1  }
0x1: {  	s0 =	rddreg [dreg:$0x0]  }
0x2: {  	s1 =	rddreg [dreg:$0x1]  }
0x3: {  	s2 =	rddreg [dreg:$0x2]  }
0x4: {  	s4 =	srdreg.scid;
	s5 =	stileid.u32;
	s3 =	simm.s32 $0x0  }
0x5: {  	s28 =	simm.s32 $0x1;
	s30 =	simm.s32 $0x2;
	s31 =	simm.s32 $0x3  }
0x6: {  	s29 =	simm.s32 $0x4;
	s4 =	sand.u32 $0x1, s4;
	s6 =	sshll.u32 s5, $0x1  }
0x7: {  	[smem:$0x7FF] =	sst s3;
	s10 =	sadd.s32 $0x500, s1;
	s11 =	sadd.s32 $0x600, s1  }
0x8: {  	s12 =	sadd.s32 $0x700, s1;
	s13 =	sadd.s32 $0x800, s1;
	s14 =	sadd.s32 $0x900, s1  }
0x9: {  	s15 =	sadd.s32 $0xA00, s1;
	s16 =	sadd.s32 $0xB00, s1;
	s26 =	sshll.u32 s5, $0x13  }
0xa: {  	s20 =	sadd.s32 $0xE00, s1;
	p0 =	sne.s32 s5, $0x0;
	s21 =	sadd.s32 $0xF00, s1  }
0xb: {  	s17 =	sor.u32 s4, s6;
	_ =	strace $0x80000047;
	s23 =	ssub.s32 $0x2, s4  }
0xc: {  	s8 =	sshll.u32 s4, $0x4;
	s4 =	sshll.u32 s4, $0x12;
	s6 =	sshll.u32 s17, $0x4  }
0xd: {  	s7 =	sshll.u32 s17, $0x6;
	s9 =	sshrl.u32 s23, $0x1;
	s18 =	sshll.u32 s17, $0x12  }
0xe: {  	s17 =	sadd.s32 $0xC00, s1;
	s22 =	sadd.s32 s6, s0;
	s25 =	sadd.s32 s0, s7  }
0xf: {  	s0 =	sadd.s32 s8, s0;
	s23 =	ssub.s32 s23, s9;
	s6 =	sadd.s32 $0x100, s1  }
0x10: {  	s7 =	sadd.s32 $0x200, s1;
	s24 =	sadd.s32 $0x800, s25;
	[dreg:$0x5] =	wrdreg s25  }
0x11: {  	s8 =	sadd.s32 $0x300, s1;
	s19 =	sadd.s32 $0x1400, s22;
	[dreg:$0x6] =	wrdreg s24  }
0x12: {  	s9 =	sadd.s32 $0x400, s1;
	s0 =	sadd.s32 $0x1000, s0;
	[dreg:$0x9] =	wrdreg s19  }
0x13: {  	s22 =	smax.u32 s23, $0x1;
	s23 =	sadd.s32 $0x10, s25;
	[dreg:$0xa] =	wrdreg s0  }
0x14: {  	s24 =	sadd.s32 s18, s2;
	s2 =	sadd.s32 s26, s2;
	[dreg:$0xb] =	wrdreg s22  }
0x15: {  	s18 =	sadd.s32 $0xD00, s1;
	[dreg:$0xc] =	wrdreg s23;
	s26 =	sadd.s32 $0x30, s25  }
.Ltmp0:
0x16: {  	s22 =	simm.s32 $0x7;
	s0 =	simm.s32 $0x1700;
	(pc) =	sbr.rel .LBB2_1-.Ltmp0, $4  }
0x17: {  	v2 =	vlaneseq.u32;
	s23 =	simm.s32 $0x9700;
	s2 =	sadd.s32 s4, s2;
	[dreg:$0xe] =	wrdreg s26  }
0x18: {  	v0 =	vimm.s32 $0x0;
	vm0 =	vmmov $0xffff;
	v3 =	vimm.f32 $1.000000000e+00;
	s19 =	simm.s32 $0x0;
	s5 =	sadd.s32 $0x3F000, s24;
	[dreg:$0x7] =	wrdreg s2  }
0x19: {  	v4 =	vimm.f32 $0.0e+00;
	v1 =	vand.u32 $0x7, v2;
	v2 =	vshrl.u32 v2, $0x3;
	s24 =	sadd.s32 $0x20, s25;
	s26 =	simm.s32 $0x6;
	[dreg:$0x8] =	wrdreg s5  }
0x1a: {  	vm1 =	vmmov $0xff;
	v2 =	vmul.u32 $0x8, v2;
	v5 =	vmul.u32 $0x80, v1;
	[dreg:$0xd] =	wrdreg s24;
	s24 =	simm.s32 $0x11700;
	s5 =	simm.s32 $0x5  }
.LBB2_4:
0x1b: {  	_ =	swait.ge [sflag:s28], $0x8000  }
0x1c: {  	[sflag:s28] =	ssyncset.done $0x0  }
0x1d: {  	s2 =	rddreg [dreg:$0x8];
	[sflag:s28] =	ssyncadd.s32 $0xFFFF8000  }
0x1e: {  	[hbm4b:s2+s3] =	stream.linear.scatter [tilespmem:s0], [sflag:$0x4], $0x8000, $0x38;
	[tilespmem:$0x19880] =	vst v63  }
0x1f: {  	v7 =	vld [tilespmem:$0x5F8];
	_ =	sdelay $0x4  }
0x20: {  	v8 =	vshll.u32 v7, $0x3  }
0x21: {  	v7 =	vand.u32 $0x7F, v7;
	v8 =	vand.u32 $0xFFFFFC00, v8  }
0x22: {  	v7 =	vor.u32 v8, v7  }
0x23: {  	v7 =	vor.u32 v5, v7;
	_ =	sdelay $0x4  }
0x24: {  	v7 =	vld.idx.msk [tilespmem:v7+s0+$0x0], $0xffff;
	_ =	swait.ge [sflag:s29], $0x8000  }
0x25: {  	[sflag:s29] =	ssyncset.done $0x0  }
0x26: {  	[sflag:s29] =	ssyncadd.s32 $0xFFFF8000  }
0x27: {  	_ =	swait.ge [sflag:s5], $0x8000  }
0x28: {  	[sflag:s5] =	ssyncset.done $0x0  }
0x29: {  	[sflag:s5] =	ssyncadd.s32 $0xFFFF8000  }
0x2a: {  	v7 =	vnsel vm1, $0x0, v7;
	_ =	swait.ge [sflag:s26], $0x8000  }
0x2b: {  	v6 =	vadd.f32 v7, v6;
	[sflag:s26] =	ssyncset.done $0x0  }
0x2c: {  	[sflag:s26] =	ssyncadd.s32 $0xFFFF8000  }
0x2d: {  	s4 =	simm.s32 $0x19700;
	s25 =	simm.s32 $0x7;
	s23 =	rddreg [dreg:$0x9];
	[tilespmem:$0x19700] =	vst v6  }
0x2e: {  	[hbm4b:s23+s3] =	stream.linear.scatter [tilespmem:s4], [sflag:$0x7], $0x80, $0x38;
	[tilespmem:$0x19880] =	vst v63  }
0x2f: {  	_ =	swait.ge [sflag:s25], $0x80  }
0x30: {  	[sflag:s25] =	ssyncset.done $0x0  }
0x31: {  	[sflag:s25] =	ssyncadd.s32 $0xFFFFFF80  }
0x32: {  	[bflag:$0x0] =	sbarrier.arrive $0xFFFF  }
0x33: {  	s2 =	rddreg [dreg:$0x3]  }
0x34: {  	s4 =	rddreg [dreg:$0xa];
	s2 =	sshrl.u32 @!p0 s2, $0x3  }
0x35: {  	s19 =	simm.s32 @!p0 $0x20;
	s22 =	simm.s32 @!p0 $0x1;
	[dreg:$0x10] =	wrdreg s2  }
0x36: {  	s25 =	simm.s32 @!p0 $0x1C07;
	s2 =	simm.s32 @!p0 $0x10;
	s23 =	rddreg [dreg:$0x10]  }
0x37: {  	[hbm:s4@s19], [sflag:s25] =	dma.strided @!p0 [spmem:s23@s2], $0x200, s22, $0x10   }
0x38: {  	s2 =	simm.s32 @!p0 $0x7  }
0x39: {  	_ =	swait.ge @!p0 [sflag:s2], $0x200  }
0x3a: {  	s4 =	rddreg [dreg:$0xf]  }
0x3b: {  	s25 =	rddreg [dreg:$0xb];
	s19 =	sadd.s32 $0x1, s4  }
0x3c: {  	p1 =	sne.s32 s19, s25  }
.Ltmp1:
0x3d: {  	_ = 	snop;
	(pc) =	sbr.rel @!p1 .LBB2_5-.Ltmp1, $3  }
0x3e: {  	_ =	sdelay $0x1  }
0x3f: {  	[sflag:s2] =	ssyncset.done @!p0 $0x0  }
0x40: {  	s23 =	simm.s32 $0x9700;
	s22 =	simm.s32 $0x7;
	[sflag:s2] =	ssyncadd.s32 @!p0 $0xFFFFFE00  }
.LBB2_1:
0x41: {  	[dreg:$0xf] =	wrdreg s19  }
0x42: {  	s2 =	rddreg [dreg:$0x5]  }
0x43: {  	[tilespmem:s3], [sflag:$0x7] =	stream.linear.gather [hbm4b:s2+s3], $0x200, $0x38;
	[tilespmem:$0x19880] =	vst v63  }
0x44: {  	_ =	swait.ge [sflag:s22], $0x200  }
0x45: {  	[sflag:s22] =	ssyncset.done $0x0  }
0x46: {  	s25 =	simm.s32 $0x400;
	s4 =	rddreg [dreg:$0x6];
	[sflag:s22] =	ssyncadd.s32 $0xFFFFFE00  }
0x47: {  	[tilespmem:s25], [sflag:$0x7] =	stream.linear.gather [hbm4b:s4+s3], $0x200, $0x38;
	[tilespmem:$0x19880] =	vst v63  }
0x48: {  	_ =	swait.ge [sflag:s22], $0x200  }
0x49: {  	[sflag:s22] =	ssyncset.done $0x0  }
0x4a: {  	[sflag:s22] =	ssyncadd.s32 $0xFFFFFE00  }
0x4b: {  	v6 =	vld.msk [tilespmem:$0x0], $0xff;
	_ =	sdelay $0x4  }
0x4c: {  	v7 =	vshll.u32 v6, $0x5  }
0x4d: {  	v6 =	vand.u32 $0x7, v6;
	v7 =	vand.u32 $0xFFFFFF00, v7  }
0x4e: {  	v6 =	vor.u32 v6, v7  }
0x4f: {  	v6 =	vperm.xlane v6, v1;
	_ =	sdelay $0x1  }
0x50: {  	v6 =	vadd.s32 v2, v6;
	_ =	sdelay $0x3  }
0x51: {  	[tilespmem:$0x600] =	vst v0  }
0x52: {  	[tilespmem:s0], [sflag:$0x1] =	stream.indirect_vreg.gather [hbm4b:s1+s3], $0x80, v6, vm0, $0xb8;
	[tilespmem:$0x19880] =	vst v63  }
0x53: {  	s19 =	simm.s32 $0x1F00  }
0x54: {  	[tilespmem:s19], [sflag:$0x1] =	stream.indirect_vreg.gather [hbm4b:s6+s3], $0x80, v6, vm0, $0xb8;
	[tilespmem:$0x19880] =	vst v63  }
0x55: {  	s22 =	simm.s32 $0x2700  }
0x56: {  	[tilespmem:s22], [sflag:$0x1] =	stream.indirect_vreg.gather [hbm4b:s7+s3], $0x80, v6, vm0, $0xb8;
	[tilespmem:$0x19880] =	vst v63  }
0x57: {  	s25 =	simm.s32 $0x2F00  }
0x58: {  	[tilespmem:s25], [sflag:$0x1] =	stream.indirect_vreg.gather [hbm4b:s8+s3], $0x80, v6, vm0, $0xb8;
	[tilespmem:$0x19880] =	vst v63  }
0x59: {  	s19 =	simm.s32 $0x3700  }
0x5a: {  	[tilespmem:s19], [sflag:$0x1] =	stream.indirect_vreg.gather [hbm4b:s9+s3], $0x80, v6, vm0, $0xb8;
	[tilespmem:$0x19880] =	vst v63  }
0x5b: {  	s22 =	simm.s32 $0x3F00  }
0x5c: {  	[tilespmem:s22], [sflag:$0x1] =	stream.indirect_vreg.gather [hbm4b:s10+s3], $0x80, v6, vm0, $0xb8;
	[tilespmem:$0x19880] =	vst v63  }
0x5d: {  	s25 =	simm.s32 $0x4700  }
0x5e: {  	[tilespmem:s25], [sflag:$0x1] =	stream.indirect_vreg.gather [hbm4b:s11+s3], $0x80, v6, vm0, $0xb8;
	[tilespmem:$0x19880] =	vst v63  }
0x5f: {  	s19 =	simm.s32 $0x4F00  }
0x60: {  	[tilespmem:s19], [sflag:$0x1] =	stream.indirect_vreg.gather [hbm4b:s12+s3], $0x80, v6, vm0, $0xb8;
	[tilespmem:$0x19880] =	vst v63  }
0x61: {  	s22 =	simm.s32 $0x5700  }
0x62: {  	[tilespmem:s22], [sflag:$0x1] =	stream.indirect_vreg.gather [hbm4b:s13+s3], $0x80, v6, vm0, $0xb8;
	[tilespmem:$0x19880] =	vst v63  }
0x63: {  	s25 =	simm.s32 $0x5F00  }
0x64: {  	[tilespmem:s25], [sflag:$0x1] =	stream.indirect_vreg.gather [hbm4b:s14+s3], $0x80, v6, vm0, $0xb8;
	[tilespmem:$0x19880] =	vst v63  }
0x65: {  	s19 =	simm.s32 $0x6700  }
0x66: {  	[tilespmem:s19], [sflag:$0x1] =	stream.indirect_vreg.gather [hbm4b:s15+s3], $0x80, v6, vm0, $0xb8;
	[tilespmem:$0x19880] =	vst v63  }
0x67: {  	s22 =	simm.s32 $0x6F00  }
0x68: {  	[tilespmem:s22], [sflag:$0x1] =	stream.indirect_vreg.gather [hbm4b:s16+s3], $0x80, v6, vm0, $0xb8;
	[tilespmem:$0x19880] =	vst v63  }
0x69: {  	s25 =	simm.s32 $0x7700  }
0x6a: {  	[tilespmem:s25], [sflag:$0x1] =	stream.indirect_vreg.gather [hbm4b:s17+s3], $0x80, v6, vm0, $0xb8;
	[tilespmem:$0x19880] =	vst v63  }
0x6b: {  	s19 =	simm.s32 $0x7F00  }
0x6c: {  	[tilespmem:s19], [sflag:$0x1] =	stream.indirect_vreg.gather [hbm4b:s18+s3], $0x80, v6, vm0, $0xb8;
	[tilespmem:$0x19880] =	vst v63  }
0x6d: {  	s22 =	simm.s32 $0x8700  }
0x6e: {  	[tilespmem:s22], [sflag:$0x1] =	stream.indirect_vreg.gather [hbm4b:s20+s3], $0x80, v6, vm0, $0xb8;
	[tilespmem:$0x19880] =	vst v63  }
0x6f: {  	s25 =	simm.s32 $0x8F00  }
0x70: {  	[tilespmem:s25], [sflag:$0x1] =	stream.indirect_vreg.gather [hbm4b:s21+s3], $0x80, v6, vm0, $0xb8;
	[tilespmem:$0x19880] =	vst v63  }
0x71: {  	v6 =	vld.msk [tilespmem:$0x8], $0xff;
	_ =	sdelay $0x4  }
0x72: {  	v7 =	vshll.u32 v6, $0x5  }
0x73: {  	v6 =	vand.u32 $0x7, v6;
	v7 =	vand.u32 $0xFFFFFF00, v7  }
0x74: {  	v6 =	vor.u32 v6, v7  }
0x75: {  	v6 =	vperm.xlane v6, v1;
	_ =	sdelay $0x1  }
0x76: {  	v6 =	vadd.s32 v2, v6;
	_ =	sdelay $0x4  }
0x77: {  	[tilespmem:s23], [sflag:$0x2] =	stream.indirect_vreg.gather [hbm4b:s1+s3], $0x80, v6, vm0, $0xb8;
	[tilespmem:$0x19880] =	vst v63  }
0x78: {  	s19 =	simm.s32 $0x9F00  }
0x79: {  	[tilespmem:s19], [sflag:$0x2] =	stream.indirect_vreg.gather [hbm4b:s6+s3], $0x80, v6, vm0, $0xb8;
	[tilespmem:$0x19880] =	vst v63  }
0x7a: {  	s22 =	simm.s32 $0xA700  }
0x7b: {  	[tilespmem:s22], [sflag:$0x2] =	stream.indirect_vreg.gather [hbm4b:s7+s3], $0x80, v6, vm0, $0xb8;
	[tilespmem:$0x19880] =	vst v63  }
0x7c: {  	s25 =	simm.s32 $0xAF00  }
0x7d: {  	[tilespmem:s25], [sflag:$0x2] =	stream.indirect_vreg.gather [hbm4b:s8+s3], $0x80, v6, vm0, $0xb8;
	[tilespmem:$0x19880] =	vst v63  }
0x7e: {  	s19 =	simm.s32 $0xB700  }
0x7f: {  	[tilespmem:s19], [sflag:$0x2] =	stream.indirect_vreg.gather [hbm4b:s9+s3], $0x80, v6, vm0, $0xb8;
	[tilespmem:$0x19880] =	vst v63  }
0x80: {  	s22 =	simm.s32 $0xBF00  }
0x81: {  	[tilespmem:s22], [sflag:$0x2] =	stream.indirect_vreg.gather [hbm4b:s10+s3], $0x80, v6, vm0, $0xb8;
	[tilespmem:$0x19880] =	vst v63  }
0x82: {  	s25 =	simm.s32 $0xC700  }
0x83: {  	[tilespmem:s25], [sflag:$0x2] =	stream.indirect_vreg.gather [hbm4b:s11+s3], $0x80, v6, vm0, $0xb8;
	[tilespmem:$0x19880] =	vst v63  }
0x84: {  	s19 =	simm.s32 $0xCF00  }
0x85: {  	[tilespmem:s19], [sflag:$0x2] =	stream.indirect_vreg.gather [hbm4b:s12+s3], $0x80, v6, vm0, $0xb8;
	[tilespmem:$0x19880] =	vst v63  }
0x86: {  	s22 =	simm.s32 $0xD700  }
0x87: {  	[tilespmem:s22], [sflag:$0x2] =	stream.indirect_vreg.gather [hbm4b:s13+s3], $0x80, v6, vm0, $0xb8;
	[tilespmem:$0x19880] =	vst v63  }
0x88: {  	s25 =	simm.s32 $0xDF00  }
0x89: {  	[tilespmem:s25], [sflag:$0x2] =	stream.indirect_vreg.gather [hbm4b:s14+s3], $0x80, v6, vm0, $0xb8;
	[tilespmem:$0x19880] =	vst v63  }
0x8a: {  	s19 =	simm.s32 $0xE700  }
0x8b: {  	[tilespmem:s19], [sflag:$0x2] =	stream.indirect_vreg.gather [hbm4b:s15+s3], $0x80, v6, vm0, $0xb8;
	[tilespmem:$0x19880] =	vst v63  }
0x8c: {  	s22 =	simm.s32 $0xEF00  }
0x8d: {  	[tilespmem:s22], [sflag:$0x2] =	stream.indirect_vreg.gather [hbm4b:s16+s3], $0x80, v6, vm0, $0xb8;
	[tilespmem:$0x19880] =	vst v63  }
0x8e: {  	s25 =	simm.s32 $0xF700  }
0x8f: {  	[tilespmem:s25], [sflag:$0x2] =	stream.indirect_vreg.gather [hbm4b:s17+s3], $0x80, v6, vm0, $0xb8;
	[tilespmem:$0x19880] =	vst v63  }
0x90: {  	s19 =	simm.s32 $0xFF00  }
0x91: {  	[tilespmem:s19], [sflag:$0x2] =	stream.indirect_vreg.gather [hbm4b:s18+s3], $0x80, v6, vm0, $0xb8;
	[tilespmem:$0x19880] =	vst v63  }
0x92: {  	s22 =	simm.s32 $0x10700  }
0x93: {  	[tilespmem:s22], [sflag:$0x2] =	stream.indirect_vreg.gather [hbm4b:s20+s3], $0x80, v6, vm0, $0xb8;
	[tilespmem:$0x19880] =	vst v63  }
0x94: {  	s25 =	simm.s32 $0x10F00  }
0x95: {  	[tilespmem:s25], [sflag:$0x2] =	stream.indirect_vreg.gather [hbm4b:s21+s3], $0x80, v6, vm0, $0xb8;
	[tilespmem:$0x19880] =	vst v63  }
0x96: {  	v6 =	vld.msk [tilespmem:$0x10], $0xff;
	_ =	sdelay $0x4  }
0x97: {  	v7 =	vshll.u32 v6, $0x5  }
0x98: {  	v6 =	vand.u32 $0x7, v6;
	v7 =	vand.u32 $0xFFFFFF00, v7  }
0x99: {  	v6 =	vor.u32 v6, v7  }
0x9a: {  	v6 =	vperm.xlane v6, v1;
	_ =	sdelay $0x1  }
0x9b: {  	v6 =	vadd.s32 v2, v6;
	_ =	sdelay $0x4  }
0x9c: {  	[tilespmem:s24], [sflag:$0x3] =	stream.indirect_vreg.gather [hbm4b:s1+s3], $0x80, v6, vm0, $0xb8;
	[tilespmem:$0x19880] =	vst v63  }
0x9d: {  	s1 =	simm.s32 $0x11F00  }
0x9e: {  	[tilespmem:s1], [sflag:$0x3] =	stream.indirect_vreg.gather [hbm4b:s6+s3], $0x80, v6, vm0, $0xb8;
	[tilespmem:$0x19880] =	vst v63  }
0x9f: {  	s19 =	simm.s32 $0x12700  }
0xa0: {  	[tilespmem:s19], [sflag:$0x3] =	stream.indirect_vreg.gather [hbm4b:s7+s3], $0x80, v6, vm0, $0xb8;
	[tilespmem:$0x19880] =	vst v63  }
0xa1: {  	s22 =	simm.s32 $0x12F00  }
0xa2: {  	[tilespmem:s22], [sflag:$0x3] =	stream.indirect_vreg.gather [hbm4b:s8+s3], $0x80, v6, vm0, $0xb8;
	[tilespmem:$0x19880] =	vst v63  }
0xa3: {  	s25 =	simm.s32 $0x13700  }
0xa4: {  	[tilespmem:s25], [sflag:$0x3] =	stream.indirect_vreg.gather [hbm4b:s9+s3], $0x80, v6, vm0, $0xb8;
	[tilespmem:$0x19880] =	vst v63  }
0xa5: {  	s1 =	simm.s32 $0x13F00  }
0xa6: {  	[tilespmem:s1], [sflag:$0x3] =	stream.indirect_vreg.gather [hbm4b:s10+s3], $0x80, v6, vm0, $0xb8;
	[tilespmem:$0x19880] =	vst v63  }
0xa7: {  	s19 =	simm.s32 $0x14700  }
0xa8: {  	[tilespmem:s19], [sflag:$0x3] =	stream.indirect_vreg.gather [hbm4b:s11+s3], $0x80, v6, vm0, $0xb8;
	[tilespmem:$0x19880] =	vst v63  }
0xa9: {  	s22 =	simm.s32 $0x14F00  }
0xaa: {  	[tilespmem:s22], [sflag:$0x3] =	stream.indirect_vreg.gather [hbm4b:s12+s3], $0x80, v6, vm0, $0xb8;
	[tilespmem:$0x19880] =	vst v63  }
0xab: {  	s25 =	simm.s32 $0x15700  }
0xac: {  	[tilespmem:s25], [sflag:$0x3] =	stream.indirect_vreg.gather [hbm4b:s13+s3], $0x80, v6, vm0, $0xb8;
	[tilespmem:$0x19880] =	vst v63  }
0xad: {  	s1 =	simm.s32 $0x15F00  }
0xae: {  	[tilespmem:s1], [sflag:$0x3] =	stream.indirect_vreg.gather [hbm4b:s14+s3], $0x80, v6, vm0, $0xb8;
	[tilespmem:$0x19880] =	vst v63  }
0xaf: {  	s19 =	simm.s32 $0x16700  }
0xb0: {  	[tilespmem:s19], [sflag:$0x3] =	stream.indirect_vreg.gather [hbm4b:s15+s3], $0x80, v6, vm0, $0xb8;
	[tilespmem:$0x19880] =	vst v63  }
0xb1: {  	s22 =	simm.s32 $0x16F00  }
0xb2: {  	[tilespmem:s22], [sflag:$0x3] =	stream.indirect_vreg.gather [hbm4b:s16+s3], $0x80, v6, vm0, $0xb8;
	[tilespmem:$0x19880] =	vst v63  }
0xb3: {  	s25 =	simm.s32 $0x17700  }
0xb4: {  	[tilespmem:s25], [sflag:$0x3] =	stream.indirect_vreg.gather [hbm4b:s17+s3], $0x80, v6, vm0, $0xb8;
	[tilespmem:$0x19880] =	vst v63  }
0xb5: {  	s1 =	simm.s32 $0x17F00  }
0xb6: {  	[tilespmem:s1], [sflag:$0x3] =	stream.indirect_vreg.gather [hbm4b:s18+s3], $0x80, v6, vm0, $0xb8;
	[tilespmem:$0x19880] =	vst v63  }
0xb7: {  	s19 =	simm.s32 $0x18700  }
0xb8: {  	[tilespmem:s19], [sflag:$0x3] =	stream.indirect_vreg.gather [hbm4b:s20+s3], $0x80, v6, vm0, $0xb8;
	[tilespmem:$0x19880] =	vst v63  }
0xb9: {  	s22 =	simm.s32 $0x18F00  }
0xba: {  	[tilespmem:s22], [sflag:$0x3] =	stream.indirect_vreg.gather [hbm4b:s21+s3], $0x80, v6, vm0, $0xb8;
	[tilespmem:$0x19880] =	vst v63  }
0xbb: {  	[tilespmem:$0x680] =	vst v3  }
0xbc: {  	[tilespmem:$0x690] =	vst v3  }
0xbd: {  	[tilespmem:$0x6A0] =	vst v3  }
0xbe: {  	[tilespmem:$0x6B0] =	vst v3  }
0xbf: {  	[tilespmem:$0x6C0] =	vst v3  }
0xc0: {  	[tilespmem:$0x6D0] =	vst v3  }
0xc1: {  	[tilespmem:$0x6E0] =	vst v3  }
0xc2: {  	[tilespmem:$0x6F0] =	vst v3  }
0xc3: {  	[tilespmem:$0x700] =	vst v4  }
0xc4: {  	[tilespmem:$0x710] =	vst v4  }
0xc5: {  	[tilespmem:$0x720] =	vst v4  }
0xc6: {  	[tilespmem:$0x730] =	vst v4  }
0xc7: {  	[tilespmem:$0x740] =	vst v4  }
0xc8: {  	[tilespmem:$0x750] =	vst v4  }
0xc9: {  	[tilespmem:$0x760] =	vst v4  }
0xca: {  	[tilespmem:$0x770] =	vst v4  }
0xcb: {  	[tilespmem:$0x780] =	vst v4  }
0xcc: {  	[tilespmem:$0x790] =	vst v4  }
0xcd: {  	[tilespmem:$0x7A0] =	vst v4  }
0xce: {  	[tilespmem:$0x7B0] =	vst v4  }
0xcf: {  	[tilespmem:$0x7C0] =	vst v4  }
0xd0: {  	[tilespmem:$0x7D0] =	vst v4  }
0xd1: {  	[tilespmem:$0x7E0] =	vst v4  }
0xd2: {  	[tilespmem:$0x7F0] =	vst v4  }
0xd3: {  	[tilespmem:$0x800] =	vst v4  }
0xd4: {  	[tilespmem:$0x810] =	vst v4  }
0xd5: {  	[tilespmem:$0x820] =	vst v4  }
0xd6: {  	[tilespmem:$0x830] =	vst v4  }
0xd7: {  	[tilespmem:$0x840] =	vst v4  }
0xd8: {  	[tilespmem:$0x850] =	vst v4  }
0xd9: {  	[tilespmem:$0x860] =	vst v4  }
0xda: {  	[tilespmem:$0x870] =	vst v4  }
0xdb: {  	[tilespmem:$0x880] =	vst v4  }
0xdc: {  	[tilespmem:$0x890] =	vst v4  }
0xdd: {  	[tilespmem:$0x8A0] =	vst v4  }
0xde: {  	[tilespmem:$0x8B0] =	vst v4  }
0xdf: {  	[tilespmem:$0x8C0] =	vst v4  }
0xe0: {  	[tilespmem:$0x8D0] =	vst v4  }
0xe1: {  	[tilespmem:$0x8E0] =	vst v4  }
0xe2: {  	[tilespmem:$0x8F0] =	vst v4  }
0xe3: {  	[tilespmem:$0x900] =	vst v4  }
0xe4: {  	[tilespmem:$0x910] =	vst v4  }
0xe5: {  	[tilespmem:$0x920] =	vst v4  }
0xe6: {  	[tilespmem:$0x930] =	vst v4  }
0xe7: {  	[tilespmem:$0x940] =	vst v4  }
0xe8: {  	[tilespmem:$0x950] =	vst v4  }
0xe9: {  	[tilespmem:$0x960] =	vst v4  }
0xea: {  	[tilespmem:$0x970] =	vst v4  }
0xeb: {  	[tilespmem:$0x980] =	vst v4  }
0xec: {  	[tilespmem:$0x990] =	vst v4  }
0xed: {  	[tilespmem:$0x9A0] =	vst v4  }
0xee: {  	[tilespmem:$0x9B0] =	vst v4  }
0xef: {  	[tilespmem:$0x9C0] =	vst v4  }
0xf0: {  	[tilespmem:$0x9D0] =	vst v4  }
0xf1: {  	[tilespmem:$0x9E0] =	vst v4  }
0xf2: {  	[tilespmem:$0x9F0] =	vst v4  }
0xf3: {  	[tilespmem:$0xA00] =	vst v4  }
0xf4: {  	[tilespmem:$0xA10] =	vst v4  }
0xf5: {  	[tilespmem:$0xA20] =	vst v4  }
0xf6: {  	[tilespmem:$0xA30] =	vst v4  }
0xf7: {  	[tilespmem:$0xA40] =	vst v4  }
0xf8: {  	[tilespmem:$0xA50] =	vst v4  }
0xf9: {  	[tilespmem:$0xA60] =	vst v4  }
0xfa: {  	[tilespmem:$0xA70] =	vst v4  }
0xfb: {  	[tilespmem:$0xA80] =	vst v4  }
0xfc: {  	[tilespmem:$0xA90] =	vst v4  }
0xfd: {  	[tilespmem:$0xAA0] =	vst v4  }
0xfe: {  	[tilespmem:$0xAB0] =	vst v4  }
0xff: {  	[tilespmem:$0xAC0] =	vst v4  }
0x100: {  	[tilespmem:$0xAD0] =	vst v4  }
0x101: {  	[tilespmem:$0xAE0] =	vst v4  }
0x102: {  	[tilespmem:$0xAF0] =	vst v4  }
0x103: {  	[tilespmem:$0xB00] =	vst v4  }
0x104: {  	[tilespmem:$0xB10] =	vst v4  }
0x105: {  	[tilespmem:$0xB20] =	vst v4  }
0x106: {  	[tilespmem:$0xB30] =	vst v4  }
0x107: {  	[tilespmem:$0xB40] =	vst v4  }
0x108: {  	[tilespmem:$0xB50] =	vst v4  }
0x109: {  	[tilespmem:$0xB60] =	vst v4  }
0x10a: {  	[tilespmem:$0xB70] =	vst v4  }
0x10b: {  	[tilespmem:$0xB80] =	vst v4  }
0x10c: {  	[tilespmem:$0xB90] =	vst v4  }
0x10d: {  	[tilespmem:$0xBA0] =	vst v4  }
0x10e: {  	[tilespmem:$0xBB0] =	vst v4  }
0x10f: {  	[tilespmem:$0xBC0] =	vst v4  }
0x110: {  	[tilespmem:$0xBD0] =	vst v4  }
0x111: {  	[tilespmem:$0xBE0] =	vst v4  }
0x112: {  	[tilespmem:$0xBF0] =	vst v4  }
0x113: {  	[tilespmem:$0xC00] =	vst v4  }
0x114: {  	[tilespmem:$0xC10] =	vst v4  }
0x115: {  	[tilespmem:$0xC20] =	vst v4  }
0x116: {  	[tilespmem:$0xC30] =	vst v4  }
0x117: {  	[tilespmem:$0xC40] =	vst v4  }
0x118: {  	[tilespmem:$0xC50] =	vst v4  }
0x119: {  	[tilespmem:$0xC60] =	vst v4  }
0x11a: {  	[tilespmem:$0xC70] =	vst v4  }
0x11b: {  	[tilespmem:$0xC80] =	vst v4  }
0x11c: {  	[tilespmem:$0xC90] =	vst v4  }
0x11d: {  	[tilespmem:$0xCA0] =	vst v4  }
0x11e: {  	[tilespmem:$0xCB0] =	vst v4  }
0x11f: {  	[tilespmem:$0xCC0] =	vst v4  }
0x120: {  	[tilespmem:$0xCD0] =	vst v4  }
0x121: {  	[tilespmem:$0xCE0] =	vst v4  }
0x122: {  	[tilespmem:$0xCF0] =	vst v4  }
0x123: {  	[tilespmem:$0xD00] =	vst v4  }
0x124: {  	[tilespmem:$0xD10] =	vst v4  }
0x125: {  	[tilespmem:$0xD20] =	vst v4  }
0x126: {  	[tilespmem:$0xD30] =	vst v4  }
0x127: {  	[tilespmem:$0xD40] =	vst v4  }
0x128: {  	[tilespmem:$0xD50] =	vst v4  }
0x129: {  	[tilespmem:$0xD60] =	vst v4  }
0x12a: {  	[tilespmem:$0xD70] =	vst v4  }
0x12b: {  	[tilespmem:$0xD80] =	vst v4  }
0x12c: {  	[tilespmem:$0xD90] =	vst v4  }
0x12d: {  	[tilespmem:$0xDA0] =	vst v4  }
0x12e: {  	[tilespmem:$0xDB0] =	vst v4  }
0x12f: {  	[tilespmem:$0xDC0] =	vst v4  }
0x130: {  	[tilespmem:$0xDD0] =	vst v4  }
0x131: {  	[tilespmem:$0xDE0] =	vst v4  }
0x132: {  	[tilespmem:$0xDF0] =	vst v4  }
0x133: {  	[tilespmem:$0xE00] =	vst v4  }
0x134: {  	[tilespmem:$0xE10] =	vst v4  }
0x135: {  	[tilespmem:$0xE20] =	vst v4  }
0x136: {  	[tilespmem:$0xE30] =	vst v4  }
0x137: {  	[tilespmem:$0xE40] =	vst v4  }
0x138: {  	[tilespmem:$0xE50] =	vst v4  }
0x139: {  	[tilespmem:$0xE60] =	vst v4  }
0x13a: {  	[tilespmem:$0xE70] =	vst v4  }
0x13b: {  	[tilespmem:$0xE80] =	vst v4  }
0x13c: {  	[tilespmem:$0xE90] =	vst v4  }
0x13d: {  	[tilespmem:$0xEA0] =	vst v4  }
0x13e: {  	[tilespmem:$0xEB0] =	vst v4  }
0x13f: {  	[tilespmem:$0xEC0] =	vst v4  }
0x140: {  	[tilespmem:$0xED0] =	vst v4  }
0x141: {  	[tilespmem:$0xEE0] =	vst v4  }
0x142: {  	[tilespmem:$0xEF0] =	vst v4  }
0x143: {  	[tilespmem:$0xF00] =	vst v4  }
0x144: {  	[tilespmem:$0xF10] =	vst v4  }
0x145: {  	[tilespmem:$0xF20] =	vst v4  }
0x146: {  	[tilespmem:$0xF30] =	vst v4  }
0x147: {  	[tilespmem:$0xF40] =	vst v4  }
0x148: {  	[tilespmem:$0xF50] =	vst v4  }
0x149: {  	[tilespmem:$0xF60] =	vst v4  }
0x14a: {  	[tilespmem:$0xF70] =	vst v4  }
0x14b: {  	[tilespmem:$0xF80] =	vst v4  }
0x14c: {  	[tilespmem:$0xF90] =	vst v4  }
0x14d: {  	[tilespmem:$0xFA0] =	vst v4  }
0x14e: {  	[tilespmem:$0xFB0] =	vst v4  }
0x14f: {  	[tilespmem:$0xFC0] =	vst v4  }
0x150: {  	[tilespmem:$0xFD0] =	vst v4  }
0x151: {  	[tilespmem:$0xFE0] =	vst v4  }
0x152: {  	[tilespmem:$0xFF0] =	vst v4  }
0x153: {  	[tilespmem:$0x1000] =	vst v4  }
0x154: {  	[tilespmem:$0x1010] =	vst v4  }
0x155: {  	[tilespmem:$0x1020] =	vst v4  }
0x156: {  	[tilespmem:$0x1030] =	vst v4  }
0x157: {  	[tilespmem:$0x1040] =	vst v4  }
0x158: {  	[tilespmem:$0x1050] =	vst v4  }
0x159: {  	[tilespmem:$0x1060] =	vst v4  }
0x15a: {  	[tilespmem:$0x1070] =	vst v4  }
0x15b: {  	[tilespmem:$0x1080] =	vst v4  }
0x15c: {  	[tilespmem:$0x1090] =	vst v4  }
0x15d: {  	[tilespmem:$0x10A0] =	vst v4  }
0x15e: {  	[tilespmem:$0x10B0] =	vst v4  }
0x15f: {  	[tilespmem:$0x10C0] =	vst v4  }
0x160: {  	[tilespmem:$0x10D0] =	vst v4  }
0x161: {  	[tilespmem:$0x10E0] =	vst v4  }
0x162: {  	[tilespmem:$0x10F0] =	vst v4  }
0x163: {  	[tilespmem:$0x1100] =	vst v4  }
0x164: {  	[tilespmem:$0x1110] =	vst v4  }
0x165: {  	[tilespmem:$0x1120] =	vst v4  }
0x166: {  	[tilespmem:$0x1130] =	vst v4  }
0x167: {  	[tilespmem:$0x1140] =	vst v4  }
0x168: {  	[tilespmem:$0x1150] =	vst v4  }
0x169: {  	[tilespmem:$0x1160] =	vst v4  }
0x16a: {  	[tilespmem:$0x1170] =	vst v4  }
0x16b: {  	[tilespmem:$0x1180] =	vst v4  }
0x16c: {  	[tilespmem:$0x1190] =	vst v4  }
0x16d: {  	[tilespmem:$0x11A0] =	vst v4  }
0x16e: {  	[tilespmem:$0x11B0] =	vst v4  }
0x16f: {  	[tilespmem:$0x11C0] =	vst v4  }
0x170: {  	[tilespmem:$0x11D0] =	vst v4  }
0x171: {  	[tilespmem:$0x11E0] =	vst v4  }
0x172: {  	[tilespmem:$0x11F0] =	vst v4  }
0x173: {  	[tilespmem:$0x1200] =	vst v4  }
0x174: {  	[tilespmem:$0x1210] =	vst v4  }
0x175: {  	[tilespmem:$0x1220] =	vst v4  }
0x176: {  	[tilespmem:$0x1230] =	vst v4  }
0x177: {  	[tilespmem:$0x1240] =	vst v4  }
0x178: {  	[tilespmem:$0x1250] =	vst v4  }
0x179: {  	[tilespmem:$0x1260] =	vst v4  }
0x17a: {  	[tilespmem:$0x1270] =	vst v4  }
0x17b: {  	[tilespmem:$0x1280] =	vst v4  }
0x17c: {  	[tilespmem:$0x1290] =	vst v4  }
0x17d: {  	[tilespmem:$0x12A0] =	vst v4  }
0x17e: {  	[tilespmem:$0x12B0] =	vst v4  }
0x17f: {  	[tilespmem:$0x12C0] =	vst v4  }
0x180: {  	[tilespmem:$0x12D0] =	vst v4  }
0x181: {  	[tilespmem:$0x12E0] =	vst v4  }
0x182: {  	[tilespmem:$0x12F0] =	vst v4  }
0x183: {  	[tilespmem:$0x1300] =	vst v4  }
0x184: {  	[tilespmem:$0x1310] =	vst v4  }
0x185: {  	[tilespmem:$0x1320] =	vst v4  }
0x186: {  	[tilespmem:$0x1330] =	vst v4  }
0x187: {  	[tilespmem:$0x1340] =	vst v4  }
0x188: {  	[tilespmem:$0x1350] =	vst v4  }
0x189: {  	[tilespmem:$0x1360] =	vst v4  }
0x18a: {  	[tilespmem:$0x1370] =	vst v4  }
0x18b: {  	[tilespmem:$0x1380] =	vst v4  }
0x18c: {  	[tilespmem:$0x1390] =	vst v4  }
0x18d: {  	[tilespmem:$0x13A0] =	vst v4  }
0x18e: {  	[tilespmem:$0x13B0] =	vst v4  }
0x18f: {  	[tilespmem:$0x13C0] =	vst v4  }
0x190: {  	[tilespmem:$0x13D0] =	vst v4  }
0x191: {  	[tilespmem:$0x13E0] =	vst v4  }
0x192: {  	[tilespmem:$0x13F0] =	vst v4  }
0x193: {  	[tilespmem:$0x1400] =	vst v4  }
0x194: {  	[tilespmem:$0x1410] =	vst v4  }
0x195: {  	[tilespmem:$0x1420] =	vst v4  }
0x196: {  	[tilespmem:$0x1430] =	vst v4  }
0x197: {  	[tilespmem:$0x1440] =	vst v4  }
0x198: {  	[tilespmem:$0x1450] =	vst v4  }
0x199: {  	[tilespmem:$0x1460] =	vst v4  }
0x19a: {  	[tilespmem:$0x1470] =	vst v4  }
0x19b: {  	[tilespmem:$0x1480] =	vst v4  }
0x19c: {  	[tilespmem:$0x1490] =	vst v4  }
0x19d: {  	[tilespmem:$0x14A0] =	vst v4  }
0x19e: {  	[tilespmem:$0x14B0] =	vst v4  }
0x19f: {  	[tilespmem:$0x14C0] =	vst v4  }
0x1a0: {  	[tilespmem:$0x14D0] =	vst v4  }
0x1a1: {  	[tilespmem:$0x14E0] =	vst v4  }
0x1a2: {  	[tilespmem:$0x14F0] =	vst v4  }
0x1a3: {  	[tilespmem:$0x1500] =	vst v4  }
0x1a4: {  	[tilespmem:$0x1510] =	vst v4  }
0x1a5: {  	[tilespmem:$0x1520] =	vst v4  }
0x1a6: {  	[tilespmem:$0x1530] =	vst v4  }
0x1a7: {  	[tilespmem:$0x1540] =	vst v4  }
0x1a8: {  	[tilespmem:$0x1550] =	vst v4  }
0x1a9: {  	[tilespmem:$0x1560] =	vst v4  }
0x1aa: {  	[tilespmem:$0x1570] =	vst v4  }
0x1ab: {  	[tilespmem:$0x1580] =	vst v4  }
0x1ac: {  	[tilespmem:$0x1590] =	vst v4  }
0x1ad: {  	[tilespmem:$0x15A0] =	vst v4  }
0x1ae: {  	[tilespmem:$0x15B0] =	vst v4  }
0x1af: {  	[tilespmem:$0x15C0] =	vst v4  }
0x1b0: {  	[tilespmem:$0x15D0] =	vst v4  }
0x1b1: {  	[tilespmem:$0x15E0] =	vst v4  }
0x1b2: {  	[tilespmem:$0x15F0] =	vst v4  }
0x1b3: {  	[tilespmem:$0x1600] =	vst v4  }
0x1b4: {  	[tilespmem:$0x1610] =	vst v4  }
0x1b5: {  	[tilespmem:$0x1620] =	vst v4  }
0x1b6: {  	[tilespmem:$0x1630] =	vst v4  }
0x1b7: {  	[tilespmem:$0x1640] =	vst v4  }
0x1b8: {  	[tilespmem:$0x1650] =	vst v4  }
0x1b9: {  	[tilespmem:$0x16E0] =	vst v4  }
0x1ba: {  	[tilespmem:$0x16D0] =	vst v4  }
0x1bb: {  	[tilespmem:$0x16F0] =	vst v4  }
0x1bc: {  	[tilespmem:$0x1670] =	vst v4  }
0x1bd: {  	[tilespmem:$0x1680] =	vst v4  }
0x1be: {  	[tilespmem:$0x1690] =	vst v4  }
0x1bf: {  	[tilespmem:$0x16A0] =	vst v4  }
0x1c0: {  	[tilespmem:$0x16B0] =	vst v4  }
0x1c1: {  	[tilespmem:$0x16C0] =	vst v4  }
0x1c2: {  	s4 =	simm.s32 @!p0 $0x700;
	s22 =	rddreg [dreg:$0x3];
	[tilespmem:$0x1660] =	vst v4  }
0x1c3: {  	[spmem:s22] =	stream.linear.scatter @!p0 [tilespmem:s4], [sflag:$0x7], $0x1000, $0x38;
	[tilespmem:$0x19880] =	vst v63  }
0x1c4: {  	s4 =	simm.s32 @!p0 $0x7  }
0x1c5: {  	_ =	swait.ge @!p0 [sflag:s4], $0x1000  }
0x1c6: {  	[sflag:s4] =	ssyncset.done @!p0 $0x0  }
0x1c7: {  	s25 =	simm.s32 $0x200;
	s1 =	simm.s32 $0x7;
	[sflag:s4] =	ssyncadd.s32 @!p0 $0xFFFFF000  }
0x1c8: {  	[tilespmem:s25], [sflag:$0x7] =	stream.linear.gather [hbm4b:s2+s3], $0x80, $0x38;
	[tilespmem:$0x19880] =	vst v63  }
0x1c9: {  	_ =	swait.ge [sflag:s1], $0x80  }
0x1ca: {  	[sflag:s1] =	ssyncset.done $0x0  }
0x1cb: {  	s25 =	simm.s32 $0x280;
	s19 =	rddreg [dreg:$0xc];
	[sflag:s1] =	ssyncadd.s32 $0xFFFFFF80  }
0x1cc: {  	[tilespmem:s25], [sflag:$0x7] =	stream.linear.gather [hbm4b:s19+s3], $0x80, $0x38;
	[tilespmem:$0x19880] =	vst v63  }
0x1cd: {  	_ =	swait.ge [sflag:s1], $0x80  }
0x1ce: {  	[sflag:s1] =	ssyncset.done $0x0  }
0x1cf: {  	s19 =	simm.s32 $0x300;
	s4 =	rddreg [dreg:$0xd];
	[sflag:s1] =	ssyncadd.s32 $0xFFFFFF80  }
0x1d0: {  	[tilespmem:s19], [sflag:$0x7] =	stream.linear.gather [hbm4b:s4+s3], $0x80, $0x38;
	[tilespmem:$0x19880] =	vst v63  }
0x1d1: {  	_ =	swait.ge [sflag:s1], $0x80  }
0x1d2: {  	[sflag:s1] =	ssyncset.done $0x0  }
0x1d3: {  	s19 =	simm.s32 $0x380;
	s4 =	rddreg [dreg:$0xe];
	[sflag:s1] =	ssyncadd.s32 $0xFFFFFF80  }
0x1d4: {  	[tilespmem:s19], [sflag:$0x7] =	stream.linear.gather [hbm4b:s4+s3], $0x80, $0x38;
	[tilespmem:$0x19880] =	vst v63  }
0x1d5: {  	_ =	swait.ge [sflag:s1], $0x80  }
0x1d6: {  	[sflag:s1] =	ssyncset.done $0x0  }
0x1d7: {  	s2 =	simm.s32 $0x680;
	[sflag:s1] =	ssyncadd.s32 $0xFFFFFF80  }
0x1d8: {  	s4 =	simm.s32 $0x80;
	s19 =	simm.s32 $0x200;
	[bflag:$0x0] =	sbarrier.arrive $0xFFFF  }
0x1d9: {  	[spmem:s22] =	stream.indirect.scatter.add.f32 [tilespmem:s2], [sflag:$0x7], $0x1, s19, s4, $0xb8;
	[tilespmem:$0x19880] =	vst v63  }
0x1da: {  	_ =	swait.ge [sflag:s1], $0x80  }
0x1db: {  	[sflag:s1] =	ssyncset.done $0x0  }
0x1dc: {  	[sflag:s1] =	ssyncadd.s32 $0xFFFFFF80  }
0x1dd: {  	[spmem:s22] =	stream.indirect.scatter.add.f32 [tilespmem:s2], [sflag:$0x7], $0x1, s25, s4, $0xb8;
	[tilespmem:$0x19880] =	vst v63  }
0x1de: {  	_ =	swait.ge [sflag:s1], $0x80  }
0x1df: {  	[sflag:s1] =	ssyncset.done $0x0  }
0x1e0: {  	s25 =	simm.s32 $0x300;
	[sflag:s1] =	ssyncadd.s32 $0xFFFFFF80  }
0x1e1: {  	[spmem:s22] =	stream.indirect.scatter.add.f32 [tilespmem:s2], [sflag:$0x7], $0x1, s25, s4, $0xb8;
	[tilespmem:$0x19880] =	vst v63  }
0x1e2: {  	_ =	swait.ge [sflag:s1], $0x80  }
0x1e3: {  	[sflag:s1] =	ssyncset.done $0x0  }
0x1e4: {  	s25 =	simm.s32 $0x380;
	[sflag:s1] =	ssyncadd.s32 $0xFFFFFF80  }
0x1e5: {  	[spmem:s22] =	stream.indirect.scatter.add.f32 [tilespmem:s2], [sflag:$0x7], $0x1, s25, s4, $0xb8;
	[tilespmem:$0x19880] =	vst v63  }
0x1e6: {  	_ =	swait.ge [sflag:s1], $0x80  }
0x1e7: {  	[sflag:s1] =	ssyncset.done $0x0  }
0x1e8: {  	s22 =	simm.s32 $0x28;
	[sflag:s1] =	ssyncadd.s32 $0xFFFFFF80  }
0x1e9: {  	v6 =	vimm.f32 $0.0e+00;
	s4 =	simm.s32 $0x410;
	s25 =	simm.s32 $0x0;
	s1 =	rddreg [dreg:$0x1]  }
.LBB2_2:
0x1ea: {  	_ =	swait.ge [sflag:s28], $0x8000  }
0x1eb: {  	[sflag:s28] =	ssyncset.done $0x0;
	s2 =	rddreg [dreg:$0x7]  }
0x1ec: {  	[sflag:s28] =	ssyncadd.s32 $0xFFFF8000;
	s2 =	sadd.s32 s25, s2  }
0x1ed: {  	[hbm4b:s2+s3] =	stream.linear.scatter [tilespmem:s0], [sflag:$0x4], $0x8000, $0x38;
	[tilespmem:$0x19880] =	vst v63  }
0x1ee: {  	v7 =	vld [tilespmem:s4+$0xFFFFFFF0];
	_ =	sdelay $0x4  }
0x1ef: {  	v8 =	vshll.u32 v7, $0x3  }
0x1f0: {  	v7 =	vand.u32 $0x7F, v7;
	v8 =	vand.u32 $0xFFFFFC00, v8  }
0x1f1: {  	v7 =	vor.u32 v8, v7  }
0x1f2: {  	v7 =	vor.u32 v5, v7;
	_ =	sdelay $0x4  }
0x1f3: {  	v7 =	vld.idx.msk [tilespmem:v7+s0+$0x0], $0xffff;
	_ =	swait.ge [sflag:s30], $0x8000  }
0x1f4: {  	[sflag:s30] =	ssyncset.done $0x0  }
0x1f5: {  	s19 =	sadd.s32 $0x1000, s2;
	[sflag:s30] =	ssyncadd.s32 $0xFFFF8000  }
0x1f6: {  	[hbm4b:s19+s3] =	stream.linear.scatter [tilespmem:s23], [sflag:$0x5], $0x8000, $0x38;
	[tilespmem:$0x19880] =	vst v63  }
0x1f7: {  	v8 =	vld [tilespmem:s4+$0xFFFFFFF8];
	_ =	sdelay $0x4  }
0x1f8: {  	v9 =	vshll.u32 v8, $0x3  }
0x1f9: {  	v8 =	vand.u32 $0x7F, v8;
	v9 =	vand.u32 $0xFFFFFC00, v9  }
0x1fa: {  	v8 =	vor.u32 v9, v8  }
0x1fb: {  	v8 =	vor.u32 v5, v8;
	_ =	sdelay $0x4  }
0x1fc: {  	v8 =	vld.idx.msk [tilespmem:v8+s23+$0x0], $0xffff;
	_ =	swait.ge [sflag:s31], $0x8000  }
0x1fd: {  	[sflag:s31] =	ssyncset.done $0x0  }
0x1fe: {  	s2 =	sadd.s32 $0x2000, s2;
	[sflag:s31] =	ssyncadd.s32 $0xFFFF8000  }
0x1ff: {  	[hbm4b:s2+s3] =	stream.linear.scatter [tilespmem:s24], [sflag:$0x6], $0x8000, $0x38;
	[tilespmem:$0x19880] =	vst v63  }
0x200: {  	v62 =	vld [tilespmem:s4+$0x0];
	_ =	sdelay $0x4  }
0x201: {  	v10 =	vshll.u32 v62, $0x3  }
0x202: {  	v9 =	vand.u32 $0x7F, v62;
	v10 =	vand.u32 $0xFFFFFC00, v10  }
0x203: {  	v9 =	vor.u32 v10, v9  }
0x204: {  	v9 =	vor.u32 v5, v9;
	_ =	sdelay $0x4  }
0x205: {  	v9 =	vld.idx.msk [tilespmem:v9+s24+$0x0], $0xffff;
	_ =	swait.ge [sflag:s29], $0x8000  }
0x206: {  	[sflag:s29] =	ssyncset.done $0x0  }
0x207: {  	[sflag:s29] =	ssyncadd.s32 $0xFFFF8000  }
0x208: {  	v63 =	vld.msk [tilespmem:s22+$0xFFFFFFF0], $0xff;
	_ =	sdelay $0x4  }
0x209: {  	v11 =	vshll.u32 v63, $0x5  }
0x20a: {  	v10 =	vand.u32 $0x7, v63;
	v11 =	vand.u32 $0xFFFFFF00, v11  }
0x20b: {  	v10 =	vor.u32 v10, v11  }
0x20c: {  	v10 =	vperm.xlane v10, v1;
	_ =	sdelay $0x1  }
0x20d: {  	v10 =	vadd.s32 v2, v10;
	_ =	sdelay $0x4  }
0x20e: {  	[tilespmem:s0], [sflag:$0x1] =	stream.indirect_vreg.gather [hbm4b:s1+s3], $0x80, v10, vm0, $0xb8;
	[tilespmem:$0x19880] =	vst v63  }
0x20f: {  	s19 =	simm.s32 $0x1F00  }
0x210: {  	[tilespmem:s19], [sflag:$0x1] =	stream.indirect_vreg.gather [hbm4b:s6+s3], $0x80, v10, vm0, $0xb8;
	[tilespmem:$0x19880] =	vst v63  }
0x211: {  	s19 =	simm.s32 $0x2700  }
0x212: {  	[tilespmem:s19], [sflag:$0x1] =	stream.indirect_vreg.gather [hbm4b:s7+s3], $0x80, v10, vm0, $0xb8;
	[tilespmem:$0x19880] =	vst v63  }
0x213: {  	s19 =	simm.s32 $0x2F00  }
0x214: {  	[tilespmem:s19], [sflag:$0x1] =	stream.indirect_vreg.gather [hbm4b:s8+s3], $0x80, v10, vm0, $0xb8;
	[tilespmem:$0x19880] =	vst v63  }
0x215: {  	s19 =	simm.s32 $0x3700  }
0x216: {  	[tilespmem:s19], [sflag:$0x1] =	stream.indirect_vreg.gather [hbm4b:s9+s3], $0x80, v10, vm0, $0xb8;
	[tilespmem:$0x19880] =	vst v63  }
0x217: {  	s19 =	simm.s32 $0x3F00  }
0x218: {  	[tilespmem:s19], [sflag:$0x1] =	stream.indirect_vreg.gather [hbm4b:s10+s3], $0x80, v10, vm0, $0xb8;
	[tilespmem:$0x19880] =	vst v63  }
0x219: {  	s19 =	simm.s32 $0x4700  }
0x21a: {  	[tilespmem:s19], [sflag:$0x1] =	stream.indirect_vreg.gather [hbm4b:s11+s3], $0x80, v10, vm0, $0xb8;
	[tilespmem:$0x19880] =	vst v63  }
0x21b: {  	s19 =	simm.s32 $0x4F00  }
0x21c: {  	[tilespmem:s19], [sflag:$0x1] =	stream.indirect_vreg.gather [hbm4b:s12+s3], $0x80, v10, vm0, $0xb8;
	[tilespmem:$0x19880] =	vst v63  }
0x21d: {  	s19 =	simm.s32 $0x5700  }
0x21e: {  	[tilespmem:s19], [sflag:$0x1] =	stream.indirect_vreg.gather [hbm4b:s13+s3], $0x80, v10, vm0, $0xb8;
	[tilespmem:$0x19880] =	vst v63  }
0x21f: {  	s19 =	simm.s32 $0x5F00  }
0x220: {  	[tilespmem:s19], [sflag:$0x1] =	stream.indirect_vreg.gather [hbm4b:s14+s3], $0x80, v10, vm0, $0xb8;
	[tilespmem:$0x19880] =	vst v63  }
0x221: {  	s19 =	simm.s32 $0x6700  }
0x222: {  	[tilespmem:s19], [sflag:$0x1] =	stream.indirect_vreg.gather [hbm4b:s15+s3], $0x80, v10, vm0, $0xb8;
	[tilespmem:$0x19880] =	vst v63  }
0x223: {  	s19 =	simm.s32 $0x6F00  }
0x224: {  	[tilespmem:s19], [sflag:$0x1] =	stream.indirect_vreg.gather [hbm4b:s16+s3], $0x80, v10, vm0, $0xb8;
	[tilespmem:$0x19880] =	vst v63  }
0x225: {  	s19 =	simm.s32 $0x7700  }
0x226: {  	[tilespmem:s19], [sflag:$0x1] =	stream.indirect_vreg.gather [hbm4b:s17+s3], $0x80, v10, vm0, $0xb8;
	[tilespmem:$0x19880] =	vst v63  }
0x227: {  	p1 =	seq.s32 s25, $0x3C000;
	s19 =	simm.s32 $0x7F00  }
0x228: {  	v7 =	vnsel vm1, $0x0, v7;
	[tilespmem:s19], [sflag:$0x1] =	stream.indirect_vreg.gather [hbm4b:s18+s3], $0x80, v10, vm0, $0xb8;
	[tilespmem:$0x19880] =	vst v63  }
.Ltmp2:
0x229: {  	v6 =	vadd.f32 v7, v6;
	(pc) =	sbr.rel @p1 .LBB2_4-.Ltmp2, $4  }
0x22a: {  	v7 =	vnsel vm1, $0x0, v8;
	s19 =	simm.s32 $0x8700  }
0x22b: {  	v6 =	vadd.f32 v7, v6;
	[tilespmem:s19], [sflag:$0x1] =	stream.indirect_vreg.gather [hbm4b:s20+s3], $0x80, v10, vm0, $0xb8;
	[tilespmem:$0x19880] =	vst v63  }
0x22c: {  	v7 =	vnsel vm1, $0x0, v9;
	s19 =	simm.s32 $0x8F00  }
0x22d: {  	v6 =	vadd.f32 v7, v6;
	[tilespmem:s19], [sflag:$0x1] =	stream.indirect_vreg.gather [hbm4b:s21+s3], $0x80, v10, vm0, $0xb8;
	[tilespmem:$0x19880] =	vst v63  }
0x22e: {  	_ =	swait.ge [sflag:s5], $0x8000  }
0x22f: {  	[sflag:s5] =	ssyncset.done $0x0  }
0x230: {  	[sflag:s5] =	ssyncadd.s32 $0xFFFF8000  }
0x231: {  	v7 =	vld.msk [tilespmem:s22+$0xFFFFFFF8], $0xff;
	_ =	sdelay $0x4  }
0x232: {  	v8 =	vshll.u32 v7, $0x5  }
0x233: {  	v7 =	vand.u32 $0x7, v7;
	v8 =	vand.u32 $0xFFFFFF00, v8  }
0x234: {  	v7 =	vor.u32 v7, v8  }
0x235: {  	v7 =	vperm.xlane v7, v1;
	_ =	sdelay $0x1  }
0x236: {  	v7 =	vadd.s32 v2, v7;
	_ =	sdelay $0x4  }
0x237: {  	[tilespmem:s23], [sflag:$0x2] =	stream.indirect_vreg.gather [hbm4b:s1+s3], $0x80, v7, vm0, $0xb8;
	[tilespmem:$0x19880] =	vst v63  }
0x238: {  	s2 =	simm.s32 $0x9F00  }
0x239: {  	[tilespmem:s2], [sflag:$0x2] =	stream.indirect_vreg.gather [hbm4b:s6+s3], $0x80, v7, vm0, $0xb8;
	[tilespmem:$0x19880] =	vst v63  }
0x23a: {  	s19 =	simm.s32 $0xA700  }
0x23b: {  	[tilespmem:s19], [sflag:$0x2] =	stream.indirect_vreg.gather [hbm4b:s7+s3], $0x80, v7, vm0, $0xb8;
	[tilespmem:$0x19880] =	vst v63  }
0x23c: {  	s19 =	simm.s32 $0xAF00  }
0x23d: {  	[tilespmem:s19], [sflag:$0x2] =	stream.indirect_vreg.gather [hbm4b:s8+s3], $0x80, v7, vm0, $0xb8;
	[tilespmem:$0x19880] =	vst v63  }
0x23e: {  	s19 =	simm.s32 $0xB700  }
0x23f: {  	[tilespmem:s19], [sflag:$0x2] =	stream.indirect_vreg.gather [hbm4b:s9+s3], $0x80, v7, vm0, $0xb8;
	[tilespmem:$0x19880] =	vst v63  }
0x240: {  	s19 =	simm.s32 $0xBF00  }
0x241: {  	[tilespmem:s19], [sflag:$0x2] =	stream.indirect_vreg.gather [hbm4b:s10+s3], $0x80, v7, vm0, $0xb8;
	[tilespmem:$0x19880] =	vst v63  }
0x242: {  	s19 =	simm.s32 $0xC700  }
0x243: {  	[tilespmem:s19], [sflag:$0x2] =	stream.indirect_vreg.gather [hbm4b:s11+s3], $0x80, v7, vm0, $0xb8;
	[tilespmem:$0x19880] =	vst v63  }
0x244: {  	s19 =	simm.s32 $0xCF00  }
0x245: {  	[tilespmem:s19], [sflag:$0x2] =	stream.indirect_vreg.gather [hbm4b:s12+s3], $0x80, v7, vm0, $0xb8;
	[tilespmem:$0x19880] =	vst v63  }
0x246: {  	s19 =	simm.s32 $0xD700  }
0x247: {  	[tilespmem:s19], [sflag:$0x2] =	stream.indirect_vreg.gather [hbm4b:s13+s3], $0x80, v7, vm0, $0xb8;
	[tilespmem:$0x19880] =	vst v63  }
0x248: {  	s19 =	simm.s32 $0xDF00  }
0x249: {  	[tilespmem:s19], [sflag:$0x2] =	stream.indirect_vreg.gather [hbm4b:s14+s3], $0x80, v7, vm0, $0xb8;
	[tilespmem:$0x19880] =	vst v63  }
0x24a: {  	s19 =	simm.s32 $0xE700  }
0x24b: {  	[tilespmem:s19], [sflag:$0x2] =	stream.indirect_vreg.gather [hbm4b:s15+s3], $0x80, v7, vm0, $0xb8;
	[tilespmem:$0x19880] =	vst v63  }
0x24c: {  	s19 =	simm.s32 $0xEF00  }
0x24d: {  	[tilespmem:s19], [sflag:$0x2] =	stream.indirect_vreg.gather [hbm4b:s16+s3], $0x80, v7, vm0, $0xb8;
	[tilespmem:$0x19880] =	vst v63  }
0x24e: {  	s19 =	simm.s32 $0xF700  }
0x24f: {  	[tilespmem:s19], [sflag:$0x2] =	stream.indirect_vreg.gather [hbm4b:s17+s3], $0x80, v7, vm0, $0xb8;
	[tilespmem:$0x19880] =	vst v63  }
0x250: {  	s19 =	simm.s32 $0xFF00  }
0x251: {  	[tilespmem:s19], [sflag:$0x2] =	stream.indirect_vreg.gather [hbm4b:s18+s3], $0x80, v7, vm0, $0xb8;
	[tilespmem:$0x19880] =	vst v63  }
0x252: {  	s19 =	simm.s32 $0x10700  }
0x253: {  	[tilespmem:s19], [sflag:$0x2] =	stream.indirect_vreg.gather [hbm4b:s20+s3], $0x80, v7, vm0, $0xb8;
	[tilespmem:$0x19880] =	vst v63  }
0x254: {  	s19 =	simm.s32 $0x10F00  }
0x255: {  	[tilespmem:s19], [sflag:$0x2] =	stream.indirect_vreg.gather [hbm4b:s21+s3], $0x80, v7, vm0, $0xb8;
	[tilespmem:$0x19880] =	vst v63  }
0x256: {  	_ =	swait.ge [sflag:s26], $0x8000  }
0x257: {  	[sflag:s26] =	ssyncset.done $0x0  }
0x258: {  	[sflag:s26] =	ssyncadd.s32 $0xFFFF8000  }
0x259: {  	v7 =	vld.msk [tilespmem:s22+$0x0], $0xff;
	_ =	sdelay $0x4  }
0x25a: {  	v8 =	vshll.u32 v7, $0x5  }
0x25b: {  	v7 =	vand.u32 $0x7, v7;
	v8 =	vand.u32 $0xFFFFFF00, v8  }
0x25c: {  	v7 =	vor.u32 v7, v8  }
0x25d: {  	v7 =	vperm.xlane v7, v1;
	_ =	sdelay $0x1  }
0x25e: {  	v7 =	vadd.s32 v2, v7;
	_ =	sdelay $0x4  }
0x25f: {  	[tilespmem:s24], [sflag:$0x3] =	stream.indirect_vreg.gather [hbm4b:s1+s3], $0x80, v7, vm0, $0xb8;
	[tilespmem:$0x19880] =	vst v63  }
0x260: {  	s19 =	simm.s32 $0x11F00  }
0x261: {  	[tilespmem:s19], [sflag:$0x3] =	stream.indirect_vreg.gather [hbm4b:s6+s3], $0x80, v7, vm0, $0xb8;
	[tilespmem:$0x19880] =	vst v63  }
0x262: {  	s19 =	simm.s32 $0x12700  }
0x263: {  	[tilespmem:s19], [sflag:$0x3] =	stream.indirect_vreg.gather [hbm4b:s7+s3], $0x80, v7, vm0, $0xb8;
	[tilespmem:$0x19880] =	vst v63  }
0x264: {  	s19 =	simm.s32 $0x12F00  }
0x265: {  	[tilespmem:s19], [sflag:$0x3] =	stream.indirect_vreg.gather [hbm4b:s8+s3], $0x80, v7, vm0, $0xb8;
	[tilespmem:$0x19880] =	vst v63  }
0x266: {  	s19 =	simm.s32 $0x13700  }
0x267: {  	[tilespmem:s19], [sflag:$0x3] =	stream.indirect_vreg.gather [hbm4b:s9+s3], $0x80, v7, vm0, $0xb8;
	[tilespmem:$0x19880] =	vst v63  }
0x268: {  	s19 =	simm.s32 $0x13F00  }
0x269: {  	[tilespmem:s19], [sflag:$0x3] =	stream.indirect_vreg.gather [hbm4b:s10+s3], $0x80, v7, vm0, $0xb8;
	[tilespmem:$0x19880] =	vst v63  }
0x26a: {  	s19 =	simm.s32 $0x14700  }
0x26b: {  	[tilespmem:s19], [sflag:$0x3] =	stream.indirect_vreg.gather [hbm4b:s11+s3], $0x80, v7, vm0, $0xb8;
	[tilespmem:$0x19880] =	vst v63  }
0x26c: {  	s19 =	simm.s32 $0x14F00  }
0x26d: {  	[tilespmem:s19], [sflag:$0x3] =	stream.indirect_vreg.gather [hbm4b:s12+s3], $0x80, v7, vm0, $0xb8;
	[tilespmem:$0x19880] =	vst v63  }
0x26e: {  	s19 =	simm.s32 $0x15700  }
0x26f: {  	[tilespmem:s19], [sflag:$0x3] =	stream.indirect_vreg.gather [hbm4b:s13+s3], $0x80, v7, vm0, $0xb8;
	[tilespmem:$0x19880] =	vst v63  }
0x270: {  	s19 =	simm.s32 $0x15F00  }
0x271: {  	[tilespmem:s19], [sflag:$0x3] =	stream.indirect_vreg.gather [hbm4b:s14+s3], $0x80, v7, vm0, $0xb8;
	[tilespmem:$0x19880] =	vst v63  }
0x272: {  	s19 =	simm.s32 $0x16700  }
0x273: {  	[tilespmem:s19], [sflag:$0x3] =	stream.indirect_vreg.gather [hbm4b:s15+s3], $0x80, v7, vm0, $0xb8;
	[tilespmem:$0x19880] =	vst v63  }
0x274: {  	s19 =	simm.s32 $0x16F00  }
0x275: {  	[tilespmem:s19], [sflag:$0x3] =	stream.indirect_vreg.gather [hbm4b:s16+s3], $0x80, v7, vm0, $0xb8;
	[tilespmem:$0x19880] =	vst v63  }
0x276: {  	s19 =	simm.s32 $0x17700  }
0x277: {  	[tilespmem:s19], [sflag:$0x3] =	stream.indirect_vreg.gather [hbm4b:s17+s3], $0x80, v7, vm0, $0xb8;
	[tilespmem:$0x19880] =	vst v63  }
0x278: {  	s19 =	simm.s32 $0x17F00  }
0x279: {  	[tilespmem:s19], [sflag:$0x3] =	stream.indirect_vreg.gather [hbm4b:s18+s3], $0x80, v7, vm0, $0xb8;
	[tilespmem:$0x19880] =	vst v63  }
.Ltmp3:
0x27a: {  	_ = 	snop;
	(pc) =	sbr.rel .LBB2_2-.Ltmp3, $4  }
0x27b: {  	s25 =	sadd.s32 $0x3000, s25;
	s19 =	simm.s32 $0x18700  }
0x27c: {  	[tilespmem:s19], [sflag:$0x3] =	stream.indirect_vreg.gather [hbm4b:s20+s3], $0x80, v7, vm0, $0xb8;
	[tilespmem:$0x19880] =	vst v63  }
0x27d: {  	s4 =	sadd.s32 $0x18, s4;
	s22 =	sadd.s32 $0x18, s22;
	s19 =	simm.s32 $0x18F00  }
0x27e: {  	[tilespmem:s19], [sflag:$0x3] =	stream.indirect_vreg.gather [hbm4b:s21+s3], $0x80, v7, vm0, $0xb8;
	[tilespmem:$0x19880] =	vst v63  }
.LBB2_5:
0x27f: {  	_ =	sfence.sel $0x180000  }
0x280: {  	[bflag:$0x0] =	sbarrier.arrive $0xFFFF  }
0x281: {  	_ =	strace $0x90000047  }
0x282: {  	[bflag:$0x2] =	sbarrier.arrive $0xFFFF  }
0x283: {  	s0 =	rddreg [dreg:$0x4]  }
0x284: {  	s0 =	sadd.s32 @!p0 $0x100000, s0  }
0x285: {  	[sflag:s0] =	ssyncadd.tile.s32 @!p0 $0x1;
	_ =	shalt  }
.Lfunc_end2:
_tile_overlayer_lowered:
.L_overlay_start_2:
0x286: {  	(tag) =	ssettag $0x2  }
0x287: {  	s0 =	rddreg [dreg:$0x0];
	s2 =	stileid.u32  }
0x288: {  	s1 =	rddreg [dreg:$0x1];
	p0 =	sne.s32 s2, $0x0  }
0x289: {  	s3 =	rddreg [dreg:$0x2];
	[bflag:$0x3] =	sbarrier.arrive $0xFFFF;
	s2 =	simm.s32 @!p0 $0x1C07  }
0x28a: {  	[timem:s3], [sflag:s2] =	dma.local @!p0 [hbm:s0], s1  }
0x28b: {  	s0 =	simm.s32 @!p0 $0x7  }
0x28c: {  	_ =	swait.ge @!p0 [sflag:s0], s1  }
0x28d: {  	s1 =	ssub.s32 @!p0 $0x0, s1;
	[sflag:s0] =	ssyncset.done @!p0 $0x0  }
0x28e: {  	[sflag:s0] =	ssyncadd.s32 @!p0 s1  }
0x28f: {  	[bflag:$0x3] =	sbarrier.arrive $0xFFFF  }
0x290: {  	_ =	shalt  }

</sc_bundles>
